<compile_context>
chip_gen: v7x
topology: tpu7x:2x2x1
jax: 0.10.2.dev20260603
libtpu: 0.0.44.dev20260713+nightly
codegen_flags: <defaults>
</compile_context>

<pallas_src>
import jax
import jax.numpy as jnp
from jax import lax
from jax.experimental import pallas as pl
from jax.experimental.pallas import tpu as pltpu
from jax.experimental.pallas import tpu_sc as plsc

EPS_BN = 1e-5
N = 10000
E = 160000
D = 256
QW = 64
NQ = 4
NT = 16
NC = 2
NP = 2
ET = 10240
EPAD = NT * ET
CK = 128
NCH = ET // CK
NPAD = 10112
ZR = NPAD // NT
BN = 400
NB = N // BN


def _tables_body(x_ref, wt_ref, t_ref, s_ref):
    xb = x_ref[...]
    for t in range(4):
        m = jnp.maximum(xb + wt_ref[t], 0.0)
        for q in range(NQ):
            t_ref[q, t] = m[:, q * QW:(q + 1) * QW]
    s_ref[...] = jnp.maximum(xb + wt_ref[4], 0.0)


def _build_tables(x, w_type):
    return pl.pallas_call(
        _tables_body,
        grid=(NB,),
        in_specs=[
            pl.BlockSpec((BN, D), lambda i: (i, 0)),
            pl.BlockSpec((8, D), lambda i: (0, 0)),
        ],
        out_specs=[
            pl.BlockSpec((NQ, 4, BN, QW), lambda i: (0, 0, i, 0)),
            pl.BlockSpec((BN, D), lambda i: (i, 0)),
        ],
        out_shape=[
            jax.ShapeDtypeStruct((NQ, 4, N, QW), jnp.float32),
            jax.ShapeDtypeStruct((N, D), jnp.float32),
        ],
    )(x, w_type)


def _sc_body(t_hbm, src_hbm, attr_hbm, dst_hbm, zeros_hbm, out_hbm,
             gidx_v, attr_v, dst_v, buf0, buf1, buf2, buf3, aggr_s,
             sem0, sem1, sem2, sem3):
    cid = lax.axis_index("c")
    sid = lax.axis_index("s")

    pltpu.sync_copy(src_hbm.at[sid], gidx_v)
    pltpu.sync_copy(attr_hbm.at[sid], attr_v)
    pltpu.sync_copy(dst_hbm.at[sid], dst_v)

    base = cid * (4 * N)

    def idx_body(i, _):
        c = i * 16
        s16 = gidx_v[pl.ds(c, 16)]
        a16 = attr_v[pl.ds(c, 16)]
        gidx_v[pl.ds(c, 16)] = a16 * N + s16 + base
        return 0

    def bump_body(i, _):
        c = i * 16
        gidx_v[pl.ds(c, 16)] = gidx_v[pl.ds(c, 16)] + 2 * (4 * N)
        return 0

    lax.fori_loop(0, ET // 16, idx_body, 0)

    def gather(j, buf, sem):
        pltpu.async_copy(t_hbm.at[gidx_v.at[pl.ds(CK * j, CK)]], buf, sem)

    def wait(buf, sem):
        pltpu.make_async_copy(t_hbm.at[gidx_v.at[pl.ds(0, CK)]], buf,
                              sem).wait()

    def scat(j, buf):
        pltpu.sync_copy(buf, aggr_s.at[dst_v.at[pl.ds(CK * j, CK)]],
                        add=True)

    for p in range(NP):
        if p > 0:
            lax.fori_loop(0, ET // 16, bump_body, 0)

        pltpu.sync_copy(zeros_hbm, aggr_s.at[pl.ds(sid * ZR, ZR)])
        plsc.subcore_barrier()

        bufs = (buf0, buf1, buf2, buf3)
        sems = (sem0, sem1, sem2, sem3)
        for k in range(4):
            gather(k, bufs[k], sems[k])

        def loop_body(i, _):
            j = 4 * i
            for k in range(4):
                wait(bufs[k], sems[k])
                scat(j + k, bufs[k])
                gather(j + k + 4, bufs[k], sems[k])
            return 0

        lax.fori_loop(0, NCH // 4 - 1, loop_body, 0)
        for k in range(4):
            wait(bufs[k], sems[k])
            scat(NCH - 4 + k, bufs[k])

        plsc.subcore_barrier()
        q = 2 * p + cid
        pltpu.sync_copy(aggr_s.at[pl.ds(sid * ZR, ZR)],
                        out_hbm.at[pl.ds(q * NPAD + sid * ZR, ZR)])


def _sc_aggregate(table, src3, attr3, dst3, zeros):
    mesh = plsc.VectorSubcoreMesh(core_axis_name="c", subcore_axis_name="s")
    call = pl.kernel(
        _sc_body,
        out_type=jax.ShapeDtypeStruct((NQ * NPAD, QW), jnp.float32),
        mesh=mesh,
        compiler_params=pltpu.CompilerParams(use_tc_tiling_on_sc=False),
        scratch_types=[
            pltpu.VMEM((ET,), jnp.int32),
            pltpu.VMEM((ET,), jnp.int32),
            pltpu.VMEM((ET,), jnp.int32),
            pltpu.VMEM((CK, QW), jnp.float32),
            pltpu.VMEM((CK, QW), jnp.float32),
            pltpu.VMEM((CK, QW), jnp.float32),
            pltpu.VMEM((CK, QW), jnp.float32),
            pltpu.VMEM_SHARED((NPAD, QW), jnp.float32),
            pltpu.SemaphoreType.DMA,
            pltpu.SemaphoreType.DMA,
            pltpu.SemaphoreType.DMA,
            pltpu.SemaphoreType.DMA,
        ],
    )
    out = call(table.reshape(NQ * 4 * N, QW), src3, attr3, dst3, zeros)
    return out.reshape(NQ, NPAD, QW)


def _prep_edges(edge_index, edge_attr):
    src = edge_index[0]
    dst = edge_index[1]
    a0 = edge_attr[:, 0]
    pad = EPAD - E
    src = jnp.concatenate([src, jnp.zeros((pad,), src.dtype)])
    a0 = jnp.concatenate([a0, jnp.zeros((pad,), a0.dtype)])
    dst = jnp.concatenate([dst, jnp.full((pad,), N, dst.dtype)])
    return (src.reshape(NT, ET), a0.reshape(NT, ET), dst.reshape(NT, ET))


def _mlp_body(agg_ref, s_ref, w1_ref, b1_ref, w2_ref, b2_ref, h_ref, st_ref):
    a = jnp.concatenate([agg_ref[q] for q in range(NQ)], axis=1) + s_ref[...]
    z = lax.dot_general(a, w1_ref[...], (((1,), (1,)), ((), ())),
                        preferred_element_type=jnp.float32) + b1_ref[...]
    z = jnp.maximum(z, 0.0)
    h = lax.dot_general(z, w2_ref[...], (((1,), (1,)), ((), ())),
                        preferred_element_type=jnp.float32) + b2_ref[...]
    h_ref[...] = h
    su = jnp.sum(h, axis=0, keepdims=True)
    sq = jnp.sum(h * h, axis=0, keepdims=True)
    part = jnp.concatenate([su, sq, jnp.zeros((6, D), jnp.float32)], axis=0)

    @pl.when(pl.program_id(0) == 0)
    def _():
        st_ref[...] = part

    @pl.when(pl.program_id(0) > 0)
    def _():
        st_ref[...] = st_ref[...] + part


def _mlp(agg, s, w1, b1, w2, b2):
    return pl.pallas_call(
        _mlp_body,
        grid=(NB,),
        in_specs=[
            pl.BlockSpec((NQ, BN, QW), lambda i: (0, i, 0)),
            pl.BlockSpec((BN, D), lambda i: (i, 0)),
            pl.BlockSpec((2 * D, D), lambda i: (0, 0)),
            pl.BlockSpec((1, 2 * D), lambda i: (0, 0)),
            pl.BlockSpec((D, 2 * D), lambda i: (0, 0)),
            pl.BlockSpec((1, D), lambda i: (0, 0)),
        ],
        out_specs=[
            pl.BlockSpec((BN, D), lambda i: (i, 0)),
            pl.BlockSpec((8, D), lambda i: (0, 0)),
        ],
        out_shape=[
            jax.ShapeDtypeStruct((N, D), jnp.float32),
            jax.ShapeDtypeStruct((8, D), jnp.float32),
        ],
    )(agg, s, w1, b1, w2, b2)


def _norm_body(h_ref, st_ref, g_ref, bt_ref, o_ref):
    mean = st_ref[0:1, :] * (1.0 / N)
    msq = st_ref[1:2, :] * (1.0 / N)
    var = msq - mean * mean
    inv = lax.rsqrt(var + EPS_BN)
    o_ref[...] = jnp.maximum(
        (h_ref[...] - mean) * inv * g_ref[...] + bt_ref[...], 0.0)


def _norm(h, st, gamma, beta):
    return pl.pallas_call(
        _norm_body,
        grid=(NB,),
        in_specs=[
            pl.BlockSpec((BN, D), lambda i: (i, 0)),
            pl.BlockSpec((8, D), lambda i: (0, 0)),
            pl.BlockSpec((1, D), lambda i: (0, 0)),
            pl.BlockSpec((1, D), lambda i: (0, 0)),
        ],
        out_specs=pl.BlockSpec((BN, D), lambda i: (i, 0)),
        out_shape=jax.ShapeDtypeStruct((N, D), jnp.float32),
    )(h, st, gamma, beta)


def _graph(x, edge_index, edge_attr, w_type, w1, b1, w2, b2, gamma, beta,
           zeros):
    table, s = _build_tables(x, w_type)
    src3, attr3, dst3 = _prep_edges(edge_index, edge_attr)
    agg = _sc_aggregate(table, src3, attr3, dst3, zeros)
    h, st = _mlp(agg, s, w1, b1.reshape(1, 2 * D), w2, b2.reshape(1, D))
    return _norm(h, st, gamma.reshape(1, D), beta.reshape(1, D))


def kernel(xA, edge_indexA, edge_attrA, xB, edge_indexB, edge_attrB,
           W_type, W1, b1, W2, b2, gamma, beta):
    zeros = jnp.zeros((ZR, QW), jnp.float32)
    outA = _graph(xA, edge_indexA, edge_attrA, W_type, W1, b1, W2, b2,
                  gamma, beta, zeros)
    outB = _graph(xB, edge_indexB, edge_attrB, W_type, W1, b1, W2, b2,
                  gamma, beta, zeros)
    return (outA, outB)

# --- scband reference (transcript-rebuilt; emitter-appended) ---
"""Pipeline reference for scband-layers-13254269076105 (READ-ONLY COPY).

The authoritative reference and input builder live on the scoring server;
editing this copy changes nothing except your own understanding.
"""

import jax, jax.numpy as jnp
import numpy as np

EPS = 1e-5

def setup_inputs(seed: int = 0) -> dict:
    key = jax.random.key(seed)
    ks = jax.random.split(key, 16)
    N = 10000
    E = 160000
    D = 256
    xA = jax.random.normal(ks[0], (N, D), dtype=jnp.float32)
    edge_indexA = jax.random.randint(ks[1], (2, E), 0, N)
    edge_attrA = jax.random.randint(ks[2], (E, 2), 0, 4)
    xB = jax.random.normal(ks[3], (N, D), dtype=jnp.float32)
    edge_indexB = jax.random.randint(ks[4], (2, E), 0, N)
    edge_attrB = jax.random.randint(ks[5], (E, 2), 0, 4)
    # parameters (edge_embed_dir exists in the module but is unused in forward)
    W_type = jax.random.normal(ks[6], (8, D), dtype=jnp.float32) * (6.0 / (8 + D)) ** 0.5
    W1 = jax.random.normal(ks[7], (2 * D, D), dtype=jnp.float32) * (1.0 / D) ** 0.5
    b1 = jnp.zeros((2 * D,), dtype=jnp.float32)
    W2 = jax.random.normal(ks[8], (D, 2 * D), dtype=jnp.float32) * (1.0 / (2 * D)) ** 0.5
    b2 = jnp.zeros((D,), dtype=jnp.float32)
    gamma = jnp.ones((D,), dtype=jnp.float32)
    beta = jnp.zeros((D,), dtype=jnp.float32)
    return {"xA": xA, "edge_indexA": edge_indexA, "edge_attrA": edge_attrA,
            "xB": xB, "edge_indexB": edge_indexB, "edge_attrB": edge_attrB,
            "W_type": W_type, "W1": W1, "b1": b1, "W2": W2, "b2": b2,
            "gamma": gamma, "beta": beta}

def _process_graph(x, edge_index, edge_attr, W_type, W1, b1, W2, b2, gamma, beta):
    N = x.shape[0]
    # add_self_loops
    loops = jnp.arange(N, dtype=edge_index.dtype)
    ei = jnp.concatenate([edge_index, jnp.stack([loops, loops], axis=0)], axis=1)
    self_loop_attr = jnp.zeros((N, 2), dtype=edge_attr.dtype).at[:, 0].set(4)
    ea = jnp.concatenate([edge_attr, self_loop_attr], axis=0)
    # edge type embedding lookup
    edge_emb = jnp.take(W_type, ea[:, 0], axis=0)
    # message: relu(x_j + edge_attr), source_to_target flow: x_j = x[ei[0]], aggregate at ei[1]
    msg = jax.nn.relu(jnp.take(x, ei[0], axis=0) + edge_emb)
    aggr = jax.ops.segment_sum(msg, ei[1], num_segments=N)
    # update: node_mlp
    h = jax.nn.relu(aggr @ W1.T + b1) @ W2.T + b2
    # BatchNorm1d (training mode: batch stats, biased variance)
    mean = jnp.mean(h, axis=0)
    var = jnp.var(h, axis=0)
    h = (h - mean) / jnp.sqrt(var + EPS) * gamma + beta
    return jax.nn.relu(h)

def reference(xA, edge_indexA, edge_attrA, xB, edge_indexB, edge_attrB, W_type, W1, b1, W2, b2, gamma, beta):
    outA = _process_graph(xA, edge_indexA, edge_attrA, W_type, W1, b1, W2, b2, gamma, beta)
    outB = _process_graph(xB, edge_indexB, edge_attrB, W_type, W1, b1, W2, b2, gamma, beta)
    return (outA, outB)

if __name__ == "__main__":
    import jax
    _d = setup_inputs()
    print(jax.jit(kernel)(*tuple(_d.values())))

</pallas_src>

<mosaic_0001>
#map = affine_map<(d0, d1) -> (0, 0)>
module attributes {stable_mosaic.version = 14 : i64} {
  func.func @_sc_body(%arg0: i32, %arg1: i32, %arg2: memref<160000x64xf32, #tpu.memory_space<hbm>>, %arg3: memref<16x10240xi32, #tpu.memory_space<hbm>>, %arg4: memref<16x10240xi32, #tpu.memory_space<hbm>>, %arg5: memref<16x10240xi32, #tpu.memory_space<hbm>>, %arg6: memref<632x64xf32, #tpu.memory_space<hbm>>, %arg7: memref<40448x64xf32, #tpu.memory_space<hbm>>, %arg8: memref<10240xi32, #tpu.memory_space<vmem>>, %arg9: memref<10240xi32, #tpu.memory_space<vmem>>, %arg10: memref<10240xi32, #tpu.memory_space<vmem>>, %arg11: memref<128x64xf32, #tpu.memory_space<vmem>>, %arg12: memref<128x64xf32, #tpu.memory_space<vmem>>, %arg13: memref<128x64xf32, #tpu.memory_space<vmem>>, %arg14: memref<128x64xf32, #tpu.memory_space<vmem>>, %arg15: memref<10112x64xf32, #tpu.memory_space<vmem_shared>>, %arg16: memref<!tpu.dma_semaphore, #tpu.memory_space<semaphore_mem>>, %arg17: memref<!tpu.dma_semaphore, #tpu.memory_space<semaphore_mem>>, %arg18: memref<!tpu.dma_semaphore, #tpu.memory_space<semaphore_mem>>, %arg19: memref<!tpu.dma_semaphore, #tpu.memory_space<semaphore_mem>>) attributes {dimension_semantics = [#tpu.dimension_semantics<core_parallel>, #tpu.dimension_semantics<subcore_parallel>], iteration_bounds = array<i64: 2, 16>, scalar_prefetch = 0 : i64, scratch_operands = 12 : i64, tpu.core_type = #tpu.core_type<sc_vector_subcore>, window_params = [{transform_indices = #map}, {transform_indices = #map}, {transform_indices = #map}, {transform_indices = #map}, {transform_indices = #map}, {transform_indices = #map}]} {
    "tpu.region"() ({
      %run_scoped3A = tpu.sem_alloc : memref<!tpu.dma_semaphore, #tpu.memory_space<semaphore_mem>>
      %dma_start3A_130 = arith.constant 0 : i32
      %dma_start3A_131 = tpu.memref_slice %arg3[%arg1, %dma_start3A_130] : memref<16x10240xi32, #tpu.memory_space<hbm>> -> memref<1x10240xi32, #tpu.memory_space<hbm>>
      %dma_start3A_132 = tpu.memref_squeeze %dma_start3A_131 : memref<1x10240xi32, #tpu.memory_space<hbm>> -> memref<10240xi32, #tpu.memory_space<hbm>>
      %dma_start3A_133 = arith.constant 0 : i32
      %dma_start3A_134 = tpu.memref_slice %arg3[%arg1, %dma_start3A_133] : memref<16x10240xi32, #tpu.memory_space<hbm>> -> memref<1x10240xi32, #tpu.memory_space<hbm>>
      %dma_start3A_135 = tpu.memref_squeeze %dma_start3A_134 : memref<1x10240xi32, #tpu.memory_space<hbm>> -> memref<10240xi32, #tpu.memory_space<hbm>>
      tpu.enqueue_dma source(%dma_start3A_135 : memref<10240xi32, #tpu.memory_space<hbm>>) target(%arg8 : memref<10240xi32, #tpu.memory_space<vmem>>) target_semaphore(%run_scoped3A : memref<!tpu.dma_semaphore, #tpu.memory_space<semaphore_mem>>)
      %dma_wait3A_136 = arith.constant 0 : i32
      %dma_wait3A_137 = tpu.memref_slice %arg3[%arg1, %dma_wait3A_136] : memref<16x10240xi32, #tpu.memory_space<hbm>> -> memref<1x10240xi32, #tpu.memory_space<hbm>>
      %dma_wait3A_138 = tpu.memref_squeeze %dma_wait3A_137 : memref<1x10240xi32, #tpu.memory_space<hbm>> -> memref<10240xi32, #tpu.memory_space<hbm>>
      %dma_wait3A_139 = arith.constant 0 : i32
      %dma_wait3A_140 = tpu.memref_slice %arg3[%arg1, %dma_wait3A_139] : memref<16x10240xi32, #tpu.memory_space<hbm>> -> memref<1x10240xi32, #tpu.memory_space<hbm>>
      %dma_wait3A_141 = tpu.memref_squeeze %dma_wait3A_140 : memref<1x10240xi32, #tpu.memory_space<hbm>> -> memref<10240xi32, #tpu.memory_space<hbm>>
      tpu.wait_dma2 semaphore(%run_scoped3A : memref<!tpu.dma_semaphore, #tpu.memory_space<semaphore_mem>>) src(%dma_wait3A_141 : memref<10240xi32, #tpu.memory_space<hbm>>) dst(%arg8 : memref<10240xi32, #tpu.memory_space<vmem>>)
      tpu.yield
    }) : () -> ()
    "tpu.region"() ({
      %run_scoped3A = tpu.sem_alloc : memref<!tpu.dma_semaphore, #tpu.memory_space<semaphore_mem>>
      %dma_start3A_130 = arith.constant 0 : i32
      %dma_start3A_131 = tpu.memref_slice %arg4[%arg1, %dma_start3A_130] : memref<16x10240xi32, #tpu.memory_space<hbm>> -> memref<1x10240xi32, #tpu.memory_space<hbm>>
      %dma_start3A_132 = tpu.memref_squeeze %dma_start3A_131 : memref<1x10240xi32, #tpu.memory_space<hbm>> -> memref<10240xi32, #tpu.memory_space<hbm>>
      %dma_start3A_133 = arith.constant 0 : i32
      %dma_start3A_134 = tpu.memref_slice %arg4[%arg1, %dma_start3A_133] : memref<16x10240xi32, #tpu.memory_space<hbm>> -> memref<1x10240xi32, #tpu.memory_space<hbm>>
      %dma_start3A_135 = tpu.memref_squeeze %dma_start3A_134 : memref<1x10240xi32, #tpu.memory_space<hbm>> -> memref<10240xi32, #tpu.memory_space<hbm>>
      tpu.enqueue_dma source(%dma_start3A_135 : memref<10240xi32, #tpu.memory_space<hbm>>) target(%arg9 : memref<10240xi32, #tpu.memory_space<vmem>>) target_semaphore(%run_scoped3A : memref<!tpu.dma_semaphore, #tpu.memory_space<semaphore_mem>>)
      %dma_wait3A_136 = arith.constant 0 : i32
      %dma_wait3A_137 = tpu.memref_slice %arg4[%arg1, %dma_wait3A_136] : memref<16x10240xi32, #tpu.memory_space<hbm>> -> memref<1x10240xi32, #tpu.memory_space<hbm>>
      %dma_wait3A_138 = tpu.memref_squeeze %dma_wait3A_137 : memref<1x10240xi32, #tpu.memory_space<hbm>> -> memref<10240xi32, #tpu.memory_space<hbm>>
      %dma_wait3A_139 = arith.constant 0 : i32
      %dma_wait3A_140 = tpu.memref_slice %arg4[%arg1, %dma_wait3A_139] : memref<16x10240xi32, #tpu.memory_space<hbm>> -> memref<1x10240xi32, #tpu.memory_space<hbm>>
      %dma_wait3A_141 = tpu.memref_squeeze %dma_wait3A_140 : memref<1x10240xi32, #tpu.memory_space<hbm>> -> memref<10240xi32, #tpu.memory_space<hbm>>
      tpu.wait_dma2 semaphore(%run_scoped3A : memref<!tpu.dma_semaphore, #tpu.memory_space<semaphore_mem>>) src(%dma_wait3A_141 : memref<10240xi32, #tpu.memory_space<hbm>>) dst(%arg9 : memref<10240xi32, #tpu.memory_space<vmem>>)
      tpu.yield
    }) : () -> ()
    "tpu.region"() ({
      %run_scoped3A = tpu.sem_alloc : memref<!tpu.dma_semaphore, #tpu.memory_space<semaphore_mem>>
      %dma_start3A_130 = arith.constant 0 : i32
      %dma_start3A_131 = tpu.memref_slice %arg5[%arg1, %dma_start3A_130] : memref<16x10240xi32, #tpu.memory_space<hbm>> -> memref<1x10240xi32, #tpu.memory_space<hbm>>
      %dma_start3A_132 = tpu.memref_squeeze %dma_start3A_131 : memref<1x10240xi32, #tpu.memory_space<hbm>> -> memref<10240xi32, #tpu.memory_space<hbm>>
      %dma_start3A_133 = arith.constant 0 : i32
      %dma_start3A_134 = tpu.memref_slice %arg5[%arg1, %dma_start3A_133] : memref<16x10240xi32, #tpu.memory_space<hbm>> -> memref<1x10240xi32, #tpu.memory_space<hbm>>
      %dma_start3A_135 = tpu.memref_squeeze %dma_start3A_134 : memref<1x10240xi32, #tpu.memory_space<hbm>> -> memref<10240xi32, #tpu.memory_space<hbm>>
      tpu.enqueue_dma source(%dma_start3A_135 : memref<10240xi32, #tpu.memory_space<hbm>>) target(%arg10 : memref<10240xi32, #tpu.memory_space<vmem>>) target_semaphore(%run_scoped3A : memref<!tpu.dma_semaphore, #tpu.memory_space<semaphore_mem>>)
      %dma_wait3A_136 = arith.constant 0 : i32
      %dma_wait3A_137 = tpu.memref_slice %arg5[%arg1, %dma_wait3A_136] : memref<16x10240xi32, #tpu.memory_space<hbm>> -> memref<1x10240xi32, #tpu.memory_space<hbm>>
      %dma_wait3A_138 = tpu.memref_squeeze %dma_wait3A_137 : memref<1x10240xi32, #tpu.memory_space<hbm>> -> memref<10240xi32, #tpu.memory_space<hbm>>
      %dma_wait3A_139 = arith.constant 0 : i32
      %dma_wait3A_140 = tpu.memref_slice %arg5[%arg1, %dma_wait3A_139] : memref<16x10240xi32, #tpu.memory_space<hbm>> -> memref<1x10240xi32, #tpu.memory_space<hbm>>
      %dma_wait3A_141 = tpu.memref_squeeze %dma_wait3A_140 : memref<1x10240xi32, #tpu.memory_space<hbm>> -> memref<10240xi32, #tpu.memory_space<hbm>>
      tpu.wait_dma2 semaphore(%run_scoped3A : memref<!tpu.dma_semaphore, #tpu.memory_space<semaphore_mem>>) src(%dma_wait3A_141 : memref<10240xi32, #tpu.memory_space<hbm>>) dst(%arg10 : memref<10240xi32, #tpu.memory_space<vmem>>)
      tpu.yield
    }) : () -> ()
    %mul3A = arith.constant 40000 : i32
    %mul3A_0 = arith.muli %arg0, %mul3A : i32
    %scan3A = arith.constant 0 : i32
    %scan3A_1 = arith.constant 0 : i32
    %scan3A_2 = arith.constant 640 : i32
    %scan3A_3 = arith.addi %scan3A_1, %scan3A_2 : i32
    %scan3A_4 = arith.constant 1 : i32
    %scan3A_5 = scf.for %scan3A_130 = %scan3A_1 to %scan3A_3 step %scan3A_4 iter_args(%scan3A_131 = %scan3A) -> (i32)  : i32 {
      %mul3A_132 = arith.constant 16 : i32
      %mul3A_133 = arith.muli %scan3A_130, %mul3A_132 : i32
      %get3A = arith.index_cast %mul3A_133 : i32 to index
      %get3A_134 = tpu.vector_load %arg8[%get3A] {strides = array<i32>} : memref<10240xi32, #tpu.memory_space<vmem>>, vector<16xi32>,
      %get3A_135 = vector.shape_cast %get3A_134 : vector<16xi32> to vector<16xi32>
      %get3A_136 = arith.index_cast %mul3A_133 : i32 to index
      %get3A_137 = tpu.vector_load %arg9[%get3A_136] {strides = array<i32>} : memref<10240xi32, #tpu.memory_space<vmem>>, vector<16xi32>,
      %get3A_138 = vector.shape_cast %get3A_137 : vector<16xi32> to vector<16xi32>
      %mul3A_139 = arith.constant 10000 : i32
      %mul3A_140 = vector.broadcast %mul3A_139 : i32 to vector<16xi32>
      %mul3A_141 = arith.muli %get3A_138, %mul3A_140 : vector<16xi32>
      %add3A_142 = arith.addi %mul3A_141, %get3A_135 : vector<16xi32>
      %add3A_143 = vector.broadcast %mul3A_0 : i32 to vector<16xi32>
      %add3A_144 = arith.addi %add3A_142, %add3A_143 : vector<16xi32>
      %swap3A = arith.index_cast %mul3A_133 : i32 to index
      %swap3A_145 = tpu.vector_load %arg8[%swap3A] {strides = array<i32>} : memref<10240xi32, #tpu.memory_space<vmem>>, vector<16xi32>,
      %swap3A_146 = vector.shape_cast %swap3A_145 : vector<16xi32> to vector<16xi32>
      %swap3A_147 = vector.shape_cast %add3A_144 : vector<16xi32> to vector<16xi32>
      tpu.vector_store %arg8[%swap3A], %swap3A_147 {strides = array<i32>} : memref<10240xi32, #tpu.memory_space<vmem>>, vector<16xi32>,
      %scan3A_148 = arith.constant 0 : i32
      scf.yield %scan3A_148 : i32
    }
    %scan3A_6 = arith.constant 640 : i32
    %mul3A_7 = arith.constant 632 : i32
    %mul3A_8 = arith.muli %arg1, %mul3A_7 : i32
    "tpu.region"() ({
      %run_scoped3A = tpu.sem_alloc : memref<!tpu.dma_semaphore, #tpu.memory_space<semaphore_mem>>
      %dma_start3A_130 = arith.constant 0 : i32
      %dma_start3A_131 = tpu.memref_slice %arg15[%mul3A_8, %dma_start3A_130] : memref<10112x64xf32, #tpu.memory_space<vmem_shared>> -> memref<632x64xf32, #tpu.memory_space<vmem_shared>>
      tpu.enqueue_dma source(%arg6 : memref<632x64xf32, #tpu.memory_space<hbm>>) target(%dma_start3A_131 : memref<632x64xf32, #tpu.memory_space<vmem_shared>>) target_semaphore(%run_scoped3A : memref<!tpu.dma_semaphore, #tpu.memory_space<semaphore_mem>>)
      %dma_wait3A_132 = arith.constant 0 : i32
      %dma_wait3A_133 = tpu.memref_slice %arg15[%mul3A_8, %dma_wait3A_132] : memref<10112x64xf32, #tpu.memory_space<vmem_shared>> -> memref<632x64xf32, #tpu.memory_space<vmem_shared>>
      tpu.wait_dma2 semaphore(%run_scoped3A : memref<!tpu.dma_semaphore, #tpu.memory_space<semaphore_mem>>) src(%arg6 : memref<632x64xf32, #tpu.memory_space<hbm>>) dst(%dma_wait3A_133 : memref<632x64xf32, #tpu.memory_space<vmem_shared>>)
      tpu.yield
    }) : () -> ()
    %barrier3A = arith.constant 0 : index
    tpu.barrier barrier_id(%barrier3A)
    %dma_start3A = arith.constant 0 : i32
    %dma_start3A_9 = tpu.memref_slice %arg8[%dma_start3A] : memref<10240xi32, #tpu.memory_space<vmem>> -> memref<128xi32, #tpu.memory_space<vmem>>
    %dma_start3A_10 = arith.constant 0 : i32
    %dma_start3A_11 = arith.constant 0 : i32
    %dma_start3A_12 = tpu.memref_slice %arg2[%dma_start3A_10, %dma_start3A_11] : memref<160000x64xf32, #tpu.memory_space<hbm>> -> memref<160000x64xf32, #tpu.memory_space<hbm>>
    tpu.enqueue_indirect_dma source(%dma_start3A_12 : memref<160000x64xf32, #tpu.memory_space<hbm>>) target(%arg11 : memref<128x64xf32, #tpu.memory_space<vmem>>) offsets(%dma_start3A_9 : memref<128xi32, #tpu.memory_space<vmem>>) semaphore(%arg16 : memref<!tpu.dma_semaphore, #tpu.memory_space<semaphore_mem>>)
    %dma_start3A_13 = arith.constant 128 : i32
    %dma_start3A_14 = tpu.memref_slice %arg8[%dma_start3A_13] : memref<10240xi32, #tpu.memory_space<vmem>> -> memref<128xi32, #tpu.memory_space<vmem>>
    %dma_start3A_15 = arith.constant 0 : i32
    %dma_start3A_16 = arith.constant 0 : i32
    %dma_start3A_17 = tpu.memref_slice %arg2[%dma_start3A_15, %dma_start3A_16] : memref<160000x64xf32, #tpu.memory_space<hbm>> -> memref<160000x64xf32, #tpu.memory_space<hbm>>
    tpu.enqueue_indirect_dma source(%dma_start3A_17 : memref<160000x64xf32, #tpu.memory_space<hbm>>) target(%arg12 : memref<128x64xf32, #tpu.memory_space<vmem>>) offsets(%dma_start3A_14 : memref<128xi32, #tpu.memory_space<vmem>>) semaphore(%arg17 : memref<!tpu.dma_semaphore, #tpu.memory_space<semaphore_mem>>)
    %dma_start3A_18 = arith.constant 256 : i32
    %dma_start3A_19 = tpu.memref_slice %arg8[%dma_start3A_18] : memref<10240xi32, #tpu.memory_space<vmem>> -> memref<128xi32, #tpu.memory_space<vmem>>
    %dma_start3A_20 = arith.constant 0 : i32
    %dma_start3A_21 = arith.constant 0 : i32
    %dma_start3A_22 = tpu.memref_slice %arg2[%dma_start3A_20, %dma_start3A_21] : memref<160000x64xf32, #tpu.memory_space<hbm>> -> memref<160000x64xf32, #tpu.memory_space<hbm>>
    tpu.enqueue_indirect_dma source(%dma_start3A_22 : memref<160000x64xf32, #tpu.memory_space<hbm>>) target(%arg13 : memref<128x64xf32, #tpu.memory_space<vmem>>) offsets(%dma_start3A_19 : memref<128xi32, #tpu.memory_space<vmem>>) semaphore(%arg18 : memref<!tpu.dma_semaphore, #tpu.memory_space<semaphore_mem>>)
    %dma_start3A_23 = arith.constant 384 : i32
    %dma_start3A_24 = tpu.memref_slice %arg8[%dma_start3A_23] : memref<10240xi32, #tpu.memory_space<vmem>> -> memref<128xi32, #tpu.memory_space<vmem>>
    %dma_start3A_25 = arith.constant 0 : i32
    %dma_start3A_26 = arith.constant 0 : i32
    %dma_start3A_27 = tpu.memref_slice %arg2[%dma_start3A_25, %dma_start3A_26] : memref<160000x64xf32, #tpu.memory_space<hbm>> -> memref<160000x64xf32, #tpu.memory_space<hbm>>
    tpu.enqueue_indirect_dma source(%dma_start3A_27 : memref<160000x64xf32, #tpu.memory_space<hbm>>) target(%arg14 : memref<128x64xf32, #tpu.memory_space<vmem>>) offsets(%dma_start3A_24 : memref<128xi32, #tpu.memory_space<vmem>>) semaphore(%arg19 : memref<!tpu.dma_semaphore, #tpu.memory_space<semaphore_mem>>)
    %scan3A_28 = arith.constant 0 : i32
    %scan3A_29 = arith.constant 0 : i32
    %scan3A_30 = arith.constant 19 : i32
    %scan3A_31 = arith.addi %scan3A_29, %scan3A_30 : i32
    %scan3A_32 = arith.constant 1 : i32
    %scan3A_33 = scf.for %scan3A_130 = %scan3A_29 to %scan3A_31 step %scan3A_32 iter_args(%scan3A_131 = %scan3A_28) -> (i32)  : i32 {
      %mul3A_132 = arith.constant 4 : i32
      %mul3A_133 = arith.muli %mul3A_132, %scan3A_130 : i32
      %dma_wait3A_134 = arith.constant 0 : i32
      %dma_wait3A_135 = tpu.memref_slice %arg8[%dma_wait3A_134] : memref<10240xi32, #tpu.memory_space<vmem>> -> memref<128xi32, #tpu.memory_space<vmem>>
      %dma_wait3A_136 = arith.constant 0 : i32
      %dma_wait3A_137 = arith.constant 0 : i32
      %dma_wait3A_138 = tpu.memref_slice %arg2[%dma_wait3A_136, %dma_wait3A_137] : memref<160000x64xf32, #tpu.memory_space<hbm>> -> memref<160000x64xf32, #tpu.memory_space<hbm>>
      tpu.wait_indirect_dma semaphore(%arg16 : memref<!tpu.dma_semaphore, #tpu.memory_space<semaphore_mem>>) src(%dma_wait3A_138 : memref<160000x64xf32, #tpu.memory_space<hbm>>) dst(%arg11 : memref<128x64xf32, #tpu.memory_space<vmem>>)
      %add3A_139 = arith.constant 0 : i32
      %add3A_140 = arith.addi %mul3A_133, %add3A_139 : i32
      %mul3A_141 = arith.constant 128 : i32
      %mul3A_142 = arith.muli %mul3A_141, %add3A_140 : i32
      "tpu.region"() ({
        %run_scoped3A = tpu.sem_alloc : memref<!tpu.dma_semaphore, #tpu.memory_space<semaphore_mem>>
        %dma_start3A_211 = tpu.memref_slice %arg10[%mul3A_142] : memref<10240xi32, #tpu.memory_space<vmem>> -> memref<128xi32, #tpu.memory_space<vmem>>
        %dma_start3A_212 = arith.constant 0 : i32
        %dma_start3A_213 = arith.constant 0 : i32
        %dma_start3A_214 = tpu.memref_slice %arg15[%dma_start3A_212, %dma_start3A_213] : memref<10112x64xf32, #tpu.memory_space<vmem_shared>> -> memref<10112x64xf32, #tpu.memory_space<vmem_shared>>
        tpu.enqueue_indirect_dma source(%arg11 : memref<128x64xf32, #tpu.memory_space<vmem>>) target(%dma_start3A_214 : memref<10112x64xf32, #tpu.memory_space<vmem_shared>>) offsets(%dma_start3A_211 : memref<128xi32, #tpu.memory_space<vmem>>) semaphore(%run_scoped3A : memref<!tpu.dma_semaphore, #tpu.memory_space<semaphore_mem>>) {add = true}
        %dma_wait3A_215 = tpu.memref_slice %arg10[%mul3A_142] : memref<10240xi32, #tpu.memory_space<vmem>> -> memref<128xi32, #tpu.memory_space<vmem>>
        %dma_wait3A_216 = arith.constant 0 : i32
        %dma_wait3A_217 = arith.constant 0 : i32
        %dma_wait3A_218 = tpu.memref_slice %arg15[%dma_wait3A_216, %dma_wait3A_217] : memref<10112x64xf32, #tpu.memory_space<vmem_shared>> -> memref<10112x64xf32, #tpu.memory_space<vmem_shared>>
        tpu.wait_indirect_dma semaphore(%run_scoped3A : memref<!tpu.dma_semaphore, #tpu.memory_space<semaphore_mem>>) src(%arg11 : memref<128x64xf32, #tpu.memory_space<vmem>>) dst(%dma_wait3A_218 : memref<10112x64xf32, #tpu.memory_space<vmem_shared>>)
        tpu.yield
      }) : () -> ()
      %add3A_143 = arith.constant 0 : i32
      %add3A_144 = arith.addi %mul3A_133, %add3A_143 : i32
      %add3A_145 = arith.constant 4 : i32
      %add3A_146 = arith.addi %add3A_144, %add3A_145 : i32
      %mul3A_147 = arith.constant 128 : i32
      %mul3A_148 = arith.muli %mul3A_147, %add3A_146 : i32
      %dma_start3A_149 = tpu.memref_slice %arg8[%mul3A_148] : memref<10240xi32, #tpu.memory_space<vmem>> -> memref<128xi32, #tpu.memory_space<vmem>>
      %dma_start3A_150 = arith.constant 0 : i32
      %dma_start3A_151 = arith.constant 0 : i32
      %dma_start3A_152 = tpu.memref_slice %arg2[%dma_start3A_150, %dma_start3A_151] : memref<160000x64xf32, #tpu.memory_space<hbm>> -> memref<160000x64xf32, #tpu.memory_space<hbm>>
      tpu.enqueue_indirect_dma source(%dma_start3A_152 : memref<160000x64xf32, #tpu.memory_space<hbm>>) target(%arg11 : memref<128x64xf32, #tpu.memory_space<vmem>>) offsets(%dma_start3A_149 : memref<128xi32, #tpu.memory_space<vmem>>) semaphore(%arg16 : memref<!tpu.dma_semaphore, #tpu.memory_space<semaphore_mem>>)
      %dma_wait3A_153 = arith.constant 0 : i32
      %dma_wait3A_154 = tpu.memref_slice %arg8[%dma_wait3A_153] : memref<10240xi32, #tpu.memory_space<vmem>> -> memref<128xi32, #tpu.memory_space<vmem>>
      %dma_wait3A_155 = arith.constant 0 : i32
      %dma_wait3A_156 = arith.constant 0 : i32
      %dma_wait3A_157 = tpu.memref_slice %arg2[%dma_wait3A_155, %dma_wait3A_156] : memref<160000x64xf32, #tpu.memory_space<hbm>> -> memref<160000x64xf32, #tpu.memory_space<hbm>>
      tpu.wait_indirect_dma semaphore(%arg17 : memref<!tpu.dma_semaphore, #tpu.memory_space<semaphore_mem>>) src(%dma_wait3A_157 : memref<160000x64xf32, #tpu.memory_space<hbm>>) dst(%arg12 : memref<128x64xf32, #tpu.memory_space<vmem>>)
      %add3A_158 = arith.constant 1 : i32
      %add3A_159 = arith.addi %mul3A_133, %add3A_158 : i32
      %mul3A_160 = arith.constant 128 : i32
      %mul3A_161 = arith.muli %mul3A_160, %add3A_159 : i32
      "tpu.region"() ({
        %run_scoped3A = tpu.sem_alloc : memref<!tpu.dma_semaphore, #tpu.memory_space<semaphore_mem>>
        %dma_start3A_211 = tpu.memref_slice %arg10[%mul3A_161] : memref<10240xi32, #tpu.memory_space<vmem>> -> memref<128xi32, #tpu.memory_space<vmem>>
        %dma_start3A_212 = arith.constant 0 : i32
        %dma_start3A_213 = arith.constant 0 : i32
        %dma_start3A_214 = tpu.memref_slice %arg15[%dma_start3A_212, %dma_start3A_213] : memref<10112x64xf32, #tpu.memory_space<vmem_shared>> -> memref<10112x64xf32, #tpu.memory_space<vmem_shared>>
        tpu.enqueue_indirect_dma source(%arg12 : memref<128x64xf32, #tpu.memory_space<vmem>>) target(%dma_start3A_214 : memref<10112x64xf32, #tpu.memory_space<vmem_shared>>) offsets(%dma_start3A_211 : memref<128xi32, #tpu.memory_space<vmem>>) semaphore(%run_scoped3A : memref<!tpu.dma_semaphore, #tpu.memory_space<semaphore_mem>>) {add = true}
        %dma_wait3A_215 = tpu.memref_slice %arg10[%mul3A_161] : memref<10240xi32, #tpu.memory_space<vmem>> -> memref<128xi32, #tpu.memory_space<vmem>>
        %dma_wait3A_216 = arith.constant 0 : i32
        %dma_wait3A_217 = arith.constant 0 : i32
        %dma_wait3A_218 = tpu.memref_slice %arg15[%dma_wait3A_216, %dma_wait3A_217] : memref<10112x64xf32, #tpu.memory_space<vmem_shared>> -> memref<10112x64xf32, #tpu.memory_space<vmem_shared>>
        tpu.wait_indirect_dma semaphore(%run_scoped3A : memref<!tpu.dma_semaphore, #tpu.memory_space<semaphore_mem>>) src(%arg12 : memref<128x64xf32, #tpu.memory_space<vmem>>) dst(%dma_wait3A_218 : memref<10112x64xf32, #tpu.memory_space<vmem_shared>>)
        tpu.yield
      }) : () -> ()
      %add3A_162 = arith.constant 1 : i32
      %add3A_163 = arith.addi %mul3A_133, %add3A_162 : i32
      %add3A_164 = arith.constant 4 : i32
      %add3A_165 = arith.addi %add3A_163, %add3A_164 : i32
      %mul3A_166 = arith.constant 128 : i32
      %mul3A_167 = arith.muli %mul3A_166, %add3A_165 : i32
      %dma_start3A_168 = tpu.memref_slice %arg8[%mul3A_167] : memref<10240xi32, #tpu.memory_space<vmem>> -> memref<128xi32, #tpu.memory_space<vmem>>
      %dma_start3A_169 = arith.constant 0 : i32
      %dma_start3A_170 = arith.constant 0 : i32
      %dma_start3A_171 = tpu.memref_slice %arg2[%dma_start3A_169, %dma_start3A_170] : memref<160000x64xf32, #tpu.memory_space<hbm>> -> memref<160000x64xf32, #tpu.memory_space<hbm>>
      tpu.enqueue_indirect_dma source(%dma_start3A_171 : memref<160000x64xf32, #tpu.memory_space<hbm>>) target(%arg12 : memref<128x64xf32, #tpu.memory_space<vmem>>) offsets(%dma_start3A_168 : memref<128xi32, #tpu.memory_space<vmem>>) semaphore(%arg17 : memref<!tpu.dma_semaphore, #tpu.memory_space<semaphore_mem>>)
      %dma_wait3A_172 = arith.constant 0 : i32
      %dma_wait3A_173 = tpu.memref_slice %arg8[%dma_wait3A_172] : memref<10240xi32, #tpu.memory_space<vmem>> -> memref<128xi32, #tpu.memory_space<vmem>>
      %dma_wait3A_174 = arith.constant 0 : i32
      %dma_wait3A_175 = arith.constant 0 : i32
      %dma_wait3A_176 = tpu.memref_slice %arg2[%dma_wait3A_174, %dma_wait3A_175] : memref<160000x64xf32, #tpu.memory_space<hbm>> -> memref<160000x64xf32, #tpu.memory_space<hbm>>
      tpu.wait_indirect_dma semaphore(%arg18 : memref<!tpu.dma_semaphore, #tpu.memory_space<semaphore_mem>>) src(%dma_wait3A_176 : memref<160000x64xf32, #tpu.memory_space<hbm>>) dst(%arg13 : memref<128x64xf32, #tpu.memory_space<vmem>>)
      %add3A_177 = arith.constant 2 : i32
      %add3A_178 = arith.addi %mul3A_133, %add3A_177 : i32
      %mul3A_179 = arith.constant 128 : i32
      %mul3A_180 = arith.muli %mul3A_179, %add3A_178 : i32
      "tpu.region"() ({
        %run_scoped3A = tpu.sem_alloc : memref<!tpu.dma_semaphore, #tpu.memory_space<semaphore_mem>>
        %dma_start3A_211 = tpu.memref_slice %arg10[%mul3A_180] : memref<10240xi32, #tpu.memory_space<vmem>> -> memref<128xi32, #tpu.memory_space<vmem>>
        %dma_start3A_212 = arith.constant 0 : i32
        %dma_start3A_213 = arith.constant 0 : i32
        %dma_start3A_214 = tpu.memref_slice %arg15[%dma_start3A_212, %dma_start3A_213] : memref<10112x64xf32, #tpu.memory_space<vmem_shared>> -> memref<10112x64xf32, #tpu.memory_space<vmem_shared>>
        tpu.enqueue_indirect_dma source(%arg13 : memref<128x64xf32, #tpu.memory_space<vmem>>) target(%dma_start3A_214 : memref<10112x64xf32, #tpu.memory_space<vmem_shared>>) offsets(%dma_start3A_211 : memref<128xi32, #tpu.memory_space<vmem>>) semaphore(%run_scoped3A : memref<!tpu.dma_semaphore, #tpu.memory_space<semaphore_mem>>) {add = true}
        %dma_wait3A_215 = tpu.memref_slice %arg10[%mul3A_180] : memref<10240xi32, #tpu.memory_space<vmem>> -> memref<128xi32, #tpu.memory_space<vmem>>
        %dma_wait3A_216 = arith.constant 0 : i32
        %dma_wait3A_217 = arith.constant 0 : i32
        %dma_wait3A_218 = tpu.memref_slice %arg15[%dma_wait3A_216, %dma_wait3A_217] : memref<10112x64xf32, #tpu.memory_space<vmem_shared>> -> memref<10112x64xf32, #tpu.memory_space<vmem_shared>>
        tpu.wait_indirect_dma semaphore(%run_scoped3A : memref<!tpu.dma_semaphore, #tpu.memory_space<semaphore_mem>>) src(%arg13 : memref<128x64xf32, #tpu.memory_space<vmem>>) dst(%dma_wait3A_218 : memref<10112x64xf32, #tpu.memory_space<vmem_shared>>)
        tpu.yield
      }) : () -> ()
      %add3A_181 = arith.constant 2 : i32
      %add3A_182 = arith.addi %mul3A_133, %add3A_181 : i32
      %add3A_183 = arith.constant 4 : i32
      %add3A_184 = arith.addi %add3A_182, %add3A_183 : i32
      %mul3A_185 = arith.constant 128 : i32
      %mul3A_186 = arith.muli %mul3A_185, %add3A_184 : i32
      %dma_start3A_187 = tpu.memref_slice %arg8[%mul3A_186] : memref<10240xi32, #tpu.memory_space<vmem>> -> memref<128xi32, #tpu.memory_space<vmem>>
      %dma_start3A_188 = arith.constant 0 : i32
      %dma_start3A_189 = arith.constant 0 : i32
      %dma_start3A_190 = tpu.memref_slice %arg2[%dma_start3A_188, %dma_start3A_189] : memref<160000x64xf32, #tpu.memory_space<hbm>> -> memref<160000x64xf32, #tpu.memory_space<hbm>>
      tpu.enqueue_indirect_dma source(%dma_start3A_190 : memref<160000x64xf32, #tpu.memory_space<hbm>>) target(%arg13 : memref<128x64xf32, #tpu.memory_space<vmem>>) offsets(%dma_start3A_187 : memref<128xi32, #tpu.memory_space<vmem>>) semaphore(%arg18 : memref<!tpu.dma_semaphore, #tpu.memory_space<semaphore_mem>>)
      %dma_wait3A_191 = arith.constant 0 : i32
      %dma_wait3A_192 = tpu.memref_slice %arg8[%dma_wait3A_191] : memref<10240xi32, #tpu.memory_space<vmem>> -> memref<128xi32, #tpu.memory_space<vmem>>
      %dma_wait3A_193 = arith.constant 0 : i32
      %dma_wait3A_194 = arith.constant 0 : i32
      %dma_wait3A_195 = tpu.memref_slice %arg2[%dma_wait3A_193, %dma_wait3A_194] : memref<160000x64xf32, #tpu.memory_space<hbm>> -> memref<160000x64xf32, #tpu.memory_space<hbm>>
      tpu.wait_indirect_dma semaphore(%arg19 : memref<!tpu.dma_semaphore, #tpu.memory_space<semaphore_mem>>) src(%dma_wait3A_195 : memref<160000x64xf32, #tpu.memory_space<hbm>>) dst(%arg14 : memref<128x64xf32, #tpu.memory_space<vmem>>)
      %add3A_196 = arith.constant 3 : i32
      %add3A_197 = arith.addi %mul3A_133, %add3A_196 : i32
      %mul3A_198 = arith.constant 128 : i32
      %mul3A_199 = arith.muli %mul3A_198, %add3A_197 : i32
      "tpu.region"() ({
        %run_scoped3A = tpu.sem_alloc : memref<!tpu.dma_semaphore, #tpu.memory_space<semaphore_mem>>
        %dma_start3A_211 = tpu.memref_slice %arg10[%mul3A_199] : memref<10240xi32, #tpu.memory_space<vmem>> -> memref<128xi32, #tpu.memory_space<vmem>>
        %dma_start3A_212 = arith.constant 0 : i32
        %dma_start3A_213 = arith.constant 0 : i32
        %dma_start3A_214 = tpu.memref_slice %arg15[%dma_start3A_212, %dma_start3A_213] : memref<10112x64xf32, #tpu.memory_space<vmem_shared>> -> memref<10112x64xf32, #tpu.memory_space<vmem_shared>>
        tpu.enqueue_indirect_dma source(%arg14 : memref<128x64xf32, #tpu.memory_space<vmem>>) target(%dma_start3A_214 : memref<10112x64xf32, #tpu.memory_space<vmem_shared>>) offsets(%dma_start3A_211 : memref<128xi32, #tpu.memory_space<vmem>>) semaphore(%run_scoped3A : memref<!tpu.dma_semaphore, #tpu.memory_space<semaphore_mem>>) {add = true}
        %dma_wait3A_215 = tpu.memref_slice %arg10[%mul3A_199] : memref<10240xi32, #tpu.memory_space<vmem>> -> memref<128xi32, #tpu.memory_space<vmem>>
        %dma_wait3A_216 = arith.constant 0 : i32
        %dma_wait3A_217 = arith.constant 0 : i32
        %dma_wait3A_218 = tpu.memref_slice %arg15[%dma_wait3A_216, %dma_wait3A_217] : memref<10112x64xf32, #tpu.memory_space<vmem_shared>> -> memref<10112x64xf32, #tpu.memory_space<vmem_shared>>
        tpu.wait_indirect_dma semaphore(%run_scoped3A : memref<!tpu.dma_semaphore, #tpu.memory_space<semaphore_mem>>) src(%arg14 : memref<128x64xf32, #tpu.memory_space<vmem>>) dst(%dma_wait3A_218 : memref<10112x64xf32, #tpu.memory_space<vmem_shared>>)
        tpu.yield
      }) : () -> ()
      %add3A_200 = arith.constant 3 : i32
      %add3A_201 = arith.addi %mul3A_133, %add3A_200 : i32
      %add3A_202 = arith.constant 4 : i32
      %add3A_203 = arith.addi %add3A_201, %add3A_202 : i32
      %mul3A_204 = arith.constant 128 : i32
      %mul3A_205 = arith.muli %mul3A_204, %add3A_203 : i32
      %dma_start3A_206 = tpu.memref_slice %arg8[%mul3A_205] : memref<10240xi32, #tpu.memory_space<vmem>> -> memref<128xi32, #tpu.memory_space<vmem>>
      %dma_start3A_207 = arith.constant 0 : i32
      %dma_start3A_208 = arith.constant 0 : i32
      %dma_start3A_209 = tpu.memref_slice %arg2[%dma_start3A_207, %dma_start3A_208] : memref<160000x64xf32, #tpu.memory_space<hbm>> -> memref<160000x64xf32, #tpu.memory_space<hbm>>
      tpu.enqueue_indirect_dma source(%dma_start3A_209 : memref<160000x64xf32, #tpu.memory_space<hbm>>) target(%arg14 : memref<128x64xf32, #tpu.memory_space<vmem>>) offsets(%dma_start3A_206 : memref<128xi32, #tpu.memory_space<vmem>>) semaphore(%arg19 : memref<!tpu.dma_semaphore, #tpu.memory_space<semaphore_mem>>)
      %scan3A_210 = arith.constant 0 : i32
      scf.yield %scan3A_210 : i32
    }
    %scan3A_34 = arith.constant 19 : i32
    %dma_wait3A = arith.constant 0 : i32
    %dma_wait3A_35 = tpu.memref_slice %arg8[%dma_wait3A] : memref<10240xi32, #tpu.memory_space<vmem>> -> memref<128xi32, #tpu.memory_space<vmem>>
    %dma_wait3A_36 = arith.constant 0 : i32
    %dma_wait3A_37 = arith.constant 0 : i32
    %dma_wait3A_38 = tpu.memref_slice %arg2[%dma_wait3A_36, %dma_wait3A_37] : memref<160000x64xf32, #tpu.memory_space<hbm>> -> memref<160000x64xf32, #tpu.memory_space<hbm>>
    tpu.wait_indirect_dma semaphore(%arg16 : memref<!tpu.dma_semaphore, #tpu.memory_space<semaphore_mem>>) src(%dma_wait3A_38 : memref<160000x64xf32, #tpu.memory_space<hbm>>) dst(%arg11 : memref<128x64xf32, #tpu.memory_space<vmem>>)
    "tpu.region"() ({
      %run_scoped3A = tpu.sem_alloc : memref<!tpu.dma_semaphore, #tpu.memory_space<semaphore_mem>>
      %dma_start3A_130 = arith.constant 9728 : i32
      %dma_start3A_131 = tpu.memref_slice %arg10[%dma_start3A_130] : memref<10240xi32, #tpu.memory_space<vmem>> -> memref<128xi32, #tpu.memory_space<vmem>>
      %dma_start3A_132 = arith.constant 0 : i32
      %dma_start3A_133 = arith.constant 0 : i32
      %dma_start3A_134 = tpu.memref_slice %arg15[%dma_start3A_132, %dma_start3A_133] : memref<10112x64xf32, #tpu.memory_space<vmem_shared>> -> memref<10112x64xf32, #tpu.memory_space<vmem_shared>>
      tpu.enqueue_indirect_dma source(%arg11 : memref<128x64xf32, #tpu.memory_space<vmem>>) target(%dma_start3A_134 : memref<10112x64xf32, #tpu.memory_space<vmem_shared>>) offsets(%dma_start3A_131 : memref<128xi32, #tpu.memory_space<vmem>>) semaphore(%run_scoped3A : memref<!tpu.dma_semaphore, #tpu.memory_space<semaphore_mem>>) {add = true}
      %dma_wait3A_135 = arith.constant 9728 : i32
      %dma_wait3A_136 = tpu.memref_slice %arg10[%dma_wait3A_135] : memref<10240xi32, #tpu.memory_space<vmem>> -> memref<128xi32, #tpu.memory_space<vmem>>
      %dma_wait3A_137 = arith.constant 0 : i32
      %dma_wait3A_138 = arith.constant 0 : i32
      %dma_wait3A_139 = tpu.memref_slice %arg15[%dma_wait3A_137, %dma_wait3A_138] : memref<10112x64xf32, #tpu.memory_space<vmem_shared>> -> memref<10112x64xf32, #tpu.memory_space<vmem_shared>>
      tpu.wait_indirect_dma semaphore(%run_scoped3A : memref<!tpu.dma_semaphore, #tpu.memory_space<semaphore_mem>>) src(%arg11 : memref<128x64xf32, #tpu.memory_space<vmem>>) dst(%dma_wait3A_139 : memref<10112x64xf32, #tpu.memory_space<vmem_shared>>)
      tpu.yield
    }) : () -> ()
    %dma_wait3A_39 = arith.constant 0 : i32
    %dma_wait3A_40 = tpu.memref_slice %arg8[%dma_wait3A_39] : memref<10240xi32, #tpu.memory_space<vmem>> -> memref<128xi32, #tpu.memory_space<vmem>>
    %dma_wait3A_41 = arith.constant 0 : i32
    %dma_wait3A_42 = arith.constant 0 : i32
    %dma_wait3A_43 = tpu.memref_slice %arg2[%dma_wait3A_41, %dma_wait3A_42] : memref<160000x64xf32, #tpu.memory_space<hbm>> -> memref<160000x64xf32, #tpu.memory_space<hbm>>
    tpu.wait_indirect_dma semaphore(%arg17 : memref<!tpu.dma_semaphore, #tpu.memory_space<semaphore_mem>>) src(%dma_wait3A_43 : memref<160000x64xf32, #tpu.memory_space<hbm>>) dst(%arg12 : memref<128x64xf32, #tpu.memory_space<vmem>>)
    "tpu.region"() ({
      %run_scoped3A = tpu.sem_alloc : memref<!tpu.dma_semaphore, #tpu.memory_space<semaphore_mem>>
      %dma_start3A_130 = arith.constant 9856 : i32
      %dma_start3A_131 = tpu.memref_slice %arg10[%dma_start3A_130] : memref<10240xi32, #tpu.memory_space<vmem>> -> memref<128xi32, #tpu.memory_space<vmem>>
      %dma_start3A_132 = arith.constant 0 : i32
      %dma_start3A_133 = arith.constant 0 : i32
      %dma_start3A_134 = tpu.memref_slice %arg15[%dma_start3A_132, %dma_start3A_133] : memref<10112x64xf32, #tpu.memory_space<vmem_shared>> -> memref<10112x64xf32, #tpu.memory_space<vmem_shared>>
      tpu.enqueue_indirect_dma source(%arg12 : memref<128x64xf32, #tpu.memory_space<vmem>>) target(%dma_start3A_134 : memref<10112x64xf32, #tpu.memory_space<vmem_shared>>) offsets(%dma_start3A_131 : memref<128xi32, #tpu.memory_space<vmem>>) semaphore(%run_scoped3A : memref<!tpu.dma_semaphore, #tpu.memory_space<semaphore_mem>>) {add = true}
      %dma_wait3A_135 = arith.constant 9856 : i32
      %dma_wait3A_136 = tpu.memref_slice %arg10[%dma_wait3A_135] : memref<10240xi32, #tpu.memory_space<vmem>> -> memref<128xi32, #tpu.memory_space<vmem>>
      %dma_wait3A_137 = arith.constant 0 : i32
      %dma_wait3A_138 = arith.constant 0 : i32
      %dma_wait3A_139 = tpu.memref_slice %arg15[%dma_wait3A_137, %dma_wait3A_138] : memref<10112x64xf32, #tpu.memory_space<vmem_shared>> -> memref<10112x64xf32, #tpu.memory_space<vmem_shared>>
      tpu.wait_indirect_dma semaphore(%run_scoped3A : memref<!tpu.dma_semaphore, #tpu.memory_space<semaphore_mem>>) src(%arg12 : memref<128x64xf32, #tpu.memory_space<vmem>>) dst(%dma_wait3A_139 : memref<10112x64xf32, #tpu.memory_space<vmem_shared>>)
      tpu.yield
    }) : () -> ()
    %dma_wait3A_44 = arith.constant 0 : i32
    %dma_wait3A_45 = tpu.memref_slice %arg8[%dma_wait3A_44] : memref<10240xi32, #tpu.memory_space<vmem>> -> memref<128xi32, #tpu.memory_space<vmem>>
    %dma_wait3A_46 = arith.constant 0 : i32
    %dma_wait3A_47 = arith.constant 0 : i32
    %dma_wait3A_48 = tpu.memref_slice %arg2[%dma_wait3A_46, %dma_wait3A_47] : memref<160000x64xf32, #tpu.memory_space<hbm>> -> memref<160000x64xf32, #tpu.memory_space<hbm>>
    tpu.wait_indirect_dma semaphore(%arg18 : memref<!tpu.dma_semaphore, #tpu.memory_space<semaphore_mem>>) src(%dma_wait3A_48 : memref<160000x64xf32, #tpu.memory_space<hbm>>) dst(%arg13 : memref<128x64xf32, #tpu.memory_space<vmem>>)
    "tpu.region"() ({
      %run_scoped3A = tpu.sem_alloc : memref<!tpu.dma_semaphore, #tpu.memory_space<semaphore_mem>>
      %dma_start3A_130 = arith.constant 9984 : i32
      %dma_start3A_131 = tpu.memref_slice %arg10[%dma_start3A_130] : memref<10240xi32, #tpu.memory_space<vmem>> -> memref<128xi32, #tpu.memory_space<vmem>>
      %dma_start3A_132 = arith.constant 0 : i32
      %dma_start3A_133 = arith.constant 0 : i32
      %dma_start3A_134 = tpu.memref_slice %arg15[%dma_start3A_132, %dma_start3A_133] : memref<10112x64xf32, #tpu.memory_space<vmem_shared>> -> memref<10112x64xf32, #tpu.memory_space<vmem_shared>>
      tpu.enqueue_indirect_dma source(%arg13 : memref<128x64xf32, #tpu.memory_space<vmem>>) target(%dma_start3A_134 : memref<10112x64xf32, #tpu.memory_space<vmem_shared>>) offsets(%dma_start3A_131 : memref<128xi32, #tpu.memory_space<vmem>>) semaphore(%run_scoped3A : memref<!tpu.dma_semaphore, #tpu.memory_space<semaphore_mem>>) {add = true}
      %dma_wait3A_135 = arith.constant 9984 : i32
      %dma_wait3A_136 = tpu.memref_slice %arg10[%dma_wait3A_135] : memref<10240xi32, #tpu.memory_space<vmem>> -> memref<128xi32, #tpu.memory_space<vmem>>
      %dma_wait3A_137 = arith.constant 0 : i32
      %dma_wait3A_138 = arith.constant 0 : i32
      %dma_wait3A_139 = tpu.memref_slice %arg15[%dma_wait3A_137, %dma_wait3A_138] : memref<10112x64xf32, #tpu.memory_space<vmem_shared>> -> memref<10112x64xf32, #tpu.memory_space<vmem_shared>>
      tpu.wait_indirect_dma semaphore(%run_scoped3A : memref<!tpu.dma_semaphore, #tpu.memory_space<semaphore_mem>>) src(%arg13 : memref<128x64xf32, #tpu.memory_space<vmem>>) dst(%dma_wait3A_139 : memref<10112x64xf32, #tpu.memory_space<vmem_shared>>)
      tpu.yield
    }) : () -> ()
    %dma_wait3A_49 = arith.constant 0 : i32
    %dma_wait3A_50 = tpu.memref_slice %arg8[%dma_wait3A_49] : memref<10240xi32, #tpu.memory_space<vmem>> -> memref<128xi32, #tpu.memory_space<vmem>>
    %dma_wait3A_51 = arith.constant 0 : i32
    %dma_wait3A_52 = arith.constant 0 : i32
    %dma_wait3A_53 = tpu.memref_slice %arg2[%dma_wait3A_51, %dma_wait3A_52] : memref<160000x64xf32, #tpu.memory_space<hbm>> -> memref<160000x64xf32, #tpu.memory_space<hbm>>
    tpu.wait_indirect_dma semaphore(%arg19 : memref<!tpu.dma_semaphore, #tpu.memory_space<semaphore_mem>>) src(%dma_wait3A_53 : memref<160000x64xf32, #tpu.memory_space<hbm>>) dst(%arg14 : memref<128x64xf32, #tpu.memory_space<vmem>>)
    "tpu.region"() ({
      %run_scoped3A = tpu.sem_alloc : memref<!tpu.dma_semaphore, #tpu.memory_space<semaphore_mem>>
      %dma_start3A_130 = arith.constant 10112 : i32
      %dma_start3A_131 = tpu.memref_slice %arg10[%dma_start3A_130] : memref<10240xi32, #tpu.memory_space<vmem>> -> memref<128xi32, #tpu.memory_space<vmem>>
      %dma_start3A_132 = arith.constant 0 : i32
      %dma_start3A_133 = arith.constant 0 : i32
      %dma_start3A_134 = tpu.memref_slice %arg15[%dma_start3A_132, %dma_start3A_133] : memref<10112x64xf32, #tpu.memory_space<vmem_shared>> -> memref<10112x64xf32, #tpu.memory_space<vmem_shared>>
      tpu.enqueue_indirect_dma source(%arg14 : memref<128x64xf32, #tpu.memory_space<vmem>>) target(%dma_start3A_134 : memref<10112x64xf32, #tpu.memory_space<vmem_shared>>) offsets(%dma_start3A_131 : memref<128xi32, #tpu.memory_space<vmem>>) semaphore(%run_scoped3A : memref<!tpu.dma_semaphore, #tpu.memory_space<semaphore_mem>>) {add = true}
      %dma_wait3A_135 = arith.constant 10112 : i32
      %dma_wait3A_136 = tpu.memref_slice %arg10[%dma_wait3A_135] : memref<10240xi32, #tpu.memory_space<vmem>> -> memref<128xi32, #tpu.memory_space<vmem>>
      %dma_wait3A_137 = arith.constant 0 : i32
      %dma_wait3A_138 = arith.constant 0 : i32
      %dma_wait3A_139 = tpu.memref_slice %arg15[%dma_wait3A_137, %dma_wait3A_138] : memref<10112x64xf32, #tpu.memory_space<vmem_shared>> -> memref<10112x64xf32, #tpu.memory_space<vmem_shared>>
      tpu.wait_indirect_dma semaphore(%run_scoped3A : memref<!tpu.dma_semaphore, #tpu.memory_space<semaphore_mem>>) src(%arg14 : memref<128x64xf32, #tpu.memory_space<vmem>>) dst(%dma_wait3A_139 : memref<10112x64xf32, #tpu.memory_space<vmem_shared>>)
      tpu.yield
    }) : () -> ()
    %barrier3A_54 = arith.constant 0 : index
    tpu.barrier barrier_id(%barrier3A_54)
    %add3A = arith.constant 0 : i32
    %add3A_55 = arith.addi %add3A, %arg0 : i32
    %mul3A_56 = arith.constant 632 : i32
    %mul3A_57 = arith.muli %arg1, %mul3A_56 : i32
    %mul3A_58 = arith.constant 10112 : i32
    %mul3A_59 = arith.muli %add3A_55, %mul3A_58 : i32
    %mul3A_60 = arith.constant 632 : i32
    %mul3A_61 = arith.muli %arg1, %mul3A_60 : i32
    %add3A_62 = arith.addi %mul3A_59, %mul3A_61 : i32
    "tpu.region"() ({
      %run_scoped3A = tpu.sem_alloc : memref<!tpu.dma_semaphore, #tpu.memory_space<semaphore_mem>>
      %dma_start3A_130 = arith.constant 0 : i32
      %dma_start3A_131 = tpu.memref_slice %arg7[%add3A_62, %dma_start3A_130] : memref<40448x64xf32, #tpu.memory_space<hbm>> -> memref<632x64xf32, #tpu.memory_space<hbm>>
      %dma_start3A_132 = arith.constant 0 : i32
      %dma_start3A_133 = tpu.memref_slice %arg15[%mul3A_57, %dma_start3A_132] : memref<10112x64xf32, #tpu.memory_space<vmem_shared>> -> memref<632x64xf32, #tpu.memory_space<vmem_shared>>
      tpu.enqueue_dma source(%dma_start3A_133 : memref<632x64xf32, #tpu.memory_space<vmem_shared>>) target(%dma_start3A_131 : memref<632x64xf32, #tpu.memory_space<hbm>>) target_semaphore(%run_scoped3A : memref<!tpu.dma_semaphore, #tpu.memory_space<semaphore_mem>>)
      %dma_wait3A_134 = arith.constant 0 : i32
      %dma_wait3A_135 = tpu.memref_slice %arg7[%add3A_62, %dma_wait3A_134] : memref<40448x64xf32, #tpu.memory_space<hbm>> -> memref<632x64xf32, #tpu.memory_space<hbm>>
      %dma_wait3A_136 = arith.constant 0 : i32
      %dma_wait3A_137 = tpu.memref_slice %arg15[%mul3A_57, %dma_wait3A_136] : memref<10112x64xf32, #tpu.memory_space<vmem_shared>> -> memref<632x64xf32, #tpu.memory_space<vmem_shared>>
      tpu.wait_dma2 semaphore(%run_scoped3A : memref<!tpu.dma_semaphore, #tpu.memory_space<semaphore_mem>>) src(%dma_wait3A_137 : memref<632x64xf32, #tpu.memory_space<vmem_shared>>) dst(%dma_wait3A_135 : memref<632x64xf32, #tpu.memory_space<hbm>>)
      tpu.yield
    }) : () -> ()
    %scan3A_63 = arith.constant 0 : i32
    %scan3A_64 = arith.constant 0 : i32
    %scan3A_65 = arith.constant 640 : i32
    %scan3A_66 = arith.addi %scan3A_64, %scan3A_65 : i32
    %scan3A_67 = arith.constant 1 : i32
    %scan3A_68 = scf.for %scan3A_130 = %scan3A_64 to %scan3A_66 step %scan3A_67 iter_args(%scan3A_131 = %scan3A_63) -> (i32)  : i32 {
      %mul3A_132 = arith.constant 16 : i32
      %mul3A_133 = arith.muli %scan3A_130, %mul3A_132 : i32
      %get3A = arith.index_cast %mul3A_133 : i32 to index
      %get3A_134 = tpu.vector_load %arg8[%get3A] {strides = array<i32>} : memref<10240xi32, #tpu.memory_space<vmem>>, vector<16xi32>,
      %get3A_135 = vector.shape_cast %get3A_134 : vector<16xi32> to vector<16xi32>
      %add3A_136 = arith.constant 80000 : i32
      %add3A_137 = vector.broadcast %add3A_136 : i32 to vector<16xi32>
      %add3A_138 = arith.addi %get3A_135, %add3A_137 : vector<16xi32>
      %swap3A = arith.index_cast %mul3A_133 : i32 to index
      %swap3A_139 = tpu.vector_load %arg8[%swap3A] {strides = array<i32>} : memref<10240xi32, #tpu.memory_space<vmem>>, vector<16xi32>,
      %swap3A_140 = vector.shape_cast %swap3A_139 : vector<16xi32> to vector<16xi32>
      %swap3A_141 = vector.shape_cast %add3A_138 : vector<16xi32> to vector<16xi32>
      tpu.vector_store %arg8[%swap3A], %swap3A_141 {strides = array<i32>} : memref<10240xi32, #tpu.memory_space<vmem>>, vector<16xi32>,
      %scan3A_142 = arith.constant 0 : i32
      scf.yield %scan3A_142 : i32
    }
    %scan3A_69 = arith.constant 640 : i32
    %mul3A_70 = arith.constant 632 : i32
    %mul3A_71 = arith.muli %arg1, %mul3A_70 : i32
    "tpu.region"() ({
      %run_scoped3A = tpu.sem_alloc : memref<!tpu.dma_semaphore, #tpu.memory_space<semaphore_mem>>
      %dma_start3A_130 = arith.constant 0 : i32
      %dma_start3A_131 = tpu.memref_slice %arg15[%mul3A_71, %dma_start3A_130] : memref<10112x64xf32, #tpu.memory_space<vmem_shared>> -> memref<632x64xf32, #tpu.memory_space<vmem_shared>>
      tpu.enqueue_dma source(%arg6 : memref<632x64xf32, #tpu.memory_space<hbm>>) target(%dma_start3A_131 : memref<632x64xf32, #tpu.memory_space<vmem_shared>>) target_semaphore(%run_scoped3A : memref<!tpu.dma_semaphore, #tpu.memory_space<semaphore_mem>>)
      %dma_wait3A_132 = arith.constant 0 : i32
      %dma_wait3A_133 = tpu.memref_slice %arg15[%mul3A_71, %dma_wait3A_132] : memref<10112x64xf32, #tpu.memory_space<vmem_shared>> -> memref<632x64xf32, #tpu.memory_space<vmem_shared>>
      tpu.wait_dma2 semaphore(%run_scoped3A : memref<!tpu.dma_semaphore, #tpu.memory_space<semaphore_mem>>) src(%arg6 : memref<632x64xf32, #tpu.memory_space<hbm>>) dst(%dma_wait3A_133 : memref<632x64xf32, #tpu.memory_space<vmem_shared>>)
      tpu.yield
    }) : () -> ()
    %barrier3A_72 = arith.constant 0 : index
    tpu.barrier barrier_id(%barrier3A_72)
    %dma_start3A_73 = arith.constant 0 : i32
    %dma_start3A_74 = tpu.memref_slice %arg8[%dma_start3A_73] : memref<10240xi32, #tpu.memory_space<vmem>> -> memref<128xi32, #tpu.memory_space<vmem>>
    %dma_start3A_75 = arith.constant 0 : i32
    %dma_start3A_76 = arith.constant 0 : i32
    %dma_start3A_77 = tpu.memref_slice %arg2[%dma_start3A_75, %dma_start3A_76] : memref<160000x64xf32, #tpu.memory_space<hbm>> -> memref<160000x64xf32, #tpu.memory_space<hbm>>
    tpu.enqueue_indirect_dma source(%dma_start3A_77 : memref<160000x64xf32, #tpu.memory_space<hbm>>) target(%arg11 : memref<128x64xf32, #tpu.memory_space<vmem>>) offsets(%dma_start3A_74 : memref<128xi32, #tpu.memory_space<vmem>>) semaphore(%arg16 : memref<!tpu.dma_semaphore, #tpu.memory_space<semaphore_mem>>)
    %dma_start3A_78 = arith.constant 128 : i32
    %dma_start3A_79 = tpu.memref_slice %arg8[%dma_start3A_78] : memref<10240xi32, #tpu.memory_space<vmem>> -> memref<128xi32, #tpu.memory_space<vmem>>
    %dma_start3A_80 = arith.constant 0 : i32
    %dma_start3A_81 = arith.constant 0 : i32
    %dma_start3A_82 = tpu.memref_slice %arg2[%dma_start3A_80, %dma_start3A_81] : memref<160000x64xf32, #tpu.memory_space<hbm>> -> memref<160000x64xf32, #tpu.memory_space<hbm>>
    tpu.enqueue_indirect_dma source(%dma_start3A_82 : memref<160000x64xf32, #tpu.memory_space<hbm>>) target(%arg12 : memref<128x64xf32, #tpu.memory_space<vmem>>) offsets(%dma_start3A_79 : memref<128xi32, #tpu.memory_space<vmem>>) semaphore(%arg17 : memref<!tpu.dma_semaphore, #tpu.memory_space<semaphore_mem>>)
    %dma_start3A_83 = arith.constant 256 : i32
    %dma_start3A_84 = tpu.memref_slice %arg8[%dma_start3A_83] : memref<10240xi32, #tpu.memory_space<vmem>> -> memref<128xi32, #tpu.memory_space<vmem>>
    %dma_start3A_85 = arith.constant 0 : i32
    %dma_start3A_86 = arith.constant 0 : i32
    %dma_start3A_87 = tpu.memref_slice %arg2[%dma_start3A_85, %dma_start3A_86] : memref<160000x64xf32, #tpu.memory_space<hbm>> -> memref<160000x64xf32, #tpu.memory_space<hbm>>
    tpu.enqueue_indirect_dma source(%dma_start3A_87 : memref<160000x64xf32, #tpu.memory_space<hbm>>) target(%arg13 : memref<128x64xf32, #tpu.memory_space<vmem>>) offsets(%dma_start3A_84 : memref<128xi32, #tpu.memory_space<vmem>>) semaphore(%arg18 : memref<!tpu.dma_semaphore, #tpu.memory_space<semaphore_mem>>)
    %dma_start3A_88 = arith.constant 384 : i32
    %dma_start3A_89 = tpu.memref_slice %arg8[%dma_start3A_88] : memref<10240xi32, #tpu.memory_space<vmem>> -> memref<128xi32, #tpu.memory_space<vmem>>
    %dma_start3A_90 = arith.constant 0 : i32
    %dma_start3A_91 = arith.constant 0 : i32
    %dma_start3A_92 = tpu.memref_slice %arg2[%dma_start3A_90, %dma_start3A_91] : memref<160000x64xf32, #tpu.memory_space<hbm>> -> memref<160000x64xf32, #tpu.memory_space<hbm>>
    tpu.enqueue_indirect_dma source(%dma_start3A_92 : memref<160000x64xf32, #tpu.memory_space<hbm>>) target(%arg14 : memref<128x64xf32, #tpu.memory_space<vmem>>) offsets(%dma_start3A_89 : memref<128xi32, #tpu.memory_space<vmem>>) semaphore(%arg19 : memref<!tpu.dma_semaphore, #tpu.memory_space<semaphore_mem>>)
    %scan3A_93 = arith.constant 0 : i32
    %scan3A_94 = arith.constant 0 : i32
    %scan3A_95 = arith.constant 19 : i32
    %scan3A_96 = arith.addi %scan3A_94, %scan3A_95 : i32
    %scan3A_97 = arith.constant 1 : i32
    %scan3A_98 = scf.for %scan3A_130 = %scan3A_94 to %scan3A_96 step %scan3A_97 iter_args(%scan3A_131 = %scan3A_93) -> (i32)  : i32 {
      %mul3A_132 = arith.constant 4 : i32
      %mul3A_133 = arith.muli %mul3A_132, %scan3A_130 : i32
      %dma_wait3A_134 = arith.constant 0 : i32
      %dma_wait3A_135 = tpu.memref_slice %arg8[%dma_wait3A_134] : memref<10240xi32, #tpu.memory_space<vmem>> -> memref<128xi32, #tpu.memory_space<vmem>>
      %dma_wait3A_136 = arith.constant 0 : i32
      %dma_wait3A_137 = arith.constant 0 : i32
      %dma_wait3A_138 = tpu.memref_slice %arg2[%dma_wait3A_136, %dma_wait3A_137] : memref<160000x64xf32, #tpu.memory_space<hbm>> -> memref<160000x64xf32, #tpu.memory_space<hbm>>
      tpu.wait_indirect_dma semaphore(%arg16 : memref<!tpu.dma_semaphore, #tpu.memory_space<semaphore_mem>>) src(%dma_wait3A_138 : memref<160000x64xf32, #tpu.memory_space<hbm>>) dst(%arg11 : memref<128x64xf32, #tpu.memory_space<vmem>>)
      %add3A_139 = arith.constant 0 : i32
      %add3A_140 = arith.addi %mul3A_133, %add3A_139 : i32
      %mul3A_141 = arith.constant 128 : i32
      %mul3A_142 = arith.muli %mul3A_141, %add3A_140 : i32
      "tpu.region"() ({
        %run_scoped3A = tpu.sem_alloc : memref<!tpu.dma_semaphore, #tpu.memory_space<semaphore_mem>>
        %dma_start3A_211 = tpu.memref_slice %arg10[%mul3A_142] : memref<10240xi32, #tpu.memory_space<vmem>> -> memref<128xi32, #tpu.memory_space<vmem>>
        %dma_start3A_212 = arith.constant 0 : i32
        %dma_start3A_213 = arith.constant 0 : i32
        %dma_start3A_214 = tpu.memref_slice %arg15[%dma_start3A_212, %dma_start3A_213] : memref<10112x64xf32, #tpu.memory_space<vmem_shared>> -> memref<10112x64xf32, #tpu.memory_space<vmem_shared>>
        tpu.enqueue_indirect_dma source(%arg11 : memref<128x64xf32, #tpu.memory_space<vmem>>) target(%dma_start3A_214 : memref<10112x64xf32, #tpu.memory_space<vmem_shared>>) offsets(%dma_start3A_211 : memref<128xi32, #tpu.memory_space<vmem>>) semaphore(%run_scoped3A : memref<!tpu.dma_semaphore, #tpu.memory_space<semaphore_mem>>) {add = true}
        %dma_wait3A_215 = tpu.memref_slice %arg10[%mul3A_142] : memref<10240xi32, #tpu.memory_space<vmem>> -> memref<128xi32, #tpu.memory_space<vmem>>
        %dma_wait3A_216 = arith.constant 0 : i32
        %dma_wait3A_217 = arith.constant 0 : i32
        %dma_wait3A_218 = tpu.memref_slice %arg15[%dma_wait3A_216, %dma_wait3A_217] : memref<10112x64xf32, #tpu.memory_space<vmem_shared>> -> memref<10112x64xf32, #tpu.memory_space<vmem_shared>>
        tpu.wait_indirect_dma semaphore(%run_scoped3A : memref<!tpu.dma_semaphore, #tpu.memory_space<semaphore_mem>>) src(%arg11 : memref<128x64xf32, #tpu.memory_space<vmem>>) dst(%dma_wait3A_218 : memref<10112x64xf32, #tpu.memory_space<vmem_shared>>)
        tpu.yield
      }) : () -> ()
      %add3A_143 = arith.constant 0 : i32
      %add3A_144 = arith.addi %mul3A_133, %add3A_143 : i32
      %add3A_145 = arith.constant 4 : i32
      %add3A_146 = arith.addi %add3A_144, %add3A_145 : i32
      %mul3A_147 = arith.constant 128 : i32
      %mul3A_148 = arith.muli %mul3A_147, %add3A_146 : i32
      %dma_start3A_149 = tpu.memref_slice %arg8[%mul3A_148] : memref<10240xi32, #tpu.memory_space<vmem>> -> memref<128xi32, #tpu.memory_space<vmem>>
      %dma_start3A_150 = arith.constant 0 : i32
      %dma_start3A_151 = arith.constant 0 : i32
      %dma_start3A_152 = tpu.memref_slice %arg2[%dma_start3A_150, %dma_start3A_151] : memref<160000x64xf32, #tpu.memory_space<hbm>> -> memref<160000x64xf32, #tpu.memory_space<hbm>>
      tpu.enqueue_indirect_dma source(%dma_start3A_152 : memref<160000x64xf32, #tpu.memory_space<hbm>>) target(%arg11 : memref<128x64xf32, #tpu.memory_space<vmem>>) offsets(%dma_start3A_149 : memref<128xi32, #tpu.memory_space<vmem>>) semaphore(%arg16 : memref<!tpu.dma_semaphore, #tpu.memory_space<semaphore_mem>>)
      %dma_wait3A_153 = arith.constant 0 : i32
      %dma_wait3A_154 = tpu.memref_slice %arg8[%dma_wait3A_153] : memref<10240xi32, #tpu.memory_space<vmem>> -> memref<128xi32, #tpu.memory_space<vmem>>
      %dma_wait3A_155 = arith.constant 0 : i32
      %dma_wait3A_156 = arith.constant 0 : i32
      %dma_wait3A_157 = tpu.memref_slice %arg2[%dma_wait3A_155, %dma_wait3A_156] : memref<160000x64xf32, #tpu.memory_space<hbm>> -> memref<160000x64xf32, #tpu.memory_space<hbm>>
      tpu.wait_indirect_dma semaphore(%arg17 : memref<!tpu.dma_semaphore, #tpu.memory_space<semaphore_mem>>) src(%dma_wait3A_157 : memref<160000x64xf32, #tpu.memory_space<hbm>>) dst(%arg12 : memref<128x64xf32, #tpu.memory_space<vmem>>)
      %add3A_158 = arith.constant 1 : i32
      %add3A_159 = arith.addi %mul3A_133, %add3A_158 : i32
      %mul3A_160 = arith.constant 128 : i32
      %mul3A_161 = arith.muli %mul3A_160, %add3A_159 : i32
      "tpu.region"() ({
        %run_scoped3A = tpu.sem_alloc : memref<!tpu.dma_semaphore, #tpu.memory_space<semaphore_mem>>
        %dma_start3A_211 = tpu.memref_slice %arg10[%mul3A_161] : memref<10240xi32, #tpu.memory_space<vmem>> -> memref<128xi32, #tpu.memory_space<vmem>>
        %dma_start3A_212 = arith.constant 0 : i32
        %dma_start3A_213 = arith.constant 0 : i32
        %dma_start3A_214 = tpu.memref_slice %arg15[%dma_start3A_212, %dma_start3A_213] : memref<10112x64xf32, #tpu.memory_space<vmem_shared>> -> memref<10112x64xf32, #tpu.memory_space<vmem_shared>>
        tpu.enqueue_indirect_dma source(%arg12 : memref<128x64xf32, #tpu.memory_space<vmem>>) target(%dma_start3A_214 : memref<10112x64xf32, #tpu.memory_space<vmem_shared>>) offsets(%dma_start3A_211 : memref<128xi32, #tpu.memory_space<vmem>>) semaphore(%run_scoped3A : memref<!tpu.dma_semaphore, #tpu.memory_space<semaphore_mem>>) {add = true}
        %dma_wait3A_215 = tpu.memref_slice %arg10[%mul3A_161] : memref<10240xi32, #tpu.memory_space<vmem>> -> memref<128xi32, #tpu.memory_space<vmem>>
        %dma_wait3A_216 = arith.constant 0 : i32
        %dma_wait3A_217 = arith.constant 0 : i32
        %dma_wait3A_218 = tpu.memref_slice %arg15[%dma_wait3A_216, %dma_wait3A_217] : memref<10112x64xf32, #tpu.memory_space<vmem_shared>> -> memref<10112x64xf32, #tpu.memory_space<vmem_shared>>
        tpu.wait_indirect_dma semaphore(%run_scoped3A : memref<!tpu.dma_semaphore, #tpu.memory_space<semaphore_mem>>) src(%arg12 : memref<128x64xf32, #tpu.memory_space<vmem>>) dst(%dma_wait3A_218 : memref<10112x64xf32, #tpu.memory_space<vmem_shared>>)
        tpu.yield
      }) : () -> ()
      %add3A_162 = arith.constant 1 : i32
      %add3A_163 = arith.addi %mul3A_133, %add3A_162 : i32
      %add3A_164 = arith.constant 4 : i32
      %add3A_165 = arith.addi %add3A_163, %add3A_164 : i32
      %mul3A_166 = arith.constant 128 : i32
      %mul3A_167 = arith.muli %mul3A_166, %add3A_165 : i32
      %dma_start3A_168 = tpu.memref_slice %arg8[%mul3A_167] : memref<10240xi32, #tpu.memory_space<vmem>> -> memref<128xi32, #tpu.memory_space<vmem>>
      %dma_start3A_169 = arith.constant 0 : i32
      %dma_start3A_170 = arith.constant 0 : i32
      %dma_start3A_171 = tpu.memref_slice %arg2[%dma_start3A_169, %dma_start3A_170] : memref<160000x64xf32, #tpu.memory_space<hbm>> -> memref<160000x64xf32, #tpu.memory_space<hbm>>
      tpu.enqueue_indirect_dma source(%dma_start3A_171 : memref<160000x64xf32, #tpu.memory_space<hbm>>) target(%arg12 : memref<128x64xf32, #tpu.memory_space<vmem>>) offsets(%dma_start3A_168 : memref<128xi32, #tpu.memory_space<vmem>>) semaphore(%arg17 : memref<!tpu.dma_semaphore, #tpu.memory_space<semaphore_mem>>)
      %dma_wait3A_172 = arith.constant 0 : i32
      %dma_wait3A_173 = tpu.memref_slice %arg8[%dma_wait3A_172] : memref<10240xi32, #tpu.memory_space<vmem>> -> memref<128xi32, #tpu.memory_space<vmem>>
      %dma_wait3A_174 = arith.constant 0 : i32
      %dma_wait3A_175 = arith.constant 0 : i32
      %dma_wait3A_176 = tpu.memref_slice %arg2[%dma_wait3A_174, %dma_wait3A_175] : memref<160000x64xf32, #tpu.memory_space<hbm>> -> memref<160000x64xf32, #tpu.memory_space<hbm>>
      tpu.wait_indirect_dma semaphore(%arg18 : memref<!tpu.dma_semaphore, #tpu.memory_space<semaphore_mem>>) src(%dma_wait3A_176 : memref<160000x64xf32, #tpu.memory_space<hbm>>) dst(%arg13 : memref<128x64xf32, #tpu.memory_space<vmem>>)
      %add3A_177 = arith.constant 2 : i32
      %add3A_178 = arith.addi %mul3A_133, %add3A_177 : i32
      %mul3A_179 = arith.constant 128 : i32
      %mul3A_180 = arith.muli %mul3A_179, %add3A_178 : i32
      "tpu.region"() ({
        %run_scoped3A = tpu.sem_alloc : memref<!tpu.dma_semaphore, #tpu.memory_space<semaphore_mem>>
        %dma_start3A_211 = tpu.memref_slice %arg10[%mul3A_180] : memref<10240xi32, #tpu.memory_space<vmem>> -> memref<128xi32, #tpu.memory_space<vmem>>
        %dma_start3A_212 = arith.constant 0 : i32
        %dma_start3A_213 = arith.constant 0 : i32
        %dma_start3A_214 = tpu.memref_slice %arg15[%dma_start3A_212, %dma_start3A_213] : memref<10112x64xf32, #tpu.memory_space<vmem_shared>> -> memref<10112x64xf32, #tpu.memory_space<vmem_shared>>
        tpu.enqueue_indirect_dma source(%arg13 : memref<128x64xf32, #tpu.memory_space<vmem>>) target(%dma_start3A_214 : memref<10112x64xf32, #tpu.memory_space<vmem_shared>>) offsets(%dma_start3A_211 : memref<128xi32, #tpu.memory_space<vmem>>) semaphore(%run_scoped3A : memref<!tpu.dma_semaphore, #tpu.memory_space<semaphore_mem>>) {add = true}
        %dma_wait3A_215 = tpu.memref_slice %arg10[%mul3A_180] : memref<10240xi32, #tpu.memory_space<vmem>> -> memref<128xi32, #tpu.memory_space<vmem>>
        %dma_wait3A_216 = arith.constant 0 : i32
        %dma_wait3A_217 = arith.constant 0 : i32
        %dma_wait3A_218 = tpu.memref_slice %arg15[%dma_wait3A_216, %dma_wait3A_217] : memref<10112x64xf32, #tpu.memory_space<vmem_shared>> -> memref<10112x64xf32, #tpu.memory_space<vmem_shared>>
        tpu.wait_indirect_dma semaphore(%run_scoped3A : memref<!tpu.dma_semaphore, #tpu.memory_space<semaphore_mem>>) src(%arg13 : memref<128x64xf32, #tpu.memory_space<vmem>>) dst(%dma_wait3A_218 : memref<10112x64xf32, #tpu.memory_space<vmem_shared>>)
        tpu.yield
      }) : () -> ()
      %add3A_181 = arith.constant 2 : i32
      %add3A_182 = arith.addi %mul3A_133, %add3A_181 : i32
      %add3A_183 = arith.constant 4 : i32
      %add3A_184 = arith.addi %add3A_182, %add3A_183 : i32
      %mul3A_185 = arith.constant 128 : i32
      %mul3A_186 = arith.muli %mul3A_185, %add3A_184 : i32
      %dma_start3A_187 = tpu.memref_slice %arg8[%mul3A_186] : memref<10240xi32, #tpu.memory_space<vmem>> -> memref<128xi32, #tpu.memory_space<vmem>>
      %dma_start3A_188 = arith.constant 0 : i32
      %dma_start3A_189 = arith.constant 0 : i32
      %dma_start3A_190 = tpu.memref_slice %arg2[%dma_start3A_188, %dma_start3A_189] : memref<160000x64xf32, #tpu.memory_space<hbm>> -> memref<160000x64xf32, #tpu.memory_space<hbm>>
      tpu.enqueue_indirect_dma source(%dma_start3A_190 : memref<160000x64xf32, #tpu.memory_space<hbm>>) target(%arg13 : memref<128x64xf32, #tpu.memory_space<vmem>>) offsets(%dma_start3A_187 : memref<128xi32, #tpu.memory_space<vmem>>) semaphore(%arg18 : memref<!tpu.dma_semaphore, #tpu.memory_space<semaphore_mem>>)
      %dma_wait3A_191 = arith.constant 0 : i32
      %dma_wait3A_192 = tpu.memref_slice %arg8[%dma_wait3A_191] : memref<10240xi32, #tpu.memory_space<vmem>> -> memref<128xi32, #tpu.memory_space<vmem>>
      %dma_wait3A_193 = arith.constant 0 : i32
      %dma_wait3A_194 = arith.constant 0 : i32
      %dma_wait3A_195 = tpu.memref_slice %arg2[%dma_wait3A_193, %dma_wait3A_194] : memref<160000x64xf32, #tpu.memory_space<hbm>> -> memref<160000x64xf32, #tpu.memory_space<hbm>>
      tpu.wait_indirect_dma semaphore(%arg19 : memref<!tpu.dma_semaphore, #tpu.memory_space<semaphore_mem>>) src(%dma_wait3A_195 : memref<160000x64xf32, #tpu.memory_space<hbm>>) dst(%arg14 : memref<128x64xf32, #tpu.memory_space<vmem>>)
      %add3A_196 = arith.constant 3 : i32
      %add3A_197 = arith.addi %mul3A_133, %add3A_196 : i32
      %mul3A_198 = arith.constant 128 : i32
      %mul3A_199 = arith.muli %mul3A_198, %add3A_197 : i32
      "tpu.region"() ({
        %run_scoped3A = tpu.sem_alloc : memref<!tpu.dma_semaphore, #tpu.memory_space<semaphore_mem>>
        %dma_start3A_211 = tpu.memref_slice %arg10[%mul3A_199] : memref<10240xi32, #tpu.memory_space<vmem>> -> memref<128xi32, #tpu.memory_space<vmem>>
        %dma_start3A_212 = arith.constant 0 : i32
        %dma_start3A_213 = arith.constant 0 : i32
        %dma_start3A_214 = tpu.memref_slice %arg15[%dma_start3A_212, %dma_start3A_213] : memref<10112x64xf32, #tpu.memory_space<vmem_shared>> -> memref<10112x64xf32, #tpu.memory_space<vmem_shared>>
        tpu.enqueue_indirect_dma source(%arg14 : memref<128x64xf32, #tpu.memory_space<vmem>>) target(%dma_start3A_214 : memref<10112x64xf32, #tpu.memory_space<vmem_shared>>) offsets(%dma_start3A_211 : memref<128xi32, #tpu.memory_space<vmem>>) semaphore(%run_scoped3A : memref<!tpu.dma_semaphore, #tpu.memory_space<semaphore_mem>>) {add = true}
        %dma_wait3A_215 = tpu.memref_slice %arg10[%mul3A_199] : memref<10240xi32, #tpu.memory_space<vmem>> -> memref<128xi32, #tpu.memory_space<vmem>>
        %dma_wait3A_216 = arith.constant 0 : i32
        %dma_wait3A_217 = arith.constant 0 : i32
        %dma_wait3A_218 = tpu.memref_slice %arg15[%dma_wait3A_216, %dma_wait3A_217] : memref<10112x64xf32, #tpu.memory_space<vmem_shared>> -> memref<10112x64xf32, #tpu.memory_space<vmem_shared>>
        tpu.wait_indirect_dma semaphore(%run_scoped3A : memref<!tpu.dma_semaphore, #tpu.memory_space<semaphore_mem>>) src(%arg14 : memref<128x64xf32, #tpu.memory_space<vmem>>) dst(%dma_wait3A_218 : memref<10112x64xf32, #tpu.memory_space<vmem_shared>>)
        tpu.yield
      }) : () -> ()
      %add3A_200 = arith.constant 3 : i32
      %add3A_201 = arith.addi %mul3A_133, %add3A_200 : i32
      %add3A_202 = arith.constant 4 : i32
      %add3A_203 = arith.addi %add3A_201, %add3A_202 : i32
      %mul3A_204 = arith.constant 128 : i32
      %mul3A_205 = arith.muli %mul3A_204, %add3A_203 : i32
      %dma_start3A_206 = tpu.memref_slice %arg8[%mul3A_205] : memref<10240xi32, #tpu.memory_space<vmem>> -> memref<128xi32, #tpu.memory_space<vmem>>
      %dma_start3A_207 = arith.constant 0 : i32
      %dma_start3A_208 = arith.constant 0 : i32
      %dma_start3A_209 = tpu.memref_slice %arg2[%dma_start3A_207, %dma_start3A_208] : memref<160000x64xf32, #tpu.memory_space<hbm>> -> memref<160000x64xf32, #tpu.memory_space<hbm>>
      tpu.enqueue_indirect_dma source(%dma_start3A_209 : memref<160000x64xf32, #tpu.memory_space<hbm>>) target(%arg14 : memref<128x64xf32, #tpu.memory_space<vmem>>) offsets(%dma_start3A_206 : memref<128xi32, #tpu.memory_space<vmem>>) semaphore(%arg19 : memref<!tpu.dma_semaphore, #tpu.memory_space<semaphore_mem>>)
      %scan3A_210 = arith.constant 0 : i32
      scf.yield %scan3A_210 : i32
    }
    %scan3A_99 = arith.constant 19 : i32
    %dma_wait3A_100 = arith.constant 0 : i32
    %dma_wait3A_101 = tpu.memref_slice %arg8[%dma_wait3A_100] : memref<10240xi32, #tpu.memory_space<vmem>> -> memref<128xi32, #tpu.memory_space<vmem>>
    %dma_wait3A_102 = arith.constant 0 : i32
    %dma_wait3A_103 = arith.constant 0 : i32
    %dma_wait3A_104 = tpu.memref_slice %arg2[%dma_wait3A_102, %dma_wait3A_103] : memref<160000x64xf32, #tpu.memory_space<hbm>> -> memref<160000x64xf32, #tpu.memory_space<hbm>>
    tpu.wait_indirect_dma semaphore(%arg16 : memref<!tpu.dma_semaphore, #tpu.memory_space<semaphore_mem>>) src(%dma_wait3A_104 : memref<160000x64xf32, #tpu.memory_space<hbm>>) dst(%arg11 : memref<128x64xf32, #tpu.memory_space<vmem>>)
    "tpu.region"() ({
      %run_scoped3A = tpu.sem_alloc : memref<!tpu.dma_semaphore, #tpu.memory_space<semaphore_mem>>
      %dma_start3A_130 = arith.constant 9728 : i32
      %dma_start3A_131 = tpu.memref_slice %arg10[%dma_start3A_130] : memref<10240xi32, #tpu.memory_space<vmem>> -> memref<128xi32, #tpu.memory_space<vmem>>
      %dma_start3A_132 = arith.constant 0 : i32
      %dma_start3A_133 = arith.constant 0 : i32
      %dma_start3A_134 = tpu.memref_slice %arg15[%dma_start3A_132, %dma_start3A_133] : memref<10112x64xf32, #tpu.memory_space<vmem_shared>> -> memref<10112x64xf32, #tpu.memory_space<vmem_shared>>
      tpu.enqueue_indirect_dma source(%arg11 : memref<128x64xf32, #tpu.memory_space<vmem>>) target(%dma_start3A_134 : memref<10112x64xf32, #tpu.memory_space<vmem_shared>>) offsets(%dma_start3A_131 : memref<128xi32, #tpu.memory_space<vmem>>) semaphore(%run_scoped3A : memref<!tpu.dma_semaphore, #tpu.memory_space<semaphore_mem>>) {add = true}
      %dma_wait3A_135 = arith.constant 9728 : i32
      %dma_wait3A_136 = tpu.memref_slice %arg10[%dma_wait3A_135] : memref<10240xi32, #tpu.memory_space<vmem>> -> memref<128xi32, #tpu.memory_space<vmem>>
      %dma_wait3A_137 = arith.constant 0 : i32
      %dma_wait3A_138 = arith.constant 0 : i32
      %dma_wait3A_139 = tpu.memref_slice %arg15[%dma_wait3A_137, %dma_wait3A_138] : memref<10112x64xf32, #tpu.memory_space<vmem_shared>> -> memref<10112x64xf32, #tpu.memory_space<vmem_shared>>
      tpu.wait_indirect_dma semaphore(%run_scoped3A : memref<!tpu.dma_semaphore, #tpu.memory_space<semaphore_mem>>) src(%arg11 : memref<128x64xf32, #tpu.memory_space<vmem>>) dst(%dma_wait3A_139 : memref<10112x64xf32, #tpu.memory_space<vmem_shared>>)
      tpu.yield
    }) : () -> ()
    %dma_wait3A_105 = arith.constant 0 : i32
    %dma_wait3A_106 = tpu.memref_slice %arg8[%dma_wait3A_105] : memref<10240xi32, #tpu.memory_space<vmem>> -> memref<128xi32, #tpu.memory_space<vmem>>
    %dma_wait3A_107 = arith.constant 0 : i32
    %dma_wait3A_108 = arith.constant 0 : i32
    %dma_wait3A_109 = tpu.memref_slice %arg2[%dma_wait3A_107, %dma_wait3A_108] : memref<160000x64xf32, #tpu.memory_space<hbm>> -> memref<160000x64xf32, #tpu.memory_space<hbm>>
    tpu.wait_indirect_dma semaphore(%arg17 : memref<!tpu.dma_semaphore, #tpu.memory_space<semaphore_mem>>) src(%dma_wait3A_109 : memref<160000x64xf32, #tpu.memory_space<hbm>>) dst(%arg12 : memref<128x64xf32, #tpu.memory_space<vmem>>)
    "tpu.region"() ({
      %run_scoped3A = tpu.sem_alloc : memref<!tpu.dma_semaphore, #tpu.memory_space<semaphore_mem>>
      %dma_start3A_130 = arith.constant 9856 : i32
      %dma_start3A_131 = tpu.memref_slice %arg10[%dma_start3A_130] : memref<10240xi32, #tpu.memory_space<vmem>> -> memref<128xi32, #tpu.memory_space<vmem>>
      %dma_start3A_132 = arith.constant 0 : i32
      %dma_start3A_133 = arith.constant 0 : i32
      %dma_start3A_134 = tpu.memref_slice %arg15[%dma_start3A_132, %dma_start3A_133] : memref<10112x64xf32, #tpu.memory_space<vmem_shared>> -> memref<10112x64xf32, #tpu.memory_space<vmem_shared>>
      tpu.enqueue_indirect_dma source(%arg12 : memref<128x64xf32, #tpu.memory_space<vmem>>) target(%dma_start3A_134 : memref<10112x64xf32, #tpu.memory_space<vmem_shared>>) offsets(%dma_start3A_131 : memref<128xi32, #tpu.memory_space<vmem>>) semaphore(%run_scoped3A : memref<!tpu.dma_semaphore, #tpu.memory_space<semaphore_mem>>) {add = true}
      %dma_wait3A_135 = arith.constant 9856 : i32
      %dma_wait3A_136 = tpu.memref_slice %arg10[%dma_wait3A_135] : memref<10240xi32, #tpu.memory_space<vmem>> -> memref<128xi32, #tpu.memory_space<vmem>>
      %dma_wait3A_137 = arith.constant 0 : i32
      %dma_wait3A_138 = arith.constant 0 : i32
      %dma_wait3A_139 = tpu.memref_slice %arg15[%dma_wait3A_137, %dma_wait3A_138] : memref<10112x64xf32, #tpu.memory_space<vmem_shared>> -> memref<10112x64xf32, #tpu.memory_space<vmem_shared>>
      tpu.wait_indirect_dma semaphore(%run_scoped3A : memref<!tpu.dma_semaphore, #tpu.memory_space<semaphore_mem>>) src(%arg12 : memref<128x64xf32, #tpu.memory_space<vmem>>) dst(%dma_wait3A_139 : memref<10112x64xf32, #tpu.memory_space<vmem_shared>>)
      tpu.yield
    }) : () -> ()
    %dma_wait3A_110 = arith.constant 0 : i32
    %dma_wait3A_111 = tpu.memref_slice %arg8[%dma_wait3A_110] : memref<10240xi32, #tpu.memory_space<vmem>> -> memref<128xi32, #tpu.memory_space<vmem>>
    %dma_wait3A_112 = arith.constant 0 : i32
    %dma_wait3A_113 = arith.constant 0 : i32
    %dma_wait3A_114 = tpu.memref_slice %arg2[%dma_wait3A_112, %dma_wait3A_113] : memref<160000x64xf32, #tpu.memory_space<hbm>> -> memref<160000x64xf32, #tpu.memory_space<hbm>>
    tpu.wait_indirect_dma semaphore(%arg18 : memref<!tpu.dma_semaphore, #tpu.memory_space<semaphore_mem>>) src(%dma_wait3A_114 : memref<160000x64xf32, #tpu.memory_space<hbm>>) dst(%arg13 : memref<128x64xf32, #tpu.memory_space<vmem>>)
    "tpu.region"() ({
      %run_scoped3A = tpu.sem_alloc : memref<!tpu.dma_semaphore, #tpu.memory_space<semaphore_mem>>
      %dma_start3A_130 = arith.constant 9984 : i32
      %dma_start3A_131 = tpu.memref_slice %arg10[%dma_start3A_130] : memref<10240xi32, #tpu.memory_space<vmem>> -> memref<128xi32, #tpu.memory_space<vmem>>
      %dma_start3A_132 = arith.constant 0 : i32
      %dma_start3A_133 = arith.constant 0 : i32
      %dma_start3A_134 = tpu.memref_slice %arg15[%dma_start3A_132, %dma_start3A_133] : memref<10112x64xf32, #tpu.memory_space<vmem_shared>> -> memref<10112x64xf32, #tpu.memory_space<vmem_shared>>
      tpu.enqueue_indirect_dma source(%arg13 : memref<128x64xf32, #tpu.memory_space<vmem>>) target(%dma_start3A_134 : memref<10112x64xf32, #tpu.memory_space<vmem_shared>>) offsets(%dma_start3A_131 : memref<128xi32, #tpu.memory_space<vmem>>) semaphore(%run_scoped3A : memref<!tpu.dma_semaphore, #tpu.memory_space<semaphore_mem>>) {add = true}
      %dma_wait3A_135 = arith.constant 9984 : i32
      %dma_wait3A_136 = tpu.memref_slice %arg10[%dma_wait3A_135] : memref<10240xi32, #tpu.memory_space<vmem>> -> memref<128xi32, #tpu.memory_space<vmem>>
      %dma_wait3A_137 = arith.constant 0 : i32
      %dma_wait3A_138 = arith.constant 0 : i32
      %dma_wait3A_139 = tpu.memref_slice %arg15[%dma_wait3A_137, %dma_wait3A_138] : memref<10112x64xf32, #tpu.memory_space<vmem_shared>> -> memref<10112x64xf32, #tpu.memory_space<vmem_shared>>
      tpu.wait_indirect_dma semaphore(%run_scoped3A : memref<!tpu.dma_semaphore, #tpu.memory_space<semaphore_mem>>) src(%arg13 : memref<128x64xf32, #tpu.memory_space<vmem>>) dst(%dma_wait3A_139 : memref<10112x64xf32, #tpu.memory_space<vmem_shared>>)
      tpu.yield
    }) : () -> ()
    %dma_wait3A_115 = arith.constant 0 : i32
    %dma_wait3A_116 = tpu.memref_slice %arg8[%dma_wait3A_115] : memref<10240xi32, #tpu.memory_space<vmem>> -> memref<128xi32, #tpu.memory_space<vmem>>
    %dma_wait3A_117 = arith.constant 0 : i32
    %dma_wait3A_118 = arith.constant 0 : i32
    %dma_wait3A_119 = tpu.memref_slice %arg2[%dma_wait3A_117, %dma_wait3A_118] : memref<160000x64xf32, #tpu.memory_space<hbm>> -> memref<160000x64xf32, #tpu.memory_space<hbm>>
    tpu.wait_indirect_dma semaphore(%arg19 : memref<!tpu.dma_semaphore, #tpu.memory_space<semaphore_mem>>) src(%dma_wait3A_119 : memref<160000x64xf32, #tpu.memory_space<hbm>>) dst(%arg14 : memref<128x64xf32, #tpu.memory_space<vmem>>)
    "tpu.region"() ({
      %run_scoped3A = tpu.sem_alloc : memref<!tpu.dma_semaphore, #tpu.memory_space<semaphore_mem>>
      %dma_start3A_130 = arith.constant 10112 : i32
      %dma_start3A_131 = tpu.memref_slice %arg10[%dma_start3A_130] : memref<10240xi32, #tpu.memory_space<vmem>> -> memref<128xi32, #tpu.memory_space<vmem>>
      %dma_start3A_132 = arith.constant 0 : i32
      %dma_start3A_133 = arith.constant 0 : i32
      %dma_start3A_134 = tpu.memref_slice %arg15[%dma_start3A_132, %dma_start3A_133] : memref<10112x64xf32, #tpu.memory_space<vmem_shared>> -> memref<10112x64xf32, #tpu.memory_space<vmem_shared>>
      tpu.enqueue_indirect_dma source(%arg14 : memref<128x64xf32, #tpu.memory_space<vmem>>) target(%dma_start3A_134 : memref<10112x64xf32, #tpu.memory_space<vmem_shared>>) offsets(%dma_start3A_131 : memref<128xi32, #tpu.memory_space<vmem>>) semaphore(%run_scoped3A : memref<!tpu.dma_semaphore, #tpu.memory_space<semaphore_mem>>) {add = true}
      %dma_wait3A_135 = arith.constant 10112 : i32
      %dma_wait3A_136 = tpu.memref_slice %arg10[%dma_wait3A_135] : memref<10240xi32, #tpu.memory_space<vmem>> -> memref<128xi32, #tpu.memory_space<vmem>>
      %dma_wait3A_137 = arith.constant 0 : i32
      %dma_wait3A_138 = arith.constant 0 : i32
      %dma_wait3A_139 = tpu.memref_slice %arg15[%dma_wait3A_137, %dma_wait3A_138] : memref<10112x64xf32, #tpu.memory_space<vmem_shared>> -> memref<10112x64xf32, #tpu.memory_space<vmem_shared>>
      tpu.wait_indirect_dma semaphore(%run_scoped3A : memref<!tpu.dma_semaphore, #tpu.memory_space<semaphore_mem>>) src(%arg14 : memref<128x64xf32, #tpu.memory_space<vmem>>) dst(%dma_wait3A_139 : memref<10112x64xf32, #tpu.memory_space<vmem_shared>>)
      tpu.yield
    }) : () -> ()
    %barrier3A_120 = arith.constant 0 : index
    tpu.barrier barrier_id(%barrier3A_120)
    %add3A_121 = arith.constant 2 : i32
    %add3A_122 = arith.addi %add3A_121, %arg0 : i32
    %mul3A_123 = arith.constant 632 : i32
    %mul3A_124 = arith.muli %arg1, %mul3A_123 : i32
    %mul3A_125 = arith.constant 10112 : i32
    %mul3A_126 = arith.muli %add3A_122, %mul3A_125 : i32
    %mul3A_127 = arith.constant 632 : i32
    %mul3A_128 = arith.muli %arg1, %mul3A_127 : i32
    %add3A_129 = arith.addi %mul3A_126, %mul3A_128 : i32
    "tpu.region"() ({
      %run_scoped3A = tpu.sem_alloc : memref<!tpu.dma_semaphore, #tpu.memory_space<semaphore_mem>>
      %dma_start3A_130 = arith.constant 0 : i32
      %dma_start3A_131 = tpu.memref_slice %arg7[%add3A_129, %dma_start3A_130] : memref<40448x64xf32, #tpu.memory_space<hbm>> -> memref<632x64xf32, #tpu.memory_space<hbm>>
      %dma_start3A_132 = arith.constant 0 : i32
      %dma_start3A_133 = tpu.memref_slice %arg15[%mul3A_124, %dma_start3A_132] : memref<10112x64xf32, #tpu.memory_space<vmem_shared>> -> memref<632x64xf32, #tpu.memory_space<vmem_shared>>
      tpu.enqueue_dma source(%dma_start3A_133 : memref<632x64xf32, #tpu.memory_space<vmem_shared>>) target(%dma_start3A_131 : memref<632x64xf32, #tpu.memory_space<hbm>>) target_semaphore(%run_scoped3A : memref<!tpu.dma_semaphore, #tpu.memory_space<semaphore_mem>>)
      %dma_wait3A_134 = arith.constant 0 : i32
      %dma_wait3A_135 = tpu.memref_slice %arg7[%add3A_129, %dma_wait3A_134] : memref<40448x64xf32, #tpu.memory_space<hbm>> -> memref<632x64xf32, #tpu.memory_space<hbm>>
      %dma_wait3A_136 = arith.constant 0 : i32
      %dma_wait3A_137 = tpu.memref_slice %arg15[%mul3A_124, %dma_wait3A_136] : memref<10112x64xf32, #tpu.memory_space<vmem_shared>> -> memref<632x64xf32, #tpu.memory_space<vmem_shared>>
      tpu.wait_dma2 semaphore(%run_scoped3A : memref<!tpu.dma_semaphore, #tpu.memory_space<semaphore_mem>>) src(%dma_wait3A_137 : memref<632x64xf32, #tpu.memory_space<vmem_shared>>) dst(%dma_wait3A_135 : memref<632x64xf32, #tpu.memory_space<hbm>>)
      tpu.yield
    }) : () -> ()
    return
  }
}

#map = affine_map<(d0, d1) -> (0, 0)>
module attributes {stable_mosaic.version = 14 : i64} {
  func.func @_sc_body(%arg0: i32, %arg1: i32, %arg2: memref<160000x64xf32, #tpu.memory_space<hbm>>, %arg3: memref<16x10240xi32, #tpu.memory_space<hbm>>, %arg4: memref<16x10240xi32, #tpu.memory_space<hbm>>, %arg5: memref<16x10240xi32, #tpu.memory_space<hbm>>, %arg6: memref<632x64xf32, #tpu.memory_space<hbm>>, %arg7: memref<40448x64xf32, #tpu.memory_space<hbm>>, %arg8: memref<10240xi32, #tpu.memory_space<vmem>>, %arg9: memref<10240xi32, #tpu.memory_space<vmem>>, %arg10: memref<10240xi32, #tpu.memory_space<vmem>>, %arg11: memref<128x64xf32, #tpu.memory_space<vmem>>, %arg12: memref<128x64xf32, #tpu.memory_space<vmem>>, %arg13: memref<128x64xf32, #tpu.memory_space<vmem>>, %arg14: memref<128x64xf32, #tpu.memory_space<vmem>>, %arg15: memref<10112x64xf32, #tpu.memory_space<vmem_shared>>, %arg16: memref<!tpu.dma_semaphore, #tpu.memory_space<semaphore_mem>>, %arg17: memref<!tpu.dma_semaphore, #tpu.memory_space<semaphore_mem>>, %arg18: memref<!tpu.dma_semaphore, #tpu.memory_space<semaphore_mem>>, %arg19: memref<!tpu.dma_semaphore, #tpu.memory_space<semaphore_mem>>) attributes {dimension_semantics = [#tpu.dimension_semantics<core_parallel>, #tpu.dimension_semantics<subcore_parallel>], iteration_bounds = array<i64: 2, 16>, scalar_prefetch = 0 : i64, scratch_operands = 12 : i64, tpu.core_type = #tpu.core_type<sc_vector_subcore>, window_params = [{transform_indices = #map}, {transform_indices = #map}, {transform_indices = #map}, {transform_indices = #map}, {transform_indices = #map}, {transform_indices = #map}]} {
    "tpu.region"() ({
      %run_scoped3A = tpu.sem_alloc : memref<!tpu.dma_semaphore, #tpu.memory_space<semaphore_mem>>
      %dma_start3A_130 = arith.constant 0 : i32
      %dma_start3A_131 = tpu.memref_slice %arg3[%arg1, %dma_start3A_130] : memref<16x10240xi32, #tpu.memory_space<hbm>> -> memref<1x10240xi32, #tpu.memory_space<hbm>>
      %dma_start3A_132 = tpu.memref_squeeze %dma_start3A_131 : memref<1x10240xi32, #tpu.memory_space<hbm>> -> memref<10240xi32, #tpu.memory_space<hbm>>
      %dma_start3A_133 = arith.constant 0 : i32
      %dma_start3A_134 = tpu.memref_slice %arg3[%arg1, %dma_start3A_133] : memref<16x10240xi32, #tpu.memory_space<hbm>> -> memref<1x10240xi32, #tpu.memory_space<hbm>>
      %dma_start3A_135 = tpu.memref_squeeze %dma_start3A_134 : memref<1x10240xi32, #tpu.memory_space<hbm>> -> memref<10240xi32, #tpu.memory_space<hbm>>
      tpu.enqueue_dma source(%dma_start3A_135 : memref<10240xi32, #tpu.memory_space<hbm>>) target(%arg8 : memref<10240xi32, #tpu.memory_space<vmem>>) target_semaphore(%run_scoped3A : memref<!tpu.dma_semaphore, #tpu.memory_space<semaphore_mem>>)
      %dma_wait3A_136 = arith.constant 0 : i32
      %dma_wait3A_137 = tpu.memref_slice %arg3[%arg1, %dma_wait3A_136] : memref<16x10240xi32, #tpu.memory_space<hbm>> -> memref<1x10240xi32, #tpu.memory_space<hbm>>
      %dma_wait3A_138 = tpu.memref_squeeze %dma_wait3A_137 : memref<1x10240xi32, #tpu.memory_space<hbm>> -> memref<10240xi32, #tpu.memory_space<hbm>>
      %dma_wait3A_139 = arith.constant 0 : i32
      %dma_wait3A_140 = tpu.memref_slice %arg3[%arg1, %dma_wait3A_139] : memref<16x10240xi32, #tpu.memory_space<hbm>> -> memref<1x10240xi32, #tpu.memory_space<hbm>>
      %dma_wait3A_141 = tpu.memref_squeeze %dma_wait3A_140 : memref<1x10240xi32, #tpu.memory_space<hbm>> -> memref<10240xi32, #tpu.memory_space<hbm>>
      tpu.wait_dma2 semaphore(%run_scoped3A : memref<!tpu.dma_semaphore, #tpu.memory_space<semaphore_mem>>) src(%dma_wait3A_141 : memref<10240xi32, #tpu.memory_space<hbm>>) dst(%arg8 : memref<10240xi32, #tpu.memory_space<vmem>>)
      tpu.yield
    }) : () -> ()
    "tpu.region"() ({
      %run_scoped3A = tpu.sem_alloc : memref<!tpu.dma_semaphore, #tpu.memory_space<semaphore_mem>>
      %dma_start3A_130 = arith.constant 0 : i32
      %dma_start3A_131 = tpu.memref_slice %arg4[%arg1, %dma_start3A_130] : memref<16x10240xi32, #tpu.memory_space<hbm>> -> memref<1x10240xi32, #tpu.memory_space<hbm>>
      %dma_start3A_132 = tpu.memref_squeeze %dma_start3A_131 : memref<1x10240xi32, #tpu.memory_space<hbm>> -> memref<10240xi32, #tpu.memory_space<hbm>>
      %dma_start3A_133 = arith.constant 0 : i32
      %dma_start3A_134 = tpu.memref_slice %arg4[%arg1, %dma_start3A_133] : memref<16x10240xi32, #tpu.memory_space<hbm>> -> memref<1x10240xi32, #tpu.memory_space<hbm>>
      %dma_start3A_135 = tpu.memref_squeeze %dma_start3A_134 : memref<1x10240xi32, #tpu.memory_space<hbm>> -> memref<10240xi32, #tpu.memory_space<hbm>>
      tpu.enqueue_dma source(%dma_start3A_135 : memref<10240xi32, #tpu.memory_space<hbm>>) target(%arg9 : memref<10240xi32, #tpu.memory_space<vmem>>) target_semaphore(%run_scoped3A : memref<!tpu.dma_semaphore, #tpu.memory_space<semaphore_mem>>)
      %dma_wait3A_136 = arith.constant 0 : i32
      %dma_wait3A_137 = tpu.memref_slice %arg4[%arg1, %dma_wait3A_136] : memref<16x10240xi32, #tpu.memory_space<hbm>> -> memref<1x10240xi32, #tpu.memory_space<hbm>>
      %dma_wait3A_138 = tpu.memref_squeeze %dma_wait3A_137 : memref<1x10240xi32, #tpu.memory_space<hbm>> -> memref<10240xi32, #tpu.memory_space<hbm>>
      %dma_wait3A_139 = arith.constant 0 : i32
      %dma_wait3A_140 = tpu.memref_slice %arg4[%arg1, %dma_wait3A_139] : memref<16x10240xi32, #tpu.memory_space<hbm>> -> memref<1x10240xi32, #tpu.memory_space<hbm>>
      %dma_wait3A_141 = tpu.memref_squeeze %dma_wait3A_140 : memref<1x10240xi32, #tpu.memory_space<hbm>> -> memref<10240xi32, #tpu.memory_space<hbm>>
      tpu.wait_dma2 semaphore(%run_scoped3A : memref<!tpu.dma_semaphore, #tpu.memory_space<semaphore_mem>>) src(%dma_wait3A_141 : memref<10240xi32, #tpu.memory_space<hbm>>) dst(%arg9 : memref<10240xi32, #tpu.memory_space<vmem>>)
      tpu.yield
    }) : () -> ()
    "tpu.region"() ({
      %run_scoped3A = tpu.sem_alloc : memref<!tpu.dma_semaphore, #tpu.memory_space<semaphore_mem>>
      %dma_start3A_130 = arith.constant 0 : i32
      %dma_start3A_131 = tpu.memref_slice %arg5[%arg1, %dma_start3A_130] : memref<16x10240xi32, #tpu.memory_space<hbm>> -> memref<1x10240xi32, #tpu.memory_space<hbm>>
      %dma_start3A_132 = tpu.memref_squeeze %dma_start3A_131 : memref<1x10240xi32, #tpu.memory_space<hbm>> -> memref<10240xi32, #tpu.memory_space<hbm>>
      %dma_start3A_133 = arith.constant 0 : i32
      %dma_start3A_134 = tpu.memref_slice %arg5[%arg1, %dma_start3A_133] : memref<16x10240xi32, #tpu.memory_space<hbm>> -> memref<1x10240xi32, #tpu.memory_space<hbm>>
      %dma_start3A_135 = tpu.memref_squeeze %dma_start3A_134 : memref<1x10240xi32, #tpu.memory_space<hbm>> -> memref<10240xi32, #tpu.memory_space<hbm>>
      tpu.enqueue_dma source(%dma_start3A_135 : memref<10240xi32, #tpu.memory_space<hbm>>) target(%arg10 : memref<10240xi32, #tpu.memory_space<vmem>>) target_semaphore(%run_scoped3A : memref<!tpu.dma_semaphore, #tpu.memory_space<semaphore_mem>>)
      %dma_wait3A_136 = arith.constant 0 : i32
      %dma_wait3A_137 = tpu.memref_slice %arg5[%arg1, %dma_wait3A_136] : memref<16x10240xi32, #tpu.memory_space<hbm>> -> memref<1x10240xi32, #tpu.memory_space<hbm>>
      %dma_wait3A_138 = tpu.memref_squeeze %dma_wait3A_137 : memref<1x10240xi32, #tpu.memory_space<hbm>> -> memref<10240xi32, #tpu.memory_space<hbm>>
      %dma_wait3A_139 = arith.constant 0 : i32
      %dma_wait3A_140 = tpu.memref_slice %arg5[%arg1, %dma_wait3A_139] : memref<16x10240xi32, #tpu.memory_space<hbm>> -> memref<1x10240xi32, #tpu.memory_space<hbm>>
      %dma_wait3A_141 = tpu.memref_squeeze %dma_wait3A_140 : memref<1x10240xi32, #tpu.memory_space<hbm>> -> memref<10240xi32, #tpu.memory_space<hbm>>
      tpu.wait_dma2 semaphore(%run_scoped3A : memref<!tpu.dma_semaphore, #tpu.memory_space<semaphore_mem>>) src(%dma_wait3A_141 : memref<10240xi32, #tpu.memory_space<hbm>>) dst(%arg10 : memref<10240xi32, #tpu.memory_space<vmem>>)
      tpu.yield
    }) : () -> ()
    %mul3A = arith.constant 40000 : i32
    %mul3A_0 = arith.muli %arg0, %mul3A : i32
    %scan3A = arith.constant 0 : i32
    %scan3A_1 = arith.constant 0 : i32
    %scan3A_2 = arith.constant 640 : i32
    %scan3A_3 = arith.addi %scan3A_1, %scan3A_2 : i32
    %scan3A_4 = arith.constant 1 : i32
    %scan3A_5 = scf.for %scan3A_130 = %scan3A_1 to %scan3A_3 step %scan3A_4 iter_args(%scan3A_131 = %scan3A) -> (i32)  : i32 {
      %mul3A_132 = arith.constant 16 : i32
      %mul3A_133 = arith.muli %scan3A_130, %mul3A_132 : i32
      %get3A = arith.index_cast %mul3A_133 : i32 to index
      %get3A_134 = tpu.vector_load %arg8[%get3A] {strides = array<i32>} : memref<10240xi32, #tpu.memory_space<vmem>>, vector<16xi32>,
      %get3A_135 = vector.shape_cast %get3A_134 : vector<16xi32> to vector<16xi32>
      %get3A_136 = arith.index_cast %mul3A_133 : i32 to index
      %get3A_137 = tpu.vector_load %arg9[%get3A_136] {strides = array<i32>} : memref<10240xi32, #tpu.memory_space<vmem>>, vector<16xi32>,
      %get3A_138 = vector.shape_cast %get3A_137 : vector<16xi32> to vector<16xi32>
      %mul3A_139 = arith.constant 10000 : i32
      %mul3A_140 = vector.broadcast %mul3A_139 : i32 to vector<16xi32>
      %mul3A_141 = arith.muli %get3A_138, %mul3A_140 : vector<16xi32>
      %add3A_142 = arith.addi %mul3A_141, %get3A_135 : vector<16xi32>
      %add3A_143 = vector.broadcast %mul3A_0 : i32 to vector<16xi32>
      %add3A_144 = arith.addi %add3A_142, %add3A_143 : vector<16xi32>
      %swap3A = arith.index_cast %mul3A_133 : i32 to index
      %swap3A_145 = tpu.vector_load %arg8[%swap3A] {strides = array<i32>} : memref<10240xi32, #tpu.memory_space<vmem>>, vector<16xi32>,
      %swap3A_146 = vector.shape_cast %swap3A_145 : vector<16xi32> to vector<16xi32>
      %swap3A_147 = vector.shape_cast %add3A_144 : vector<16xi32> to vector<16xi32>
      tpu.vector_store %arg8[%swap3A], %swap3A_147 {strides = array<i32>} : memref<10240xi32, #tpu.memory_space<vmem>>, vector<16xi32>,
      %scan3A_148 = arith.constant 0 : i32
      scf.yield %scan3A_148 : i32
    }
    %scan3A_6 = arith.constant 640 : i32
    %mul3A_7 = arith.constant 632 : i32
    %mul3A_8 = arith.muli %arg1, %mul3A_7 : i32
    "tpu.region"() ({
      %run_scoped3A = tpu.sem_alloc : memref<!tpu.dma_semaphore, #tpu.memory_space<semaphore_mem>>
      %dma_start3A_130 = arith.constant 0 : i32
      %dma_start3A_131 = tpu.memref_slice %arg15[%mul3A_8, %dma_start3A_130] : memref<10112x64xf32, #tpu.memory_space<vmem_shared>> -> memref<632x64xf32, #tpu.memory_space<vmem_shared>>
      tpu.enqueue_dma source(%arg6 : memref<632x64xf32, #tpu.memory_space<hbm>>) target(%dma_start3A_131 : memref<632x64xf32, #tpu.memory_space<vmem_shared>>) target_semaphore(%run_scoped3A : memref<!tpu.dma_semaphore, #tpu.memory_space<semaphore_mem>>)
      %dma_wait3A_132 = arith.constant 0 : i32
      %dma_wait3A_133 = tpu.memref_slice %arg15[%mul3A_8, %dma_wait3A_132] : memref<10112x64xf32, #tpu.memory_space<vmem_shared>> -> memref<632x64xf32, #tpu.memory_space<vmem_shared>>
      tpu.wait_dma2 semaphore(%run_scoped3A : memref<!tpu.dma_semaphore, #tpu.memory_space<semaphore_mem>>) src(%arg6 : memref<632x64xf32, #tpu.memory_space<hbm>>) dst(%dma_wait3A_133 : memref<632x64xf32, #tpu.memory_space<vmem_shared>>)
      tpu.yield
    }) : () -> ()
    %barrier3A = arith.constant 0 : index
    tpu.barrier barrier_id(%barrier3A)
    %dma_start3A = arith.constant 0 : i32
    %dma_start3A_9 = tpu.memref_slice %arg8[%dma_start3A] : memref<10240xi32, #tpu.memory_space<vmem>> -> memref<128xi32, #tpu.memory_space<vmem>>
    %dma_start3A_10 = arith.constant 0 : i32
    %dma_start3A_11 = arith.constant 0 : i32
    %dma_start3A_12 = tpu.memref_slice %arg2[%dma_start3A_10, %dma_start3A_11] : memref<160000x64xf32, #tpu.memory_space<hbm>> -> memref<160000x64xf32, #tpu.memory_space<hbm>>
    tpu.enqueue_indirect_dma source(%dma_start3A_12 : memref<160000x64xf32, #tpu.memory_space<hbm>>) target(%arg11 : memref<128x64xf32, #tpu.memory_space<vmem>>) offsets(%dma_start3A_9 : memref<128xi32, #tpu.memory_space<vmem>>) semaphore(%arg16 : memref<!tpu.dma_semaphore, #tpu.memory_space<semaphore_mem>>)
    %dma_start3A_13 = arith.constant 128 : i32
    %dma_start3A_14 = tpu.memref_slice %arg8[%dma_start3A_13] : memref<10240xi32, #tpu.memory_space<vmem>> -> memref<128xi32, #tpu.memory_space<vmem>>
    %dma_start3A_15 = arith.constant 0 : i32
    %dma_start3A_16 = arith.constant 0 : i32
    %dma_start3A_17 = tpu.memref_slice %arg2[%dma_start3A_15, %dma_start3A_16] : memref<160000x64xf32, #tpu.memory_space<hbm>> -> memref<160000x64xf32, #tpu.memory_space<hbm>>
    tpu.enqueue_indirect_dma source(%dma_start3A_17 : memref<160000x64xf32, #tpu.memory_space<hbm>>) target(%arg12 : memref<128x64xf32, #tpu.memory_space<vmem>>) offsets(%dma_start3A_14 : memref<128xi32, #tpu.memory_space<vmem>>) semaphore(%arg17 : memref<!tpu.dma_semaphore, #tpu.memory_space<semaphore_mem>>)
    %dma_start3A_18 = arith.constant 256 : i32
    %dma_start3A_19 = tpu.memref_slice %arg8[%dma_start3A_18] : memref<10240xi32, #tpu.memory_space<vmem>> -> memref<128xi32, #tpu.memory_space<vmem>>
    %dma_start3A_20 = arith.constant 0 : i32
    %dma_start3A_21 = arith.constant 0 : i32
    %dma_start3A_22 = tpu.memref_slice %arg2[%dma_start3A_20, %dma_start3A_21] : memref<160000x64xf32, #tpu.memory_space<hbm>> -> memref<160000x64xf32, #tpu.memory_space<hbm>>
    tpu.enqueue_indirect_dma source(%dma_start3A_22 : memref<160000x64xf32, #tpu.memory_space<hbm>>) target(%arg13 : memref<128x64xf32, #tpu.memory_space<vmem>>) offsets(%dma_start3A_19 : memref<128xi32, #tpu.memory_space<vmem>>) semaphore(%arg18 : memref<!tpu.dma_semaphore, #tpu.memory_space<semaphore_mem>>)
    %dma_start3A_23 = arith.constant 384 : i32
    %dma_start3A_24 = tpu.memref_slice %arg8[%dma_start3A_23] : memref<10240xi32, #tpu.memory_space<vmem>> -> memref<128xi32, #tpu.memory_space<vmem>>
    %dma_start3A_25 = arith.constant 0 : i32
    %dma_start3A_26 = arith.constant 0 : i32
    %dma_start3A_27 = tpu.memref_slice %arg2[%dma_start3A_25, %dma_start3A_26] : memref<160000x64xf32, #tpu.memory_space<hbm>> -> memref<160000x64xf32, #tpu.memory_space<hbm>>
    tpu.enqueue_indirect_dma source(%dma_start3A_27 : memref<160000x64xf32, #tpu.memory_space<hbm>>) target(%arg14 : memref<128x64xf32, #tpu.memory_space<vmem>>) offsets(%dma_start3A_24 : memref<128xi32, #tpu.memory_space<vmem>>) semaphore(%arg19 : memref<!tpu.dma_semaphore, #tpu.memory_space<semaphore_mem>>)
    %scan3A_28 = arith.constant 0 : i32
    %scan3A_29 = arith.constant 0 : i32
    %scan3A_30 = arith.constant 19 : i32
    %scan3A_31 = arith.addi %scan3A_29, %scan3A_30 : i32
    %scan3A_32 = arith.constant 1 : i32
    %scan3A_33 = scf.for %scan3A_130 = %scan3A_29 to %scan3A_31 step %scan3A_32 iter_args(%scan3A_131 = %scan3A_28) -> (i32)  : i32 {
      %mul3A_132 = arith.constant 4 : i32
      %mul3A_133 = arith.muli %mul3A_132, %scan3A_130 : i32
      %dma_wait3A_134 = arith.constant 0 : i32
      %dma_wait3A_135 = tpu.memref_slice %arg8[%dma_wait3A_134] : memref<10240xi32, #tpu.memory_space<vmem>> -> memref<128xi32, #tpu.memory_space<vmem>>
      %dma_wait3A_136 = arith.constant 0 : i32
      %dma_wait3A_137 = arith.constant 0 : i32
      %dma_wait3A_138 = tpu.memref_slice %arg2[%dma_wait3A_136, %dma_wait3A_137] : memref<160000x64xf32, #tpu.memory_space<hbm>> -> memref<160000x64xf32, #tpu.memory_space<hbm>>
      tpu.wait_indirect_dma semaphore(%arg16 : memref<!tpu.dma_semaphore, #tpu.memory_space<semaphore_mem>>) src(%dma_wait3A_138 : memref<160000x64xf32, #tpu.memory_space<hbm>>) dst(%arg11 : memref<128x64xf32, #tpu.memory_space<vmem>>)
      %add3A_139 = arith.constant 0 : i32
      %add3A_140 = arith.addi %mul3A_133, %add3A_139 : i32
      %mul3A_141 = arith.constant 128 : i32
      %mul3A_142 = arith.muli %mul3A_141, %add3A_140 : i32
      "tpu.region"() ({
        %run_scoped3A = tpu.sem_alloc : memref<!tpu.dma_semaphore, #tpu.memory_space<semaphore_mem>>
        %dma_start3A_211 = tpu.memref_slice %arg10[%mul3A_142] : memref<10240xi32, #tpu.memory_space<vmem>> -> memref<128xi32, #tpu.memory_space<vmem>>
        %dma_start3A_212 = arith.constant 0 : i32
        %dma_start3A_213 = arith.constant 0 : i32
        %dma_start3A_214 = tpu.memref_slice %arg15[%dma_start3A_212, %dma_start3A_213] : memref<10112x64xf32, #tpu.memory_space<vmem_shared>> -> memref<10112x64xf32, #tpu.memory_space<vmem_shared>>
        tpu.enqueue_indirect_dma source(%arg11 : memref<128x64xf32, #tpu.memory_space<vmem>>) target(%dma_start3A_214 : memref<10112x64xf32, #tpu.memory_space<vmem_shared>>) offsets(%dma_start3A_211 : memref<128xi32, #tpu.memory_space<vmem>>) semaphore(%run_scoped3A : memref<!tpu.dma_semaphore, #tpu.memory_space<semaphore_mem>>) {add = true}
        %dma_wait3A_215 = tpu.memref_slice %arg10[%mul3A_142] : memref<10240xi32, #tpu.memory_space<vmem>> -> memref<128xi32, #tpu.memory_space<vmem>>
        %dma_wait3A_216 = arith.constant 0 : i32
        %dma_wait3A_217 = arith.constant 0 : i32
        %dma_wait3A_218 = tpu.memref_slice %arg15[%dma_wait3A_216, %dma_wait3A_217] : memref<10112x64xf32, #tpu.memory_space<vmem_shared>> -> memref<10112x64xf32, #tpu.memory_space<vmem_shared>>
        tpu.wait_indirect_dma semaphore(%run_scoped3A : memref<!tpu.dma_semaphore, #tpu.memory_space<semaphore_mem>>) src(%arg11 : memref<128x64xf32, #tpu.memory_space<vmem>>) dst(%dma_wait3A_218 : memref<10112x64xf32, #tpu.memory_space<vmem_shared>>)
        tpu.yield
      }) : () -> ()
      %add3A_143 = arith.constant 0 : i32
      %add3A_144 = arith.addi %mul3A_133, %add3A_143 : i32
      %add3A_145 = arith.constant 4 : i32
      %add3A_146 = arith.addi %add3A_144, %add3A_145 : i32
      %mul3A_147 = arith.constant 128 : i32
      %mul3A_148 = arith.muli %mul3A_147, %add3A_146 : i32
      %dma_start3A_149 = tpu.memref_slice %arg8[%mul3A_148] : memref<10240xi32, #tpu.memory_space<vmem>> -> memref<128xi32, #tpu.memory_space<vmem>>
      %dma_start3A_150 = arith.constant 0 : i32
      %dma_start3A_151 = arith.constant 0 : i32
      %dma_start3A_152 = tpu.memref_slice %arg2[%dma_start3A_150, %dma_start3A_151] : memref<160000x64xf32, #tpu.memory_space<hbm>> -> memref<160000x64xf32, #tpu.memory_space<hbm>>
      tpu.enqueue_indirect_dma source(%dma_start3A_152 : memref<160000x64xf32, #tpu.memory_space<hbm>>) target(%arg11 : memref<128x64xf32, #tpu.memory_space<vmem>>) offsets(%dma_start3A_149 : memref<128xi32, #tpu.memory_space<vmem>>) semaphore(%arg16 : memref<!tpu.dma_semaphore, #tpu.memory_space<semaphore_mem>>)
      %dma_wait3A_153 = arith.constant 0 : i32
      %dma_wait3A_154 = tpu.memref_slice %arg8[%dma_wait3A_153] : memref<10240xi32, #tpu.memory_space<vmem>> -> memref<128xi32, #tpu.memory_space<vmem>>
      %dma_wait3A_155 = arith.constant 0 : i32
      %dma_wait3A_156 = arith.constant 0 : i32
      %dma_wait3A_157 = tpu.memref_slice %arg2[%dma_wait3A_155, %dma_wait3A_156] : memref<160000x64xf32, #tpu.memory_space<hbm>> -> memref<160000x64xf32, #tpu.memory_space<hbm>>
      tpu.wait_indirect_dma semaphore(%arg17 : memref<!tpu.dma_semaphore, #tpu.memory_space<semaphore_mem>>) src(%dma_wait3A_157 : memref<160000x64xf32, #tpu.memory_space<hbm>>) dst(%arg12 : memref<128x64xf32, #tpu.memory_space<vmem>>)
      %add3A_158 = arith.constant 1 : i32
      %add3A_159 = arith.addi %mul3A_133, %add3A_158 : i32
      %mul3A_160 = arith.constant 128 : i32
      %mul3A_161 = arith.muli %mul3A_160, %add3A_159 : i32
      "tpu.region"() ({
        %run_scoped3A = tpu.sem_alloc : memref<!tpu.dma_semaphore, #tpu.memory_space<semaphore_mem>>
        %dma_start3A_211 = tpu.memref_slice %arg10[%mul3A_161] : memref<10240xi32, #tpu.memory_space<vmem>> -> memref<128xi32, #tpu.memory_space<vmem>>
        %dma_start3A_212 = arith.constant 0 : i32
        %dma_start3A_213 = arith.constant 0 : i32
        %dma_start3A_214 = tpu.memref_slice %arg15[%dma_start3A_212, %dma_start3A_213] : memref<10112x64xf32, #tpu.memory_space<vmem_shared>> -> memref<10112x64xf32, #tpu.memory_space<vmem_shared>>
        tpu.enqueue_indirect_dma source(%arg12 : memref<128x64xf32, #tpu.memory_space<vmem>>) target(%dma_start3A_214 : memref<10112x64xf32, #tpu.memory_space<vmem_shared>>) offsets(%dma_start3A_211 : memref<128xi32, #tpu.memory_space<vmem>>) semaphore(%run_scoped3A : memref<!tpu.dma_semaphore, #tpu.memory_space<semaphore_mem>>) {add = true}
        %dma_wait3A_215 = tpu.memref_slice %arg10[%mul3A_161] : memref<10240xi32, #tpu.memory_space<vmem>> -> memref<128xi32, #tpu.memory_space<vmem>>
        %dma_wait3A_216 = arith.constant 0 : i32
        %dma_wait3A_217 = arith.constant 0 : i32
        %dma_wait3A_218 = tpu.memref_slice %arg15[%dma_wait3A_216, %dma_wait3A_217] : memref<10112x64xf32, #tpu.memory_space<vmem_shared>> -> memref<10112x64xf32, #tpu.memory_space<vmem_shared>>
        tpu.wait_indirect_dma semaphore(%run_scoped3A : memref<!tpu.dma_semaphore, #tpu.memory_space<semaphore_mem>>) src(%arg12 : memref<128x64xf32, #tpu.memory_space<vmem>>) dst(%dma_wait3A_218 : memref<10112x64xf32, #tpu.memory_space<vmem_shared>>)
        tpu.yield
      }) : () -> ()
      %add3A_162 = arith.constant 1 : i32
      %add3A_163 = arith.addi %mul3A_133, %add3A_162 : i32
      %add3A_164 = arith.constant 4 : i32
      %add3A_165 = arith.addi %add3A_163, %add3A_164 : i32
      %mul3A_166 = arith.constant 128 : i32
      %mul3A_167 = arith.muli %mul3A_166, %add3A_165 : i32
      %dma_start3A_168 = tpu.memref_slice %arg8[%mul3A_167] : memref<10240xi32, #tpu.memory_space<vmem>> -> memref<128xi32, #tpu.memory_space<vmem>>
      %dma_start3A_169 = arith.constant 0 : i32
      %dma_start3A_170 = arith.constant 0 : i32
      %dma_start3A_171 = tpu.memref_slice %arg2[%dma_start3A_169, %dma_start3A_170] : memref<160000x64xf32, #tpu.memory_space<hbm>> -> memref<160000x64xf32, #tpu.memory_space<hbm>>
      tpu.enqueue_indirect_dma source(%dma_start3A_171 : memref<160000x64xf32, #tpu.memory_space<hbm>>) target(%arg12 : memref<128x64xf32, #tpu.memory_space<vmem>>) offsets(%dma_start3A_168 : memref<128xi32, #tpu.memory_space<vmem>>) semaphore(%arg17 : memref<!tpu.dma_semaphore, #tpu.memory_space<semaphore_mem>>)
      %dma_wait3A_172 = arith.constant 0 : i32
      %dma_wait3A_173 = tpu.memref_slice %arg8[%dma_wait3A_172] : memref<10240xi32, #tpu.memory_space<vmem>> -> memref<128xi32, #tpu.memory_space<vmem>>
      %dma_wait3A_174 = arith.constant 0 : i32
      %dma_wait3A_175 = arith.constant 0 : i32
      %dma_wait3A_176 = tpu.memref_slice %arg2[%dma_wait3A_174, %dma_wait3A_175] : memref<160000x64xf32, #tpu.memory_space<hbm>> -> memref<160000x64xf32, #tpu.memory_space<hbm>>
      tpu.wait_indirect_dma semaphore(%arg18 : memref<!tpu.dma_semaphore, #tpu.memory_space<semaphore_mem>>) src(%dma_wait3A_176 : memref<160000x64xf32, #tpu.memory_space<hbm>>) dst(%arg13 : memref<128x64xf32, #tpu.memory_space<vmem>>)
      %add3A_177 = arith.constant 2 : i32
      %add3A_178 = arith.addi %mul3A_133, %add3A_177 : i32
      %mul3A_179 = arith.constant 128 : i32
      %mul3A_180 = arith.muli %mul3A_179, %add3A_178 : i32
      "tpu.region"() ({
        %run_scoped3A = tpu.sem_alloc : memref<!tpu.dma_semaphore, #tpu.memory_space<semaphore_mem>>
        %dma_start3A_211 = tpu.memref_slice %arg10[%mul3A_180] : memref<10240xi32, #tpu.memory_space<vmem>> -> memref<128xi32, #tpu.memory_space<vmem>>
        %dma_start3A_212 = arith.constant 0 : i32
        %dma_start3A_213 = arith.constant 0 : i32
        %dma_start3A_214 = tpu.memref_slice %arg15[%dma_start3A_212, %dma_start3A_213] : memref<10112x64xf32, #tpu.memory_space<vmem_shared>> -> memref<10112x64xf32, #tpu.memory_space<vmem_shared>>
        tpu.enqueue_indirect_dma source(%arg13 : memref<128x64xf32, #tpu.memory_space<vmem>>) target(%dma_start3A_214 : memref<10112x64xf32, #tpu.memory_space<vmem_shared>>) offsets(%dma_start3A_211 : memref<128xi32, #tpu.memory_space<vmem>>) semaphore(%run_scoped3A : memref<!tpu.dma_semaphore, #tpu.memory_space<semaphore_mem>>) {add = true}
        %dma_wait3A_215 = tpu.memref_slice %arg10[%mul3A_180] : memref<10240xi32, #tpu.memory_space<vmem>> -> memref<128xi32, #tpu.memory_space<vmem>>
        %dma_wait3A_216 = arith.constant 0 : i32
        %dma_wait3A_217 = arith.constant 0 : i32
        %dma_wait3A_218 = tpu.memref_slice %arg15[%dma_wait3A_216, %dma_wait3A_217] : memref<10112x64xf32, #tpu.memory_space<vmem_shared>> -> memref<10112x64xf32, #tpu.memory_space<vmem_shared>>
        tpu.wait_indirect_dma semaphore(%run_scoped3A : memref<!tpu.dma_semaphore, #tpu.memory_space<semaphore_mem>>) src(%arg13 : memref<128x64xf32, #tpu.memory_space<vmem>>) dst(%dma_wait3A_218 : memref<10112x64xf32, #tpu.memory_space<vmem_shared>>)
        tpu.yield
      }) : () -> ()
      %add3A_181 = arith.constant 2 : i32
      %add3A_182 = arith.addi %mul3A_133, %add3A_181 : i32
      %add3A_183 = arith.constant 4 : i32
      %add3A_184 = arith.addi %add3A_182, %add3A_183 : i32
      %mul3A_185 = arith.constant 128 : i32
      %mul3A_186 = arith.muli %mul3A_185, %add3A_184 : i32
      %dma_start3A_187 = tpu.memref_slice %arg8[%mul3A_186] : memref<10240xi32, #tpu.memory_space<vmem>> -> memref<128xi32, #tpu.memory_space<vmem>>
      %dma_start3A_188 = arith.constant 0 : i32
      %dma_start3A_189 = arith.constant 0 : i32
      %dma_start3A_190 = tpu.memref_slice %arg2[%dma_start3A_188, %dma_start3A_189] : memref<160000x64xf32, #tpu.memory_space<hbm>> -> memref<160000x64xf32, #tpu.memory_space<hbm>>
      tpu.enqueue_indirect_dma source(%dma_start3A_190 : memref<160000x64xf32, #tpu.memory_space<hbm>>) target(%arg13 : memref<128x64xf32, #tpu.memory_space<vmem>>) offsets(%dma_start3A_187 : memref<128xi32, #tpu.memory_space<vmem>>) semaphore(%arg18 : memref<!tpu.dma_semaphore, #tpu.memory_space<semaphore_mem>>)
      %dma_wait3A_191 = arith.constant 0 : i32
      %dma_wait3A_192 = tpu.memref_slice %arg8[%dma_wait3A_191] : memref<10240xi32, #tpu.memory_space<vmem>> -> memref<128xi32, #tpu.memory_space<vmem>>
      %dma_wait3A_193 = arith.constant 0 : i32
      %dma_wait3A_194 = arith.constant 0 : i32
      %dma_wait3A_195 = tpu.memref_slice %arg2[%dma_wait3A_193, %dma_wait3A_194] : memref<160000x64xf32, #tpu.memory_space<hbm>> -> memref<160000x64xf32, #tpu.memory_space<hbm>>
      tpu.wait_indirect_dma semaphore(%arg19 : memref<!tpu.dma_semaphore, #tpu.memory_space<semaphore_mem>>) src(%dma_wait3A_195 : memref<160000x64xf32, #tpu.memory_space<hbm>>) dst(%arg14 : memref<128x64xf32, #tpu.memory_space<vmem>>)
      %add3A_196 = arith.constant 3 : i32
      %add3A_197 = arith.addi %mul3A_133, %add3A_196 : i32
      %mul3A_198 = arith.constant 128 : i32
      %mul3A_199 = arith.muli %mul3A_198, %add3A_197 : i32
      "tpu.region"() ({
        %run_scoped3A = tpu.sem_alloc : memref<!tpu.dma_semaphore, #tpu.memory_space<semaphore_mem>>
        %dma_start3A_211 = tpu.memref_slice %arg10[%mul3A_199] : memref<10240xi32, #tpu.memory_space<vmem>> -> memref<128xi32, #tpu.memory_space<vmem>>
        %dma_start3A_212 = arith.constant 0 : i32
        %dma_start3A_213 = arith.constant 0 : i32
        %dma_start3A_214 = tpu.memref_slice %arg15[%dma_start3A_212, %dma_start3A_213] : memref<10112x64xf32, #tpu.memory_space<vmem_shared>> -> memref<10112x64xf32, #tpu.memory_space<vmem_shared>>
        tpu.enqueue_indirect_dma source(%arg14 : memref<128x64xf32, #tpu.memory_space<vmem>>) target(%dma_start3A_214 : memref<10112x64xf32, #tpu.memory_space<vmem_shared>>) offsets(%dma_start3A_211 : memref<128xi32, #tpu.memory_space<vmem>>) semaphore(%run_scoped3A : memref<!tpu.dma_semaphore, #tpu.memory_space<semaphore_mem>>) {add = true}
        %dma_wait3A_215 = tpu.memref_slice %arg10[%mul3A_199] : memref<10240xi32, #tpu.memory_space<vmem>> -> memref<128xi32, #tpu.memory_space<vmem>>
        %dma_wait3A_216 = arith.constant 0 : i32
        %dma_wait3A_217 = arith.constant 0 : i32
        %dma_wait3A_218 = tpu.memref_slice %arg15[%dma_wait3A_216, %dma_wait3A_217] : memref<10112x64xf32, #tpu.memory_space<vmem_shared>> -> memref<10112x64xf32, #tpu.memory_space<vmem_shared>>
        tpu.wait_indirect_dma semaphore(%run_scoped3A : memref<!tpu.dma_semaphore, #tpu.memory_space<semaphore_mem>>) src(%arg14 : memref<128x64xf32, #tpu.memory_space<vmem>>) dst(%dma_wait3A_218 : memref<10112x64xf32, #tpu.memory_space<vmem_shared>>)
        tpu.yield
      }) : () -> ()
      %add3A_200 = arith.constant 3 : i32
      %add3A_201 = arith.addi %mul3A_133, %add3A_200 : i32
      %add3A_202 = arith.constant 4 : i32
      %add3A_203 = arith.addi %add3A_201, %add3A_202 : i32
      %mul3A_204 = arith.constant 128 : i32
      %mul3A_205 = arith.muli %mul3A_204, %add3A_203 : i32
      %dma_start3A_206 = tpu.memref_slice %arg8[%mul3A_205] : memref<10240xi32, #tpu.memory_space<vmem>> -> memref<128xi32, #tpu.memory_space<vmem>>
      %dma_start3A_207 = arith.constant 0 : i32
      %dma_start3A_208 = arith.constant 0 : i32
      %dma_start3A_209 = tpu.memref_slice %arg2[%dma_start3A_207, %dma_start3A_208] : memref<160000x64xf32, #tpu.memory_space<hbm>> -> memref<160000x64xf32, #tpu.memory_space<hbm>>
      tpu.enqueue_indirect_dma source(%dma_start3A_209 : memref<160000x64xf32, #tpu.memory_space<hbm>>) target(%arg14 : memref<128x64xf32, #tpu.memory_space<vmem>>) offsets(%dma_start3A_206 : memref<128xi32, #tpu.memory_space<vmem>>) semaphore(%arg19 : memref<!tpu.dma_semaphore, #tpu.memory_space<semaphore_mem>>)
      %scan3A_210 = arith.constant 0 : i32
      scf.yield %scan3A_210 : i32
    }
    %scan3A_34 = arith.constant 19 : i32
    %dma_wait3A = arith.constant 0 : i32
    %dma_wait3A_35 = tpu.memref_slice %arg8[%dma_wait3A] : memref<10240xi32, #tpu.memory_space<vmem>> -> memref<128xi32, #tpu.memory_space<vmem>>
    %dma_wait3A_36 = arith.constant 0 : i32
    %dma_wait3A_37 = arith.constant 0 : i32
    %dma_wait3A_38 = tpu.memref_slice %arg2[%dma_wait3A_36, %dma_wait3A_37] : memref<160000x64xf32, #tpu.memory_space<hbm>> -> memref<160000x64xf32, #tpu.memory_space<hbm>>
    tpu.wait_indirect_dma semaphore(%arg16 : memref<!tpu.dma_semaphore, #tpu.memory_space<semaphore_mem>>) src(%dma_wait3A_38 : memref<160000x64xf32, #tpu.memory_space<hbm>>) dst(%arg11 : memref<128x64xf32, #tpu.memory_space<vmem>>)
    "tpu.region"() ({
      %run_scoped3A = tpu.sem_alloc : memref<!tpu.dma_semaphore, #tpu.memory_space<semaphore_mem>>
      %dma_start3A_130 = arith.constant 9728 : i32
      %dma_start3A_131 = tpu.memref_slice %arg10[%dma_start3A_130] : memref<10240xi32, #tpu.memory_space<vmem>> -> memref<128xi32, #tpu.memory_space<vmem>>
      %dma_start3A_132 = arith.constant 0 : i32
      %dma_start3A_133 = arith.constant 0 : i32
      %dma_start3A_134 = tpu.memref_slice %arg15[%dma_start3A_132, %dma_start3A_133] : memref<10112x64xf32, #tpu.memory_space<vmem_shared>> -> memref<10112x64xf32, #tpu.memory_space<vmem_shared>>
      tpu.enqueue_indirect_dma source(%arg11 : memref<128x64xf32, #tpu.memory_space<vmem>>) target(%dma_start3A_134 : memref<10112x64xf32, #tpu.memory_space<vmem_shared>>) offsets(%dma_start3A_131 : memref<128xi32, #tpu.memory_space<vmem>>) semaphore(%run_scoped3A : memref<!tpu.dma_semaphore, #tpu.memory_space<semaphore_mem>>) {add = true}
      %dma_wait3A_135 = arith.constant 9728 : i32
      %dma_wait3A_136 = tpu.memref_slice %arg10[%dma_wait3A_135] : memref<10240xi32, #tpu.memory_space<vmem>> -> memref<128xi32, #tpu.memory_space<vmem>>
      %dma_wait3A_137 = arith.constant 0 : i32
      %dma_wait3A_138 = arith.constant 0 : i32
      %dma_wait3A_139 = tpu.memref_slice %arg15[%dma_wait3A_137, %dma_wait3A_138] : memref<10112x64xf32, #tpu.memory_space<vmem_shared>> -> memref<10112x64xf32, #tpu.memory_space<vmem_shared>>
      tpu.wait_indirect_dma semaphore(%run_scoped3A : memref<!tpu.dma_semaphore, #tpu.memory_space<semaphore_mem>>) src(%arg11 : memref<128x64xf32, #tpu.memory_space<vmem>>) dst(%dma_wait3A_139 : memref<10112x64xf32, #tpu.memory_space<vmem_shared>>)
      tpu.yield
    }) : () -> ()
    %dma_wait3A_39 = arith.constant 0 : i32
    %dma_wait3A_40 = tpu.memref_slice %arg8[%dma_wait3A_39] : memref<10240xi32, #tpu.memory_space<vmem>> -> memref<128xi32, #tpu.memory_space<vmem>>
    %dma_wait3A_41 = arith.constant 0 : i32
    %dma_wait3A_42 = arith.constant 0 : i32
    %dma_wait3A_43 = tpu.memref_slice %arg2[%dma_wait3A_41, %dma_wait3A_42] : memref<160000x64xf32, #tpu.memory_space<hbm>> -> memref<160000x64xf32, #tpu.memory_space<hbm>>
    tpu.wait_indirect_dma semaphore(%arg17 : memref<!tpu.dma_semaphore, #tpu.memory_space<semaphore_mem>>) src(%dma_wait3A_43 : memref<160000x64xf32, #tpu.memory_space<hbm>>) dst(%arg12 : memref<128x64xf32, #tpu.memory_space<vmem>>)
    "tpu.region"() ({
      %run_scoped3A = tpu.sem_alloc : memref<!tpu.dma_semaphore, #tpu.memory_space<semaphore_mem>>
      %dma_start3A_130 = arith.constant 9856 : i32
      %dma_start3A_131 = tpu.memref_slice %arg10[%dma_start3A_130] : memref<10240xi32, #tpu.memory_space<vmem>> -> memref<128xi32, #tpu.memory_space<vmem>>
      %dma_start3A_132 = arith.constant 0 : i32
      %dma_start3A_133 = arith.constant 0 : i32
      %dma_start3A_134 = tpu.memref_slice %arg15[%dma_start3A_132, %dma_start3A_133] : memref<10112x64xf32, #tpu.memory_space<vmem_shared>> -> memref<10112x64xf32, #tpu.memory_space<vmem_shared>>
      tpu.enqueue_indirect_dma source(%arg12 : memref<128x64xf32, #tpu.memory_space<vmem>>) target(%dma_start3A_134 : memref<10112x64xf32, #tpu.memory_space<vmem_shared>>) offsets(%dma_start3A_131 : memref<128xi32, #tpu.memory_space<vmem>>) semaphore(%run_scoped3A : memref<!tpu.dma_semaphore, #tpu.memory_space<semaphore_mem>>) {add = true}
      %dma_wait3A_135 = arith.constant 9856 : i32
      %dma_wait3A_136 = tpu.memref_slice %arg10[%dma_wait3A_135] : memref<10240xi32, #tpu.memory_space<vmem>> -> memref<128xi32, #tpu.memory_space<vmem>>
      %dma_wait3A_137 = arith.constant 0 : i32
      %dma_wait3A_138 = arith.constant 0 : i32
      %dma_wait3A_139 = tpu.memref_slice %arg15[%dma_wait3A_137, %dma_wait3A_138] : memref<10112x64xf32, #tpu.memory_space<vmem_shared>> -> memref<10112x64xf32, #tpu.memory_space<vmem_shared>>
      tpu.wait_indirect_dma semaphore(%run_scoped3A : memref<!tpu.dma_semaphore, #tpu.memory_space<semaphore_mem>>) src(%arg12 : memref<128x64xf32, #tpu.memory_space<vmem>>) dst(%dma_wait3A_139 : memref<10112x64xf32, #tpu.memory_space<vmem_shared>>)
      tpu.yield
    }) : () -> ()
    %dma_wait3A_44 = arith.constant 0 : i32
    %dma_wait3A_45 = tpu.memref_slice %arg8[%dma_wait3A_44] : memref<10240xi32, #tpu.memory_space<vmem>> -> memref<128xi32, #tpu.memory_space<vmem>>
    %dma_wait3A_46 = arith.constant 0 : i32
    %dma_wait3A_47 = arith.constant 0 : i32
    %dma_wait3A_48 = tpu.memref_slice %arg2[%dma_wait3A_46, %dma_wait3A_47] : memref<160000x64xf32, #tpu.memory_space<hbm>> -> memref<160000x64xf32, #tpu.memory_space<hbm>>
    tpu.wait_indirect_dma semaphore(%arg18 : memref<!tpu.dma_semaphore, #tpu.memory_space<semaphore_mem>>) src(%dma_wait3A_48 : memref<160000x64xf32, #tpu.memory_space<hbm>>) dst(%arg13 : memref<128x64xf32, #tpu.memory_space<vmem>>)
    "tpu.region"() ({
      %run_scoped3A = tpu.sem_alloc : memref<!tpu.dma_semaphore, #tpu.memory_space<semaphore_mem>>
      %dma_start3A_130 = arith.constant 9984 : i32
      %dma_start3A_131 = tpu.memref_slice %arg10[%dma_start3A_130] : memref<10240xi32, #tpu.memory_space<vmem>> -> memref<128xi32, #tpu.memory_space<vmem>>
      %dma_start3A_132 = arith.constant 0 : i32
      %dma_start3A_133 = arith.constant 0 : i32
      %dma_start3A_134 = tpu.memref_slice %arg15[%dma_start3A_132, %dma_start3A_133] : memref<10112x64xf32, #tpu.memory_space<vmem_shared>> -> memref<10112x64xf32, #tpu.memory_space<vmem_shared>>
      tpu.enqueue_indirect_dma source(%arg13 : memref<128x64xf32, #tpu.memory_space<vmem>>) target(%dma_start3A_134 : memref<10112x64xf32, #tpu.memory_space<vmem_shared>>) offsets(%dma_start3A_131 : memref<128xi32, #tpu.memory_space<vmem>>) semaphore(%run_scoped3A : memref<!tpu.dma_semaphore, #tpu.memory_space<semaphore_mem>>) {add = true}
      %dma_wait3A_135 = arith.constant 9984 : i32
      %dma_wait3A_136 = tpu.memref_slice %arg10[%dma_wait3A_135] : memref<10240xi32, #tpu.memory_space<vmem>> -> memref<128xi32, #tpu.memory_space<vmem>>
      %dma_wait3A_137 = arith.constant 0 : i32
      %dma_wait3A_138 = arith.constant 0 : i32
      %dma_wait3A_139 = tpu.memref_slice %arg15[%dma_wait3A_137, %dma_wait3A_138] : memref<10112x64xf32, #tpu.memory_space<vmem_shared>> -> memref<10112x64xf32, #tpu.memory_space<vmem_shared>>
      tpu.wait_indirect_dma semaphore(%run_scoped3A : memref<!tpu.dma_semaphore, #tpu.memory_space<semaphore_mem>>) src(%arg13 : memref<128x64xf32, #tpu.memory_space<vmem>>) dst(%dma_wait3A_139 : memref<10112x64xf32, #tpu.memory_space<vmem_shared>>)
      tpu.yield
    }) : () -> ()
    %dma_wait3A_49 = arith.constant 0 : i32
    %dma_wait3A_50 = tpu.memref_slice %arg8[%dma_wait3A_49] : memref<10240xi32, #tpu.memory_space<vmem>> -> memref<128xi32, #tpu.memory_space<vmem>>
    %dma_wait3A_51 = arith.constant 0 : i32
    %dma_wait3A_52 = arith.constant 0 : i32
    %dma_wait3A_53 = tpu.memref_slice %arg2[%dma_wait3A_51, %dma_wait3A_52] : memref<160000x64xf32, #tpu.memory_space<hbm>> -> memref<160000x64xf32, #tpu.memory_space<hbm>>
    tpu.wait_indirect_dma semaphore(%arg19 : memref<!tpu.dma_semaphore, #tpu.memory_space<semaphore_mem>>) src(%dma_wait3A_53 : memref<160000x64xf32, #tpu.memory_space<hbm>>) dst(%arg14 : memref<128x64xf32, #tpu.memory_space<vmem>>)
    "tpu.region"() ({
      %run_scoped3A = tpu.sem_alloc : memref<!tpu.dma_semaphore, #tpu.memory_space<semaphore_mem>>
      %dma_start3A_130 = arith.constant 10112 : i32
      %dma_start3A_131 = tpu.memref_slice %arg10[%dma_start3A_130] : memref<10240xi32, #tpu.memory_space<vmem>> -> memref<128xi32, #tpu.memory_space<vmem>>
      %dma_start3A_132 = arith.constant 0 : i32
      %dma_start3A_133 = arith.constant 0 : i32
      %dma_start3A_134 = tpu.memref_slice %arg15[%dma_start3A_132, %dma_start3A_133] : memref<10112x64xf32, #tpu.memory_space<vmem_shared>> -> memref<10112x64xf32, #tpu.memory_space<vmem_shared>>
      tpu.enqueue_indirect_dma source(%arg14 : memref<128x64xf32, #tpu.memory_space<vmem>>) target(%dma_start3A_134 : memref<10112x64xf32, #tpu.memory_space<vmem_shared>>) offsets(%dma_start3A_131 : memref<128xi32, #tpu.memory_space<vmem>>) semaphore(%run_scoped3A : memref<!tpu.dma_semaphore, #tpu.memory_space<semaphore_mem>>) {add = true}
      %dma_wait3A_135 = arith.constant 10112 : i32
      %dma_wait3A_136 = tpu.memref_slice %arg10[%dma_wait3A_135] : memref<10240xi32, #tpu.memory_space<vmem>> -> memref<128xi32, #tpu.memory_space<vmem>>
      %dma_wait3A_137 = arith.constant 0 : i32
      %dma_wait3A_138 = arith.constant 0 : i32
      %dma_wait3A_139 = tpu.memref_slice %arg15[%dma_wait3A_137, %dma_wait3A_138] : memref<10112x64xf32, #tpu.memory_space<vmem_shared>> -> memref<10112x64xf32, #tpu.memory_space<vmem_shared>>
      tpu.wait_indirect_dma semaphore(%run_scoped3A : memref<!tpu.dma_semaphore, #tpu.memory_space<semaphore_mem>>) src(%arg14 : memref<128x64xf32, #tpu.memory_space<vmem>>) dst(%dma_wait3A_139 : memref<10112x64xf32, #tpu.memory_space<vmem_shared>>)
      tpu.yield
    }) : () -> ()
    %barrier3A_54 = arith.constant 0 : index
    tpu.barrier barrier_id(%barrier3A_54)
    %add3A = arith.constant 0 : i32
    %add3A_55 = arith.addi %add3A, %arg0 : i32
    %mul3A_56 = arith.constant 632 : i32
    %mul3A_57 = arith.muli %arg1, %mul3A_56 : i32
    %mul3A_58 = arith.constant 10112 : i32
    %mul3A_59 = arith.muli %add3A_55, %mul3A_58 : i32
    %mul3A_60 = arith.constant 632 : i32
    %mul3A_61 = arith.muli %arg1, %mul3A_60 : i32
    %add3A_62 = arith.addi %mul3A_59, %mul3A_61 : i32
    "tpu.region"() ({
      %run_scoped3A = tpu.sem_alloc : memref<!tpu.dma_semaphore, #tpu.memory_space<semaphore_mem>>
      %dma_start3A_130 = arith.constant 0 : i32
      %dma_start3A_131 = tpu.memref_slice %arg7[%add3A_62, %dma_start3A_130] : memref<40448x64xf32, #tpu.memory_space<hbm>> -> memref<632x64xf32, #tpu.memory_space<hbm>>
      %dma_start3A_132 = arith.constant 0 : i32
      %dma_start3A_133 = tpu.memref_slice %arg15[%mul3A_57, %dma_start3A_132] : memref<10112x64xf32, #tpu.memory_space<vmem_shared>> -> memref<632x64xf32, #tpu.memory_space<vmem_shared>>
      tpu.enqueue_dma source(%dma_start3A_133 : memref<632x64xf32, #tpu.memory_space<vmem_shared>>) target(%dma_start3A_131 : memref<632x64xf32, #tpu.memory_space<hbm>>) target_semaphore(%run_scoped3A : memref<!tpu.dma_semaphore, #tpu.memory_space<semaphore_mem>>)
      %dma_wait3A_134 = arith.constant 0 : i32
      %dma_wait3A_135 = tpu.memref_slice %arg7[%add3A_62, %dma_wait3A_134] : memref<40448x64xf32, #tpu.memory_space<hbm>> -> memref<632x64xf32, #tpu.memory_space<hbm>>
      %dma_wait3A_136 = arith.constant 0 : i32
      %dma_wait3A_137 = tpu.memref_slice %arg15[%mul3A_57, %dma_wait3A_136] : memref<10112x64xf32, #tpu.memory_space<vmem_shared>> -> memref<632x64xf32, #tpu.memory_space<vmem_shared>>
      tpu.wait_dma2 semaphore(%run_scoped3A : memref<!tpu.dma_semaphore, #tpu.memory_space<semaphore_mem>>) src(%dma_wait3A_137 : memref<632x64xf32, #tpu.memory_space<vmem_shared>>) dst(%dma_wait3A_135 : memref<632x64xf32, #tpu.memory_space<hbm>>)
      tpu.yield
    }) : () -> ()
    %scan3A_63 = arith.constant 0 : i32
    %scan3A_64 = arith.constant 0 : i32
    %scan3A_65 = arith.constant 640 : i32
    %scan3A_66 = arith.addi %scan3A_64, %scan3A_65 : i32
    %scan3A_67 = arith.constant 1 : i32
    %scan3A_68 = scf.for %scan3A_130 = %scan3A_64 to %scan3A_66 step %scan3A_67 iter_args(%scan3A_131 = %scan3A_63) -> (i32)  : i32 {
      %mul3A_132 = arith.constant 16 : i32
      %mul3A_133 = arith.muli %scan3A_130, %mul3A_132 : i32
      %get3A = arith.index_cast %mul3A_133 : i32 to index
      %get3A_134 = tpu.vector_load %arg8[%get3A] {strides = array<i32>} : memref<10240xi32, #tpu.memory_space<vmem>>, vector<16xi32>,
      %get3A_135 = vector.shape_cast %get3A_134 : vector<16xi32> to vector<16xi32>
      %add3A_136 = arith.constant 80000 : i32
      %add3A_137 = vector.broadcast %add3A_136 : i32 to vector<16xi32>
      %add3A_138 = arith.addi %get3A_135, %add3A_137 : vector<16xi32>
      %swap3A = arith.index_cast %mul3A_133 : i32 to index
      %swap3A_139 = tpu.vector_load %arg8[%swap3A] {strides = array<i32>} : memref<10240xi32, #tpu.memory_space<vmem>>, vector<16xi32>,
      %swap3A_140 = vector.shape_cast %swap3A_139 : vector<16xi32> to vector<16xi32>
      %swap3A_141 = vector.shape_cast %add3A_138 : vector<16xi32> to vector<16xi32>
      tpu.vector_store %arg8[%swap3A], %swap3A_141 {strides = array<i32>} : memref<10240xi32, #tpu.memory_space<vmem>>, vector<16xi32>,
      %scan3A_142 = arith.constant 0 : i32
      scf.yield %scan3A_142 : i32
    }
    %scan3A_69 = arith.constant 640 : i32
    %mul3A_70 = arith.constant 632 : i32
    %mul3A_71 = arith.muli %arg1, %mul3A_70 : i32
    "tpu.region"() ({
      %run_scoped3A = tpu.sem_alloc : memref<!tpu.dma_semaphore, #tpu.memory_space<semaphore_mem>>
      %dma_start3A_130 = arith.constant 0 : i32
      %dma_start3A_131 = tpu.memref_slice %arg15[%mul3A_71, %dma_start3A_130] : memref<10112x64xf32, #tpu.memory_space<vmem_shared>> -> memref<632x64xf32, #tpu.memory_space<vmem_shared>>
      tpu.enqueue_dma source(%arg6 : memref<632x64xf32, #tpu.memory_space<hbm>>) target(%dma_start3A_131 : memref<632x64xf32, #tpu.memory_space<vmem_shared>>) target_semaphore(%run_scoped3A : memref<!tpu.dma_semaphore, #tpu.memory_space<semaphore_mem>>)
      %dma_wait3A_132 = arith.constant 0 : i32
      %dma_wait3A_133 = tpu.memref_slice %arg15[%mul3A_71, %dma_wait3A_132] : memref<10112x64xf32, #tpu.memory_space<vmem_shared>> -> memref<632x64xf32, #tpu.memory_space<vmem_shared>>
      tpu.wait_dma2 semaphore(%run_scoped3A : memref<!tpu.dma_semaphore, #tpu.memory_space<semaphore_mem>>) src(%arg6 : memref<632x64xf32, #tpu.memory_space<hbm>>) dst(%dma_wait3A_133 : memref<632x64xf32, #tpu.memory_space<vmem_shared>>)
      tpu.yield
    }) : () -> ()
    %barrier3A_72 = arith.constant 0 : index
    tpu.barrier barrier_id(%barrier3A_72)
    %dma_start3A_73 = arith.constant 0 : i32
    %dma_start3A_74 = tpu.memref_slice %arg8[%dma_start3A_73] : memref<10240xi32, #tpu.memory_space<vmem>> -> memref<128xi32, #tpu.memory_space<vmem>>
    %dma_start3A_75 = arith.constant 0 : i32
    %dma_start3A_76 = arith.constant 0 : i32
    %dma_start3A_77 = tpu.memref_slice %arg2[%dma_start3A_75, %dma_start3A_76] : memref<160000x64xf32, #tpu.memory_space<hbm>> -> memref<160000x64xf32, #tpu.memory_space<hbm>>
    tpu.enqueue_indirect_dma source(%dma_start3A_77 : memref<160000x64xf32, #tpu.memory_space<hbm>>) target(%arg11 : memref<128x64xf32, #tpu.memory_space<vmem>>) offsets(%dma_start3A_74 : memref<128xi32, #tpu.memory_space<vmem>>) semaphore(%arg16 : memref<!tpu.dma_semaphore, #tpu.memory_space<semaphore_mem>>)
    %dma_start3A_78 = arith.constant 128 : i32
    %dma_start3A_79 = tpu.memref_slice %arg8[%dma_start3A_78] : memref<10240xi32, #tpu.memory_space<vmem>> -> memref<128xi32, #tpu.memory_space<vmem>>
    %dma_start3A_80 = arith.constant 0 : i32
    %dma_start3A_81 = arith.constant 0 : i32
    %dma_start3A_82 = tpu.memref_slice %arg2[%dma_start3A_80, %dma_start3A_81] : memref<160000x64xf32, #tpu.memory_space<hbm>> -> memref<160000x64xf32, #tpu.memory_space<hbm>>
    tpu.enqueue_indirect_dma source(%dma_start3A_82 : memref<160000x64xf32, #tpu.memory_space<hbm>>) target(%arg12 : memref<128x64xf32, #tpu.memory_space<vmem>>) offsets(%dma_start3A_79 : memref<128xi32, #tpu.memory_space<vmem>>) semaphore(%arg17 : memref<!tpu.dma_semaphore, #tpu.memory_space<semaphore_mem>>)
    %dma_start3A_83 = arith.constant 256 : i32
    %dma_start3A_84 = tpu.memref_slice %arg8[%dma_start3A_83] : memref<10240xi32, #tpu.memory_space<vmem>> -> memref<128xi32, #tpu.memory_space<vmem>>
    %dma_start3A_85 = arith.constant 0 : i32
    %dma_start3A_86 = arith.constant 0 : i32
    %dma_start3A_87 = tpu.memref_slice %arg2[%dma_start3A_85, %dma_start3A_86] : memref<160000x64xf32, #tpu.memory_space<hbm>> -> memref<160000x64xf32, #tpu.memory_space<hbm>>
    tpu.enqueue_indirect_dma source(%dma_start3A_87 : memref<160000x64xf32, #tpu.memory_space<hbm>>) target(%arg13 : memref<128x64xf32, #tpu.memory_space<vmem>>) offsets(%dma_start3A_84 : memref<128xi32, #tpu.memory_space<vmem>>) semaphore(%arg18 : memref<!tpu.dma_semaphore, #tpu.memory_space<semaphore_mem>>)
    %dma_start3A_88 = arith.constant 384 : i32
    %dma_start3A_89 = tpu.memref_slice %arg8[%dma_start3A_88] : memref<10240xi32, #tpu.memory_space<vmem>> -> memref<128xi32, #tpu.memory_space<vmem>>
    %dma_start3A_90 = arith.constant 0 : i32
    %dma_start3A_91 = arith.constant 0 : i32
    %dma_start3A_92 = tpu.memref_slice %arg2[%dma_start3A_90, %dma_start3A_91] : memref<160000x64xf32, #tpu.memory_space<hbm>> -> memref<160000x64xf32, #tpu.memory_space<hbm>>
    tpu.enqueue_indirect_dma source(%dma_start3A_92 : memref<160000x64xf32, #tpu.memory_space<hbm>>) target(%arg14 : memref<128x64xf32, #tpu.memory_space<vmem>>) offsets(%dma_start3A_89 : memref<128xi32, #tpu.memory_space<vmem>>) semaphore(%arg19 : memref<!tpu.dma_semaphore, #tpu.memory_space<semaphore_mem>>)
    %scan3A_93 = arith.constant 0 : i32
    %scan3A_94 = arith.constant 0 : i32
    %scan3A_95 = arith.constant 19 : i32
    %scan3A_96 = arith.addi %scan3A_94, %scan3A_95 : i32
    %scan3A_97 = arith.constant 1 : i32
    %scan3A_98 = scf.for %scan3A_130 = %scan3A_94 to %scan3A_96 step %scan3A_97 iter_args(%scan3A_131 = %scan3A_93) -> (i32)  : i32 {
      %mul3A_132 = arith.constant 4 : i32
      %mul3A_133 = arith.muli %mul3A_132, %scan3A_130 : i32
      %dma_wait3A_134 = arith.constant 0 : i32
      %dma_wait3A_135 = tpu.memref_slice %arg8[%dma_wait3A_134] : memref<10240xi32, #tpu.memory_space<vmem>> -> memref<128xi32, #tpu.memory_space<vmem>>
      %dma_wait3A_136 = arith.constant 0 : i32
      %dma_wait3A_137 = arith.constant 0 : i32
      %dma_wait3A_138 = tpu.memref_slice %arg2[%dma_wait3A_136, %dma_wait3A_137] : memref<160000x64xf32, #tpu.memory_space<hbm>> -> memref<160000x64xf32, #tpu.memory_space<hbm>>
      tpu.wait_indirect_dma semaphore(%arg16 : memref<!tpu.dma_semaphore, #tpu.memory_space<semaphore_mem>>) src(%dma_wait3A_138 : memref<160000x64xf32, #tpu.memory_space<hbm>>) dst(%arg11 : memref<128x64xf32, #tpu.memory_space<vmem>>)
      %add3A_139 = arith.constant 0 : i32
      %add3A_140 = arith.addi %mul3A_133, %add3A_139 : i32
      %mul3A_141 = arith.constant 128 : i32
      %mul3A_142 = arith.muli %mul3A_141, %add3A_140 : i32
      "tpu.region"() ({
        %run_scoped3A = tpu.sem_alloc : memref<!tpu.dma_semaphore, #tpu.memory_space<semaphore_mem>>
        %dma_start3A_211 = tpu.memref_slice %arg10[%mul3A_142] : memref<10240xi32, #tpu.memory_space<vmem>> -> memref<128xi32, #tpu.memory_space<vmem>>
        %dma_start3A_212 = arith.constant 0 : i32
        %dma_start3A_213 = arith.constant 0 : i32
        %dma_start3A_214 = tpu.memref_slice %arg15[%dma_start3A_212, %dma_start3A_213] : memref<10112x64xf32, #tpu.memory_space<vmem_shared>> -> memref<10112x64xf32, #tpu.memory_space<vmem_shared>>
        tpu.enqueue_indirect_dma source(%arg11 : memref<128x64xf32, #tpu.memory_space<vmem>>) target(%dma_start3A_214 : memref<10112x64xf32, #tpu.memory_space<vmem_shared>>) offsets(%dma_start3A_211 : memref<128xi32, #tpu.memory_space<vmem>>) semaphore(%run_scoped3A : memref<!tpu.dma_semaphore, #tpu.memory_space<semaphore_mem>>) {add = true}
        %dma_wait3A_215 = tpu.memref_slice %arg10[%mul3A_142] : memref<10240xi32, #tpu.memory_space<vmem>> -> memref<128xi32, #tpu.memory_space<vmem>>
        %dma_wait3A_216 = arith.constant 0 : i32
        %dma_wait3A_217 = arith.constant 0 : i32
        %dma_wait3A_218 = tpu.memref_slice %arg15[%dma_wait3A_216, %dma_wait3A_217] : memref<10112x64xf32, #tpu.memory_space<vmem_shared>> -> memref<10112x64xf32, #tpu.memory_space<vmem_shared>>
        tpu.wait_indirect_dma semaphore(%run_scoped3A : memref<!tpu.dma_semaphore, #tpu.memory_space<semaphore_mem>>) src(%arg11 : memref<128x64xf32, #tpu.memory_space<vmem>>) dst(%dma_wait3A_218 : memref<10112x64xf32, #tpu.memory_space<vmem_shared>>)
        tpu.yield
      }) : () -> ()
      %add3A_143 = arith.constant 0 : i32
      %add3A_144 = arith.addi %mul3A_133, %add3A_143 : i32
      %add3A_145 = arith.constant 4 : i32
      %add3A_146 = arith.addi %add3A_144, %add3A_145 : i32
      %mul3A_147 = arith.constant 128 : i32
      %mul3A_148 = arith.muli %mul3A_147, %add3A_146 : i32
      %dma_start3A_149 = tpu.memref_slice %arg8[%mul3A_148] : memref<10240xi32, #tpu.memory_space<vmem>> -> memref<128xi32, #tpu.memory_space<vmem>>
      %dma_start3A_150 = arith.constant 0 : i32
      %dma_start3A_151 = arith.constant 0 : i32
      %dma_start3A_152 = tpu.memref_slice %arg2[%dma_start3A_150, %dma_start3A_151] : memref<160000x64xf32, #tpu.memory_space<hbm>> -> memref<160000x64xf32, #tpu.memory_space<hbm>>
      tpu.enqueue_indirect_dma source(%dma_start3A_152 : memref<160000x64xf32, #tpu.memory_space<hbm>>) target(%arg11 : memref<128x64xf32, #tpu.memory_space<vmem>>) offsets(%dma_start3A_149 : memref<128xi32, #tpu.memory_space<vmem>>) semaphore(%arg16 : memref<!tpu.dma_semaphore, #tpu.memory_space<semaphore_mem>>)
      %dma_wait3A_153 = arith.constant 0 : i32
      %dma_wait3A_154 = tpu.memref_slice %arg8[%dma_wait3A_153] : memref<10240xi32, #tpu.memory_space<vmem>> -> memref<128xi32, #tpu.memory_space<vmem>>
      %dma_wait3A_155 = arith.constant 0 : i32
      %dma_wait3A_156 = arith.constant 0 : i32
      %dma_wait3A_157 = tpu.memref_slice %arg2[%dma_wait3A_155, %dma_wait3A_156] : memref<160000x64xf32, #tpu.memory_space<hbm>> -> memref<160000x64xf32, #tpu.memory_space<hbm>>
      tpu.wait_indirect_dma semaphore(%arg17 : memref<!tpu.dma_semaphore, #tpu.memory_space<semaphore_mem>>) src(%dma_wait3A_157 : memref<160000x64xf32, #tpu.memory_space<hbm>>) dst(%arg12 : memref<128x64xf32, #tpu.memory_space<vmem>>)
      %add3A_158 = arith.constant 1 : i32
      %add3A_159 = arith.addi %mul3A_133, %add3A_158 : i32
      %mul3A_160 = arith.constant 128 : i32
      %mul3A_161 = arith.muli %mul3A_160, %add3A_159 : i32
      "tpu.region"() ({
        %run_scoped3A = tpu.sem_alloc : memref<!tpu.dma_semaphore, #tpu.memory_space<semaphore_mem>>
        %dma_start3A_211 = tpu.memref_slice %arg10[%mul3A_161] : memref<10240xi32, #tpu.memory_space<vmem>> -> memref<128xi32, #tpu.memory_space<vmem>>
        %dma_start3A_212 = arith.constant 0 : i32
        %dma_start3A_213 = arith.constant 0 : i32
        %dma_start3A_214 = tpu.memref_slice %arg15[%dma_start3A_212, %dma_start3A_213] : memref<10112x64xf32, #tpu.memory_space<vmem_shared>> -> memref<10112x64xf32, #tpu.memory_space<vmem_shared>>
        tpu.enqueue_indirect_dma source(%arg12 : memref<128x64xf32, #tpu.memory_space<vmem>>) target(%dma_start3A_214 : memref<10112x64xf32, #tpu.memory_space<vmem_shared>>) offsets(%dma_start3A_211 : memref<128xi32, #tpu.memory_space<vmem>>) semaphore(%run_scoped3A : memref<!tpu.dma_semaphore, #tpu.memory_space<semaphore_mem>>) {add = true}
        %dma_wait3A_215 = tpu.memref_slice %arg10[%mul3A_161] : memref<10240xi32, #tpu.memory_space<vmem>> -> memref<128xi32, #tpu.memory_space<vmem>>
        %dma_wait3A_216 = arith.constant 0 : i32
        %dma_wait3A_217 = arith.constant 0 : i32
        %dma_wait3A_218 = tpu.memref_slice %arg15[%dma_wait3A_216, %dma_wait3A_217] : memref<10112x64xf32, #tpu.memory_space<vmem_shared>> -> memref<10112x64xf32, #tpu.memory_space<vmem_shared>>
        tpu.wait_indirect_dma semaphore(%run_scoped3A : memref<!tpu.dma_semaphore, #tpu.memory_space<semaphore_mem>>) src(%arg12 : memref<128x64xf32, #tpu.memory_space<vmem>>) dst(%dma_wait3A_218 : memref<10112x64xf32, #tpu.memory_space<vmem_shared>>)
        tpu.yield
      }) : () -> ()
      %add3A_162 = arith.constant 1 : i32
      %add3A_163 = arith.addi %mul3A_133, %add3A_162 : i32
      %add3A_164 = arith.constant 4 : i32
      %add3A_165 = arith.addi %add3A_163, %add3A_164 : i32
      %mul3A_166 = arith.constant 128 : i32
      %mul3A_167 = arith.muli %mul3A_166, %add3A_165 : i32
      %dma_start3A_168 = tpu.memref_slice %arg8[%mul3A_167] : memref<10240xi32, #tpu.memory_space<vmem>> -> memref<128xi32, #tpu.memory_space<vmem>>
      %dma_start3A_169 = arith.constant 0 : i32
      %dma_start3A_170 = arith.constant 0 : i32
      %dma_start3A_171 = tpu.memref_slice %arg2[%dma_start3A_169, %dma_start3A_170] : memref<160000x64xf32, #tpu.memory_space<hbm>> -> memref<160000x64xf32, #tpu.memory_space<hbm>>
      tpu.enqueue_indirect_dma source(%dma_start3A_171 : memref<160000x64xf32, #tpu.memory_space<hbm>>) target(%arg12 : memref<128x64xf32, #tpu.memory_space<vmem>>) offsets(%dma_start3A_168 : memref<128xi32, #tpu.memory_space<vmem>>) semaphore(%arg17 : memref<!tpu.dma_semaphore, #tpu.memory_space<semaphore_mem>>)
      %dma_wait3A_172 = arith.constant 0 : i32
      %dma_wait3A_173 = tpu.memref_slice %arg8[%dma_wait3A_172] : memref<10240xi32, #tpu.memory_space<vmem>> -> memref<128xi32, #tpu.memory_space<vmem>>
      %dma_wait3A_174 = arith.constant 0 : i32
      %dma_wait3A_175 = arith.constant 0 : i32
      %dma_wait3A_176 = tpu.memref_slice %arg2[%dma_wait3A_174, %dma_wait3A_175] : memref<160000x64xf32, #tpu.memory_space<hbm>> -> memref<160000x64xf32, #tpu.memory_space<hbm>>
      tpu.wait_indirect_dma semaphore(%arg18 : memref<!tpu.dma_semaphore, #tpu.memory_space<semaphore_mem>>) src(%dma_wait3A_176 : memref<160000x64xf32, #tpu.memory_space<hbm>>) dst(%arg13 : memref<128x64xf32, #tpu.memory_space<vmem>>)
      %add3A_177 = arith.constant 2 : i32
      %add3A_178 = arith.addi %mul3A_133, %add3A_177 : i32
      %mul3A_179 = arith.constant 128 : i32
      %mul3A_180 = arith.muli %mul3A_179, %add3A_178 : i32
      "tpu.region"() ({
        %run_scoped3A = tpu.sem_alloc : memref<!tpu.dma_semaphore, #tpu.memory_space<semaphore_mem>>
        %dma_start3A_211 = tpu.memref_slice %arg10[%mul3A_180] : memref<10240xi32, #tpu.memory_space<vmem>> -> memref<128xi32, #tpu.memory_space<vmem>>
        %dma_start3A_212 = arith.constant 0 : i32
        %dma_start3A_213 = arith.constant 0 : i32
        %dma_start3A_214 = tpu.memref_slice %arg15[%dma_start3A_212, %dma_start3A_213] : memref<10112x64xf32, #tpu.memory_space<vmem_shared>> -> memref<10112x64xf32, #tpu.memory_space<vmem_shared>>
        tpu.enqueue_indirect_dma source(%arg13 : memref<128x64xf32, #tpu.memory_space<vmem>>) target(%dma_start3A_214 : memref<10112x64xf32, #tpu.memory_space<vmem_shared>>) offsets(%dma_start3A_211 : memref<128xi32, #tpu.memory_space<vmem>>) semaphore(%run_scoped3A : memref<!tpu.dma_semaphore, #tpu.memory_space<semaphore_mem>>) {add = true}
        %dma_wait3A_215 = tpu.memref_slice %arg10[%mul3A_180] : memref<10240xi32, #tpu.memory_space<vmem>> -> memref<128xi32, #tpu.memory_space<vmem>>
        %dma_wait3A_216 = arith.constant 0 : i32
        %dma_wait3A_217 = arith.constant 0 : i32
        %dma_wait3A_218 = tpu.memref_slice %arg15[%dma_wait3A_216, %dma_wait3A_217] : memref<10112x64xf32, #tpu.memory_space<vmem_shared>> -> memref<10112x64xf32, #tpu.memory_space<vmem_shared>>
        tpu.wait_indirect_dma semaphore(%run_scoped3A : memref<!tpu.dma_semaphore, #tpu.memory_space<semaphore_mem>>) src(%arg13 : memref<128x64xf32, #tpu.memory_space<vmem>>) dst(%dma_wait3A_218 : memref<10112x64xf32, #tpu.memory_space<vmem_shared>>)
        tpu.yield
      }) : () -> ()
      %add3A_181 = arith.constant 2 : i32
      %add3A_182 = arith.addi %mul3A_133, %add3A_181 : i32
      %add3A_183 = arith.constant 4 : i32
      %add3A_184 = arith.addi %add3A_182, %add3A_183 : i32
      %mul3A_185 = arith.constant 128 : i32
      %mul3A_186 = arith.muli %mul3A_185, %add3A_184 : i32
      %dma_start3A_187 = tpu.memref_slice %arg8[%mul3A_186] : memref<10240xi32, #tpu.memory_space<vmem>> -> memref<128xi32, #tpu.memory_space<vmem>>
      %dma_start3A_188 = arith.constant 0 : i32
      %dma_start3A_189 = arith.constant 0 : i32
      %dma_start3A_190 = tpu.memref_slice %arg2[%dma_start3A_188, %dma_start3A_189] : memref<160000x64xf32, #tpu.memory_space<hbm>> -> memref<160000x64xf32, #tpu.memory_space<hbm>>
      tpu.enqueue_indirect_dma source(%dma_start3A_190 : memref<160000x64xf32, #tpu.memory_space<hbm>>) target(%arg13 : memref<128x64xf32, #tpu.memory_space<vmem>>) offsets(%dma_start3A_187 : memref<128xi32, #tpu.memory_space<vmem>>) semaphore(%arg18 : memref<!tpu.dma_semaphore, #tpu.memory_space<semaphore_mem>>)
      %dma_wait3A_191 = arith.constant 0 : i32
      %dma_wait3A_192 = tpu.memref_slice %arg8[%dma_wait3A_191] : memref<10240xi32, #tpu.memory_space<vmem>> -> memref<128xi32, #tpu.memory_space<vmem>>
      %dma_wait3A_193 = arith.constant 0 : i32
      %dma_wait3A_194 = arith.constant 0 : i32
      %dma_wait3A_195 = tpu.memref_slice %arg2[%dma_wait3A_193, %dma_wait3A_194] : memref<160000x64xf32, #tpu.memory_space<hbm>> -> memref<160000x64xf32, #tpu.memory_space<hbm>>
      tpu.wait_indirect_dma semaphore(%arg19 : memref<!tpu.dma_semaphore, #tpu.memory_space<semaphore_mem>>) src(%dma_wait3A_195 : memref<160000x64xf32, #tpu.memory_space<hbm>>) dst(%arg14 : memref<128x64xf32, #tpu.memory_space<vmem>>)
      %add3A_196 = arith.constant 3 : i32
      %add3A_197 = arith.addi %mul3A_133, %add3A_196 : i32
      %mul3A_198 = arith.constant 128 : i32
      %mul3A_199 = arith.muli %mul3A_198, %add3A_197 : i32
      "tpu.region"() ({
        %run_scoped3A = tpu.sem_alloc : memref<!tpu.dma_semaphore, #tpu.memory_space<semaphore_mem>>
        %dma_start3A_211 = tpu.memref_slice %arg10[%mul3A_199] : memref<10240xi32, #tpu.memory_space<vmem>> -> memref<128xi32, #tpu.memory_space<vmem>>
        %dma_start3A_212 = arith.constant 0 : i32
        %dma_start3A_213 = arith.constant 0 : i32
        %dma_start3A_214 = tpu.memref_slice %arg15[%dma_start3A_212, %dma_start3A_213] : memref<10112x64xf32, #tpu.memory_space<vmem_shared>> -> memref<10112x64xf32, #tpu.memory_space<vmem_shared>>
        tpu.enqueue_indirect_dma source(%arg14 : memref<128x64xf32, #tpu.memory_space<vmem>>) target(%dma_start3A_214 : memref<10112x64xf32, #tpu.memory_space<vmem_shared>>) offsets(%dma_start3A_211 : memref<128xi32, #tpu.memory_space<vmem>>) semaphore(%run_scoped3A : memref<!tpu.dma_semaphore, #tpu.memory_space<semaphore_mem>>) {add = true}
        %dma_wait3A_215 = tpu.memref_slice %arg10[%mul3A_199] : memref<10240xi32, #tpu.memory_space<vmem>> -> memref<128xi32, #tpu.memory_space<vmem>>
        %dma_wait3A_216 = arith.constant 0 : i32
        %dma_wait3A_217 = arith.constant 0 : i32
        %dma_wait3A_218 = tpu.memref_slice %arg15[%dma_wait3A_216, %dma_wait3A_217] : memref<10112x64xf32, #tpu.memory_space<vmem_shared>> -> memref<10112x64xf32, #tpu.memory_space<vmem_shared>>
        tpu.wait_indirect_dma semaphore(%run_scoped3A : memref<!tpu.dma_semaphore, #tpu.memory_space<semaphore_mem>>) src(%arg14 : memref<128x64xf32, #tpu.memory_space<vmem>>) dst(%dma_wait3A_218 : memref<10112x64xf32, #tpu.memory_space<vmem_shared>>)
        tpu.yield
      }) : () -> ()
      %add3A_200 = arith.constant 3 : i32
      %add3A_201 = arith.addi %mul3A_133, %add3A_200 : i32
      %add3A_202 = arith.constant 4 : i32
      %add3A_203 = arith.addi %add3A_201, %add3A_202 : i32
      %mul3A_204 = arith.constant 128 : i32
      %mul3A_205 = arith.muli %mul3A_204, %add3A_203 : i32
      %dma_start3A_206 = tpu.memref_slice %arg8[%mul3A_205] : memref<10240xi32, #tpu.memory_space<vmem>> -> memref<128xi32, #tpu.memory_space<vmem>>
      %dma_start3A_207 = arith.constant 0 : i32
      %dma_start3A_208 = arith.constant 0 : i32
      %dma_start3A_209 = tpu.memref_slice %arg2[%dma_start3A_207, %dma_start3A_208] : memref<160000x64xf32, #tpu.memory_space<hbm>> -> memref<160000x64xf32, #tpu.memory_space<hbm>>
      tpu.enqueue_indirect_dma source(%dma_start3A_209 : memref<160000x64xf32, #tpu.memory_space<hbm>>) target(%arg14 : memref<128x64xf32, #tpu.memory_space<vmem>>) offsets(%dma_start3A_206 : memref<128xi32, #tpu.memory_space<vmem>>) semaphore(%arg19 : memref<!tpu.dma_semaphore, #tpu.memory_space<semaphore_mem>>)
      %scan3A_210 = arith.constant 0 : i32
      scf.yield %scan3A_210 : i32
    }
    %scan3A_99 = arith.constant 19 : i32
    %dma_wait3A_100 = arith.constant 0 : i32
    %dma_wait3A_101 = tpu.memref_slice %arg8[%dma_wait3A_100] : memref<10240xi32, #tpu.memory_space<vmem>> -> memref<128xi32, #tpu.memory_space<vmem>>
    %dma_wait3A_102 = arith.constant 0 : i32
    %dma_wait3A_103 = arith.constant 0 : i32
    %dma_wait3A_104 = tpu.memref_slice %arg2[%dma_wait3A_102, %dma_wait3A_103] : memref<160000x64xf32, #tpu.memory_space<hbm>> -> memref<160000x64xf32, #tpu.memory_space<hbm>>
    tpu.wait_indirect_dma semaphore(%arg16 : memref<!tpu.dma_semaphore, #tpu.memory_space<semaphore_mem>>) src(%dma_wait3A_104 : memref<160000x64xf32, #tpu.memory_space<hbm>>) dst(%arg11 : memref<128x64xf32, #tpu.memory_space<vmem>>)
    "tpu.region"() ({
      %run_scoped3A = tpu.sem_alloc : memref<!tpu.dma_semaphore, #tpu.memory_space<semaphore_mem>>
      %dma_start3A_130 = arith.constant 9728 : i32
      %dma_start3A_131 = tpu.memref_slice %arg10[%dma_start3A_130] : memref<10240xi32, #tpu.memory_space<vmem>> -> memref<128xi32, #tpu.memory_space<vmem>>
      %dma_start3A_132 = arith.constant 0 : i32
      %dma_start3A_133 = arith.constant 0 : i32
      %dma_start3A_134 = tpu.memref_slice %arg15[%dma_start3A_132, %dma_start3A_133] : memref<10112x64xf32, #tpu.memory_space<vmem_shared>> -> memref<10112x64xf32, #tpu.memory_space<vmem_shared>>
      tpu.enqueue_indirect_dma source(%arg11 : memref<128x64xf32, #tpu.memory_space<vmem>>) target(%dma_start3A_134 : memref<10112x64xf32, #tpu.memory_space<vmem_shared>>) offsets(%dma_start3A_131 : memref<128xi32, #tpu.memory_space<vmem>>) semaphore(%run_scoped3A : memref<!tpu.dma_semaphore, #tpu.memory_space<semaphore_mem>>) {add = true}
      %dma_wait3A_135 = arith.constant 9728 : i32
      %dma_wait3A_136 = tpu.memref_slice %arg10[%dma_wait3A_135] : memref<10240xi32, #tpu.memory_space<vmem>> -> memref<128xi32, #tpu.memory_space<vmem>>
      %dma_wait3A_137 = arith.constant 0 : i32
      %dma_wait3A_138 = arith.constant 0 : i32
      %dma_wait3A_139 = tpu.memref_slice %arg15[%dma_wait3A_137, %dma_wait3A_138] : memref<10112x64xf32, #tpu.memory_space<vmem_shared>> -> memref<10112x64xf32, #tpu.memory_space<vmem_shared>>
      tpu.wait_indirect_dma semaphore(%run_scoped3A : memref<!tpu.dma_semaphore, #tpu.memory_space<semaphore_mem>>) src(%arg11 : memref<128x64xf32, #tpu.memory_space<vmem>>) dst(%dma_wait3A_139 : memref<10112x64xf32, #tpu.memory_space<vmem_shared>>)
      tpu.yield
    }) : () -> ()
    %dma_wait3A_105 = arith.constant 0 : i32
    %dma_wait3A_106 = tpu.memref_slice %arg8[%dma_wait3A_105] : memref<10240xi32, #tpu.memory_space<vmem>> -> memref<128xi32, #tpu.memory_space<vmem>>
    %dma_wait3A_107 = arith.constant 0 : i32
    %dma_wait3A_108 = arith.constant 0 : i32
    %dma_wait3A_109 = tpu.memref_slice %arg2[%dma_wait3A_107, %dma_wait3A_108] : memref<160000x64xf32, #tpu.memory_space<hbm>> -> memref<160000x64xf32, #tpu.memory_space<hbm>>
    tpu.wait_indirect_dma semaphore(%arg17 : memref<!tpu.dma_semaphore, #tpu.memory_space<semaphore_mem>>) src(%dma_wait3A_109 : memref<160000x64xf32, #tpu.memory_space<hbm>>) dst(%arg12 : memref<128x64xf32, #tpu.memory_space<vmem>>)
    "tpu.region"() ({
      %run_scoped3A = tpu.sem_alloc : memref<!tpu.dma_semaphore, #tpu.memory_space<semaphore_mem>>
      %dma_start3A_130 = arith.constant 9856 : i32
      %dma_start3A_131 = tpu.memref_slice %arg10[%dma_start3A_130] : memref<10240xi32, #tpu.memory_space<vmem>> -> memref<128xi32, #tpu.memory_space<vmem>>
      %dma_start3A_132 = arith.constant 0 : i32
      %dma_start3A_133 = arith.constant 0 : i32
      %dma_start3A_134 = tpu.memref_slice %arg15[%dma_start3A_132, %dma_start3A_133] : memref<10112x64xf32, #tpu.memory_space<vmem_shared>> -> memref<10112x64xf32, #tpu.memory_space<vmem_shared>>
      tpu.enqueue_indirect_dma source(%arg12 : memref<128x64xf32, #tpu.memory_space<vmem>>) target(%dma_start3A_134 : memref<10112x64xf32, #tpu.memory_space<vmem_shared>>) offsets(%dma_start3A_131 : memref<128xi32, #tpu.memory_space<vmem>>) semaphore(%run_scoped3A : memref<!tpu.dma_semaphore, #tpu.memory_space<semaphore_mem>>) {add = true}
      %dma_wait3A_135 = arith.constant 9856 : i32
      %dma_wait3A_136 = tpu.memref_slice %arg10[%dma_wait3A_135] : memref<10240xi32, #tpu.memory_space<vmem>> -> memref<128xi32, #tpu.memory_space<vmem>>
      %dma_wait3A_137 = arith.constant 0 : i32
      %dma_wait3A_138 = arith.constant 0 : i32
      %dma_wait3A_139 = tpu.memref_slice %arg15[%dma_wait3A_137, %dma_wait3A_138] : memref<10112x64xf32, #tpu.memory_space<vmem_shared>> -> memref<10112x64xf32, #tpu.memory_space<vmem_shared>>
      tpu.wait_indirect_dma semaphore(%run_scoped3A : memref<!tpu.dma_semaphore, #tpu.memory_space<semaphore_mem>>) src(%arg12 : memref<128x64xf32, #tpu.memory_space<vmem>>) dst(%dma_wait3A_139 : memref<10112x64xf32, #tpu.memory_space<vmem_shared>>)
      tpu.yield
    }) : () -> ()
    %dma_wait3A_110 = arith.constant 0 : i32
    %dma_wait3A_111 = tpu.memref_slice %arg8[%dma_wait3A_110] : memref<10240xi32, #tpu.memory_space<vmem>> -> memref<128xi32, #tpu.memory_space<vmem>>
    %dma_wait3A_112 = arith.constant 0 : i32
    %dma_wait3A_113 = arith.constant 0 : i32
    %dma_wait3A_114 = tpu.memref_slice %arg2[%dma_wait3A_112, %dma_wait3A_113] : memref<160000x64xf32, #tpu.memory_space<hbm>> -> memref<160000x64xf32, #tpu.memory_space<hbm>>
    tpu.wait_indirect_dma semaphore(%arg18 : memref<!tpu.dma_semaphore, #tpu.memory_space<semaphore_mem>>) src(%dma_wait3A_114 : memref<160000x64xf32, #tpu.memory_space<hbm>>) dst(%arg13 : memref<128x64xf32, #tpu.memory_space<vmem>>)
    "tpu.region"() ({
      %run_scoped3A = tpu.sem_alloc : memref<!tpu.dma_semaphore, #tpu.memory_space<semaphore_mem>>
      %dma_start3A_130 = arith.constant 9984 : i32
      %dma_start3A_131 = tpu.memref_slice %arg10[%dma_start3A_130] : memref<10240xi32, #tpu.memory_space<vmem>> -> memref<128xi32, #tpu.memory_space<vmem>>
      %dma_start3A_132 = arith.constant 0 : i32
      %dma_start3A_133 = arith.constant 0 : i32
      %dma_start3A_134 = tpu.memref_slice %arg15[%dma_start3A_132, %dma_start3A_133] : memref<10112x64xf32, #tpu.memory_space<vmem_shared>> -> memref<10112x64xf32, #tpu.memory_space<vmem_shared>>
      tpu.enqueue_indirect_dma source(%arg13 : memref<128x64xf32, #tpu.memory_space<vmem>>) target(%dma_start3A_134 : memref<10112x64xf32, #tpu.memory_space<vmem_shared>>) offsets(%dma_start3A_131 : memref<128xi32, #tpu.memory_space<vmem>>) semaphore(%run_scoped3A : memref<!tpu.dma_semaphore, #tpu.memory_space<semaphore_mem>>) {add = true}
      %dma_wait3A_135 = arith.constant 9984 : i32
      %dma_wait3A_136 = tpu.memref_slice %arg10[%dma_wait3A_135] : memref<10240xi32, #tpu.memory_space<vmem>> -> memref<128xi32, #tpu.memory_space<vmem>>
      %dma_wait3A_137 = arith.constant 0 : i32
      %dma_wait3A_138 = arith.constant 0 : i32
      %dma_wait3A_139 = tpu.memref_slice %arg15[%dma_wait3A_137, %dma_wait3A_138] : memref<10112x64xf32, #tpu.memory_space<vmem_shared>> -> memref<10112x64xf32, #tpu.memory_space<vmem_shared>>
      tpu.wait_indirect_dma semaphore(%run_scoped3A : memref<!tpu.dma_semaphore, #tpu.memory_space<semaphore_mem>>) src(%arg13 : memref<128x64xf32, #tpu.memory_space<vmem>>) dst(%dma_wait3A_139 : memref<10112x64xf32, #tpu.memory_space<vmem_shared>>)
      tpu.yield
    }) : () -> ()
    %dma_wait3A_115 = arith.constant 0 : i32
    %dma_wait3A_116 = tpu.memref_slice %arg8[%dma_wait3A_115] : memref<10240xi32, #tpu.memory_space<vmem>> -> memref<128xi32, #tpu.memory_space<vmem>>
    %dma_wait3A_117 = arith.constant 0 : i32
    %dma_wait3A_118 = arith.constant 0 : i32
    %dma_wait3A_119 = tpu.memref_slice %arg2[%dma_wait3A_117, %dma_wait3A_118] : memref<160000x64xf32, #tpu.memory_space<hbm>> -> memref<160000x64xf32, #tpu.memory_space<hbm>>
    tpu.wait_indirect_dma semaphore(%arg19 : memref<!tpu.dma_semaphore, #tpu.memory_space<semaphore_mem>>) src(%dma_wait3A_119 : memref<160000x64xf32, #tpu.memory_space<hbm>>) dst(%arg14 : memref<128x64xf32, #tpu.memory_space<vmem>>)
    "tpu.region"() ({
      %run_scoped3A = tpu.sem_alloc : memref<!tpu.dma_semaphore, #tpu.memory_space<semaphore_mem>>
      %dma_start3A_130 = arith.constant 10112 : i32
      %dma_start3A_131 = tpu.memref_slice %arg10[%dma_start3A_130] : memref<10240xi32, #tpu.memory_space<vmem>> -> memref<128xi32, #tpu.memory_space<vmem>>
      %dma_start3A_132 = arith.constant 0 : i32
      %dma_start3A_133 = arith.constant 0 : i32
      %dma_start3A_134 = tpu.memref_slice %arg15[%dma_start3A_132, %dma_start3A_133] : memref<10112x64xf32, #tpu.memory_space<vmem_shared>> -> memref<10112x64xf32, #tpu.memory_space<vmem_shared>>
      tpu.enqueue_indirect_dma source(%arg14 : memref<128x64xf32, #tpu.memory_space<vmem>>) target(%dma_start3A_134 : memref<10112x64xf32, #tpu.memory_space<vmem_shared>>) offsets(%dma_start3A_131 : memref<128xi32, #tpu.memory_space<vmem>>) semaphore(%run_scoped3A : memref<!tpu.dma_semaphore, #tpu.memory_space<semaphore_mem>>) {add = true}
      %dma_wait3A_135 = arith.constant 10112 : i32
      %dma_wait3A_136 = tpu.memref_slice %arg10[%dma_wait3A_135] : memref<10240xi32, #tpu.memory_space<vmem>> -> memref<128xi32, #tpu.memory_space<vmem>>
      %dma_wait3A_137 = arith.constant 0 : i32
      %dma_wait3A_138 = arith.constant 0 : i32
      %dma_wait3A_139 = tpu.memref_slice %arg15[%dma_wait3A_137, %dma_wait3A_138] : memref<10112x64xf32, #tpu.memory_space<vmem_shared>> -> memref<10112x64xf32, #tpu.memory_space<vmem_shared>>
      tpu.wait_indirect_dma semaphore(%run_scoped3A : memref<!tpu.dma_semaphore, #tpu.memory_space<semaphore_mem>>) src(%arg14 : memref<128x64xf32, #tpu.memory_space<vmem>>) dst(%dma_wait3A_139 : memref<10112x64xf32, #tpu.memory_space<vmem_shared>>)
      tpu.yield
    }) : () -> ()
    %barrier3A_120 = arith.constant 0 : index
    tpu.barrier barrier_id(%barrier3A_120)
    %add3A_121 = arith.constant 2 : i32
    %add3A_122 = arith.addi %add3A_121, %arg0 : i32
    %mul3A_123 = arith.constant 632 : i32
    %mul3A_124 = arith.muli %arg1, %mul3A_123 : i32
    %mul3A_125 = arith.constant 10112 : i32
    %mul3A_126 = arith.muli %add3A_122, %mul3A_125 : i32
    %mul3A_127 = arith.constant 632 : i32
    %mul3A_128 = arith.muli %arg1, %mul3A_127 : i32
    %add3A_129 = arith.addi %mul3A_126, %mul3A_128 : i32
    "tpu.region"() ({
      %run_scoped3A = tpu.sem_alloc : memref<!tpu.dma_semaphore, #tpu.memory_space<semaphore_mem>>
      %dma_start3A_130 = arith.constant 0 : i32
      %dma_start3A_131 = tpu.memref_slice %arg7[%add3A_129, %dma_start3A_130] : memref<40448x64xf32, #tpu.memory_space<hbm>> -> memref<632x64xf32, #tpu.memory_space<hbm>>
      %dma_start3A_132 = arith.constant 0 : i32
      %dma_start3A_133 = tpu.memref_slice %arg15[%mul3A_124, %dma_start3A_132] : memref<10112x64xf32, #tpu.memory_space<vmem_shared>> -> memref<632x64xf32, #tpu.memory_space<vmem_shared>>
      tpu.enqueue_dma source(%dma_start3A_133 : memref<632x64xf32, #tpu.memory_space<vmem_shared>>) target(%dma_start3A_131 : memref<632x64xf32, #tpu.memory_space<hbm>>) target_semaphore(%run_scoped3A : memref<!tpu.dma_semaphore, #tpu.memory_space<semaphore_mem>>)
      %dma_wait3A_134 = arith.constant 0 : i32
      %dma_wait3A_135 = tpu.memref_slice %arg7[%add3A_129, %dma_wait3A_134] : memref<40448x64xf32, #tpu.memory_space<hbm>> -> memref<632x64xf32, #tpu.memory_space<hbm>>
      %dma_wait3A_136 = arith.constant 0 : i32
      %dma_wait3A_137 = tpu.memref_slice %arg15[%mul3A_124, %dma_wait3A_136] : memref<10112x64xf32, #tpu.memory_space<vmem_shared>> -> memref<632x64xf32, #tpu.memory_space<vmem_shared>>
      tpu.wait_dma2 semaphore(%run_scoped3A : memref<!tpu.dma_semaphore, #tpu.memory_space<semaphore_mem>>) src(%dma_wait3A_137 : memref<632x64xf32, #tpu.memory_space<vmem_shared>>) dst(%dma_wait3A_135 : memref<632x64xf32, #tpu.memory_space<hbm>>)
      tpu.yield
    }) : () -> ()
    return
  }
}

module attributes {stable_mosaic.version = 14 : i64} {
  func.func @_tables_body(%arg0: i32, %arg1: memref<400x256xf32, #tpu.memory_space<vmem>>, %arg2: memref<8x256xf32, #tpu.memory_space<vmem>>, %arg3: memref<4x4x400x64xf32, #tpu.memory_space<vmem>>, %arg4: memref<400x256xf32, #tpu.memory_space<vmem>>) attributes {dimension_semantics = [#tpu.dimension_semantics<arbitrary>], iteration_bounds = array<i64: 25>, scalar_prefetch = 0 : i64, scratch_operands = 0 : i64, tpu.core_type = #tpu.core_type<tc>, window_params = [{transform_indices = @transform_0, window_bounds = array<i64: 400, 256>}, {pipeline_mode = #tpu.pipeline_mode<synchronous>, transform_indices = @transform_1, window_bounds = array<i64: 8, 256>}, {transform_indices = @transform_2, window_bounds = array<i64: 4, 4, 400, 64>}, {transform_indices = @transform_3, window_bounds = array<i64: 400, 256>}]} {
    %get3A = arith.constant 0 : index
    %get3A_0 = arith.constant 0 : index
    %get3A_1 = vector.load %arg1[%get3A, %get3A_0] : memref<400x256xf32, #tpu.memory_space<vmem>>, vector<400x256xf32>
    %get3A_2 = arith.constant 0 : index
    %get3A_3 = arith.constant 0 : index
    %get3A_4 = vector.load %arg2[%get3A_2, %get3A_3] : memref<8x256xf32, #tpu.memory_space<vmem>>, vector<1x256xf32>
    %get3A_5 = vector.shape_cast %get3A_4 : vector<1x256xf32> to vector<256xf32>
    %broadcast_in_dim3A = vector.shape_cast %get3A_5 : vector<256xf32> to vector<1x256xf32>
    %add3A = vector.broadcast %broadcast_in_dim3A : vector<1x256xf32> to vector<400x256xf32>
    %add3A_6 = arith.addf %get3A_1, %add3A : vector<400x256xf32>
    %max3A = arith.constant 0.000000e+00 : f32
    %max3A_7 = vector.broadcast %max3A : f32 to vector<400x256xf32>
    %max3A_8 = arith.maximumf %add3A_6, %max3A_7 : vector<400x256xf32>
    %slice3A = vector.extract_strided_slice %max3A_8 {offsets = [0, 0], sizes = [400, 64], strides = [1, 1]} : vector<400x256xf32> to vector<400x64xf32>
    %swap3A = arith.constant 0 : index
    %swap3A_9 = arith.constant 0 : index
    %swap3A_10 = arith.constant 0 : index
    %swap3A_11 = arith.constant 0 : index
    %swap3A_12 = vector.load %arg3[%swap3A, %swap3A_9, %swap3A_10, %swap3A_11] : memref<4x4x400x64xf32, #tpu.memory_space<vmem>>, vector<1x1x400x64xf32>
    %swap3A_13 = vector.shape_cast %swap3A_12 : vector<1x1x400x64xf32> to vector<400x64xf32>
    %swap3A_14 = vector.shape_cast %slice3A : vector<400x64xf32> to vector<1x1x400x64xf32>
    tpu.vector_store %arg3[%swap3A, %swap3A_9, %swap3A_10, %swap3A_11], %swap3A_14 {strides = array<i32>} : memref<4x4x400x64xf32, #tpu.memory_space<vmem>>, vector<1x1x400x64xf32>,
    %slice3A_15 = vector.extract_strided_slice %max3A_8 {offsets = [0, 64], sizes = [400, 64], strides = [1, 1]} : vector<400x256xf32> to vector<400x64xf32>
    %swap3A_16 = arith.constant 1 : index
    %swap3A_17 = arith.constant 0 : index
    %swap3A_18 = arith.constant 0 : index
    %swap3A_19 = arith.constant 0 : index
    %swap3A_20 = vector.load %arg3[%swap3A_16, %swap3A_17, %swap3A_18, %swap3A_19] : memref<4x4x400x64xf32, #tpu.memory_space<vmem>>, vector<1x1x400x64xf32>
    %swap3A_21 = vector.shape_cast %swap3A_20 : vector<1x1x400x64xf32> to vector<400x64xf32>
    %swap3A_22 = vector.shape_cast %slice3A_15 : vector<400x64xf32> to vector<1x1x400x64xf32>
    tpu.vector_store %arg3[%swap3A_16, %swap3A_17, %swap3A_18, %swap3A_19], %swap3A_22 {strides = array<i32>} : memref<4x4x400x64xf32, #tpu.memory_space<vmem>>, vector<1x1x400x64xf32>,
    %slice3A_23 = vector.extract_strided_slice %max3A_8 {offsets = [0, 128], sizes = [400, 64], strides = [1, 1]} : vector<400x256xf32> to vector<400x64xf32>
    %swap3A_24 = arith.constant 2 : index
    %swap3A_25 = arith.constant 0 : index
    %swap3A_26 = arith.constant 0 : index
    %swap3A_27 = arith.constant 0 : index
    %swap3A_28 = vector.load %arg3[%swap3A_24, %swap3A_25, %swap3A_26, %swap3A_27] : memref<4x4x400x64xf32, #tpu.memory_space<vmem>>, vector<1x1x400x64xf32>
    %swap3A_29 = vector.shape_cast %swap3A_28 : vector<1x1x400x64xf32> to vector<400x64xf32>
    %swap3A_30 = vector.shape_cast %slice3A_23 : vector<400x64xf32> to vector<1x1x400x64xf32>
    tpu.vector_store %arg3[%swap3A_24, %swap3A_25, %swap3A_26, %swap3A_27], %swap3A_30 {strides = array<i32>} : memref<4x4x400x64xf32, #tpu.memory_space<vmem>>, vector<1x1x400x64xf32>,
    %slice3A_31 = vector.extract_strided_slice %max3A_8 {offsets = [0, 192], sizes = [400, 64], strides = [1, 1]} : vector<400x256xf32> to vector<400x64xf32>
    %swap3A_32 = arith.constant 3 : index
    %swap3A_33 = arith.constant 0 : index
    %swap3A_34 = arith.constant 0 : index
    %swap3A_35 = arith.constant 0 : index
    %swap3A_36 = vector.load %arg3[%swap3A_32, %swap3A_33, %swap3A_34, %swap3A_35] : memref<4x4x400x64xf32, #tpu.memory_space<vmem>>, vector<1x1x400x64xf32>
    %swap3A_37 = vector.shape_cast %swap3A_36 : vector<1x1x400x64xf32> to vector<400x64xf32>
    %swap3A_38 = vector.shape_cast %slice3A_31 : vector<400x64xf32> to vector<1x1x400x64xf32>
    tpu.vector_store %arg3[%swap3A_32, %swap3A_33, %swap3A_34, %swap3A_35], %swap3A_38 {strides = array<i32>} : memref<4x4x400x64xf32, #tpu.memory_space<vmem>>, vector<1x1x400x64xf32>,
    %get3A_39 = arith.constant 1 : index
    %get3A_40 = arith.constant 0 : index
    %get3A_41 = vector.load %arg2[%get3A_39, %get3A_40] : memref<8x256xf32, #tpu.memory_space<vmem>>, vector<1x256xf32>
    %get3A_42 = vector.shape_cast %get3A_41 : vector<1x256xf32> to vector<256xf32>
    %broadcast_in_dim3A_43 = vector.shape_cast %get3A_42 : vector<256xf32> to vector<1x256xf32>
    %add3A_44 = vector.broadcast %broadcast_in_dim3A_43 : vector<1x256xf32> to vector<400x256xf32>
    %add3A_45 = arith.addf %get3A_1, %add3A_44 : vector<400x256xf32>
    %max3A_46 = arith.constant 0.000000e+00 : f32
    %max3A_47 = vector.broadcast %max3A_46 : f32 to vector<400x256xf32>
    %max3A_48 = arith.maximumf %add3A_45, %max3A_47 : vector<400x256xf32>
    %slice3A_49 = vector.extract_strided_slice %max3A_48 {offsets = [0, 0], sizes = [400, 64], strides = [1, 1]} : vector<400x256xf32> to vector<400x64xf32>
    %swap3A_50 = arith.constant 0 : index
    %swap3A_51 = arith.constant 1 : index
    %swap3A_52 = arith.constant 0 : index
    %swap3A_53 = arith.constant 0 : index
    %swap3A_54 = vector.load %arg3[%swap3A_50, %swap3A_51, %swap3A_52, %swap3A_53] : memref<4x4x400x64xf32, #tpu.memory_space<vmem>>, vector<1x1x400x64xf32>
    %swap3A_55 = vector.shape_cast %swap3A_54 : vector<1x1x400x64xf32> to vector<400x64xf32>
    %swap3A_56 = vector.shape_cast %slice3A_49 : vector<400x64xf32> to vector<1x1x400x64xf32>
    tpu.vector_store %arg3[%swap3A_50, %swap3A_51, %swap3A_52, %swap3A_53], %swap3A_56 {strides = array<i32>} : memref<4x4x400x64xf32, #tpu.memory_space<vmem>>, vector<1x1x400x64xf32>,
    %slice3A_57 = vector.extract_strided_slice %max3A_48 {offsets = [0, 64], sizes = [400, 64], strides = [1, 1]} : vector<400x256xf32> to vector<400x64xf32>
    %swap3A_58 = arith.constant 1 : index
    %swap3A_59 = arith.constant 1 : index
    %swap3A_60 = arith.constant 0 : index
    %swap3A_61 = arith.constant 0 : index
    %swap3A_62 = vector.load %arg3[%swap3A_58, %swap3A_59, %swap3A_60, %swap3A_61] : memref<4x4x400x64xf32, #tpu.memory_space<vmem>>, vector<1x1x400x64xf32>
    %swap3A_63 = vector.shape_cast %swap3A_62 : vector<1x1x400x64xf32> to vector<400x64xf32>
    %swap3A_64 = vector.shape_cast %slice3A_57 : vector<400x64xf32> to vector<1x1x400x64xf32>
    tpu.vector_store %arg3[%swap3A_58, %swap3A_59, %swap3A_60, %swap3A_61], %swap3A_64 {strides = array<i32>} : memref<4x4x400x64xf32, #tpu.memory_space<vmem>>, vector<1x1x400x64xf32>,
    %slice3A_65 = vector.extract_strided_slice %max3A_48 {offsets = [0, 128], sizes = [400, 64], strides = [1, 1]} : vector<400x256xf32> to vector<400x64xf32>
    %swap3A_66 = arith.constant 2 : index
    %swap3A_67 = arith.constant 1 : index
    %swap3A_68 = arith.constant 0 : index
    %swap3A_69 = arith.constant 0 : index
    %swap3A_70 = vector.load %arg3[%swap3A_66, %swap3A_67, %swap3A_68, %swap3A_69] : memref<4x4x400x64xf32, #tpu.memory_space<vmem>>, vector<1x1x400x64xf32>
    %swap3A_71 = vector.shape_cast %swap3A_70 : vector<1x1x400x64xf32> to vector<400x64xf32>
    %swap3A_72 = vector.shape_cast %slice3A_65 : vector<400x64xf32> to vector<1x1x400x64xf32>
    tpu.vector_store %arg3[%swap3A_66, %swap3A_67, %swap3A_68, %swap3A_69], %swap3A_72 {strides = array<i32>} : memref<4x4x400x64xf32, #tpu.memory_space<vmem>>, vector<1x1x400x64xf32>,
    %slice3A_73 = vector.extract_strided_slice %max3A_48 {offsets = [0, 192], sizes = [400, 64], strides = [1, 1]} : vector<400x256xf32> to vector<400x64xf32>
    %swap3A_74 = arith.constant 3 : index
    %swap3A_75 = arith.constant 1 : index
    %swap3A_76 = arith.constant 0 : index
    %swap3A_77 = arith.constant 0 : index
    %swap3A_78 = vector.load %arg3[%swap3A_74, %swap3A_75, %swap3A_76, %swap3A_77] : memref<4x4x400x64xf32, #tpu.memory_space<vmem>>, vector<1x1x400x64xf32>
    %swap3A_79 = vector.shape_cast %swap3A_78 : vector<1x1x400x64xf32> to vector<400x64xf32>
    %swap3A_80 = vector.shape_cast %slice3A_73 : vector<400x64xf32> to vector<1x1x400x64xf32>
    tpu.vector_store %arg3[%swap3A_74, %swap3A_75, %swap3A_76, %swap3A_77], %swap3A_80 {strides = array<i32>} : memref<4x4x400x64xf32, #tpu.memory_space<vmem>>, vector<1x1x400x64xf32>,
    %get3A_81 = arith.constant 2 : index
    %get3A_82 = arith.constant 0 : index
    %get3A_83 = vector.load %arg2[%get3A_81, %get3A_82] : memref<8x256xf32, #tpu.memory_space<vmem>>, vector<1x256xf32>
    %get3A_84 = vector.shape_cast %get3A_83 : vector<1x256xf32> to vector<256xf32>
    %broadcast_in_dim3A_85 = vector.shape_cast %get3A_84 : vector<256xf32> to vector<1x256xf32>
    %add3A_86 = vector.broadcast %broadcast_in_dim3A_85 : vector<1x256xf32> to vector<400x256xf32>
    %add3A_87 = arith.addf %get3A_1, %add3A_86 : vector<400x256xf32>
    %max3A_88 = arith.constant 0.000000e+00 : f32
    %max3A_89 = vector.broadcast %max3A_88 : f32 to vector<400x256xf32>
    %max3A_90 = arith.maximumf %add3A_87, %max3A_89 : vector<400x256xf32>
    %slice3A_91 = vector.extract_strided_slice %max3A_90 {offsets = [0, 0], sizes = [400, 64], strides = [1, 1]} : vector<400x256xf32> to vector<400x64xf32>
    %swap3A_92 = arith.constant 0 : index
    %swap3A_93 = arith.constant 2 : index
    %swap3A_94 = arith.constant 0 : index
    %swap3A_95 = arith.constant 0 : index
    %swap3A_96 = vector.load %arg3[%swap3A_92, %swap3A_93, %swap3A_94, %swap3A_95] : memref<4x4x400x64xf32, #tpu.memory_space<vmem>>, vector<1x1x400x64xf32>
    %swap3A_97 = vector.shape_cast %swap3A_96 : vector<1x1x400x64xf32> to vector<400x64xf32>
    %swap3A_98 = vector.shape_cast %slice3A_91 : vector<400x64xf32> to vector<1x1x400x64xf32>
    tpu.vector_store %arg3[%swap3A_92, %swap3A_93, %swap3A_94, %swap3A_95], %swap3A_98 {strides = array<i32>} : memref<4x4x400x64xf32, #tpu.memory_space<vmem>>, vector<1x1x400x64xf32>,
    %slice3A_99 = vector.extract_strided_slice %max3A_90 {offsets = [0, 64], sizes = [400, 64], strides = [1, 1]} : vector<400x256xf32> to vector<400x64xf32>
    %swap3A_100 = arith.constant 1 : index
    %swap3A_101 = arith.constant 2 : index
    %swap3A_102 = arith.constant 0 : index
    %swap3A_103 = arith.constant 0 : index
    %swap3A_104 = vector.load %arg3[%swap3A_100, %swap3A_101, %swap3A_102, %swap3A_103] : memref<4x4x400x64xf32, #tpu.memory_space<vmem>>, vector<1x1x400x64xf32>
    %swap3A_105 = vector.shape_cast %swap3A_104 : vector<1x1x400x64xf32> to vector<400x64xf32>
    %swap3A_106 = vector.shape_cast %slice3A_99 : vector<400x64xf32> to vector<1x1x400x64xf32>
    tpu.vector_store %arg3[%swap3A_100, %swap3A_101, %swap3A_102, %swap3A_103], %swap3A_106 {strides = array<i32>} : memref<4x4x400x64xf32, #tpu.memory_space<vmem>>, vector<1x1x400x64xf32>,
    %slice3A_107 = vector.extract_strided_slice %max3A_90 {offsets = [0, 128], sizes = [400, 64], strides = [1, 1]} : vector<400x256xf32> to vector<400x64xf32>
    %swap3A_108 = arith.constant 2 : index
    %swap3A_109 = arith.constant 2 : index
    %swap3A_110 = arith.constant 0 : index
    %swap3A_111 = arith.constant 0 : index
    %swap3A_112 = vector.load %arg3[%swap3A_108, %swap3A_109, %swap3A_110, %swap3A_111] : memref<4x4x400x64xf32, #tpu.memory_space<vmem>>, vector<1x1x400x64xf32>
    %swap3A_113 = vector.shape_cast %swap3A_112 : vector<1x1x400x64xf32> to vector<400x64xf32>
    %swap3A_114 = vector.shape_cast %slice3A_107 : vector<400x64xf32> to vector<1x1x400x64xf32>
    tpu.vector_store %arg3[%swap3A_108, %swap3A_109, %swap3A_110, %swap3A_111], %swap3A_114 {strides = array<i32>} : memref<4x4x400x64xf32, #tpu.memory_space<vmem>>, vector<1x1x400x64xf32>,
    %slice3A_115 = vector.extract_strided_slice %max3A_90 {offsets = [0, 192], sizes = [400, 64], strides = [1, 1]} : vector<400x256xf32> to vector<400x64xf32>
    %swap3A_116 = arith.constant 3 : index
    %swap3A_117 = arith.constant 2 : index
    %swap3A_118 = arith.constant 0 : index
    %swap3A_119 = arith.constant 0 : index
    %swap3A_120 = vector.load %arg3[%swap3A_116, %swap3A_117, %swap3A_118, %swap3A_119] : memref<4x4x400x64xf32, #tpu.memory_space<vmem>>, vector<1x1x400x64xf32>
    %swap3A_121 = vector.shape_cast %swap3A_120 : vector<1x1x400x64xf32> to vector<400x64xf32>
    %swap3A_122 = vector.shape_cast %slice3A_115 : vector<400x64xf32> to vector<1x1x400x64xf32>
    tpu.vector_store %arg3[%swap3A_116, %swap3A_117, %swap3A_118, %swap3A_119], %swap3A_122 {strides = array<i32>} : memref<4x4x400x64xf32, #tpu.memory_space<vmem>>, vector<1x1x400x64xf32>,
    %get3A_123 = arith.constant 3 : index
    %get3A_124 = arith.constant 0 : index
    %get3A_125 = vector.load %arg2[%get3A_123, %get3A_124] : memref<8x256xf32, #tpu.memory_space<vmem>>, vector<1x256xf32>
    %get3A_126 = vector.shape_cast %get3A_125 : vector<1x256xf32> to vector<256xf32>
    %broadcast_in_dim3A_127 = vector.shape_cast %get3A_126 : vector<256xf32> to vector<1x256xf32>
    %add3A_128 = vector.broadcast %broadcast_in_dim3A_127 : vector<1x256xf32> to vector<400x256xf32>
    %add3A_129 = arith.addf %get3A_1, %add3A_128 : vector<400x256xf32>
    %max3A_130 = arith.constant 0.000000e+00 : f32
    %max3A_131 = vector.broadcast %max3A_130 : f32 to vector<400x256xf32>
    %max3A_132 = arith.maximumf %add3A_129, %max3A_131 : vector<400x256xf32>
    %slice3A_133 = vector.extract_strided_slice %max3A_132 {offsets = [0, 0], sizes = [400, 64], strides = [1, 1]} : vector<400x256xf32> to vector<400x64xf32>
    %swap3A_134 = arith.constant 0 : index
    %swap3A_135 = arith.constant 3 : index
    %swap3A_136 = arith.constant 0 : index
    %swap3A_137 = arith.constant 0 : index
    %swap3A_138 = vector.load %arg3[%swap3A_134, %swap3A_135, %swap3A_136, %swap3A_137] : memref<4x4x400x64xf32, #tpu.memory_space<vmem>>, vector<1x1x400x64xf32>
    %swap3A_139 = vector.shape_cast %swap3A_138 : vector<1x1x400x64xf32> to vector<400x64xf32>
    %swap3A_140 = vector.shape_cast %slice3A_133 : vector<400x64xf32> to vector<1x1x400x64xf32>
    tpu.vector_store %arg3[%swap3A_134, %swap3A_135, %swap3A_136, %swap3A_137], %swap3A_140 {strides = array<i32>} : memref<4x4x400x64xf32, #tpu.memory_space<vmem>>, vector<1x1x400x64xf32>,
    %slice3A_141 = vector.extract_strided_slice %max3A_132 {offsets = [0, 64], sizes = [400, 64], strides = [1, 1]} : vector<400x256xf32> to vector<400x64xf32>
    %swap3A_142 = arith.constant 1 : index
    %swap3A_143 = arith.constant 3 : index
    %swap3A_144 = arith.constant 0 : index
    %swap3A_145 = arith.constant 0 : index
    %swap3A_146 = vector.load %arg3[%swap3A_142, %swap3A_143, %swap3A_144, %swap3A_145] : memref<4x4x400x64xf32, #tpu.memory_space<vmem>>, vector<1x1x400x64xf32>
    %swap3A_147 = vector.shape_cast %swap3A_146 : vector<1x1x400x64xf32> to vector<400x64xf32>
    %swap3A_148 = vector.shape_cast %slice3A_141 : vector<400x64xf32> to vector<1x1x400x64xf32>
    tpu.vector_store %arg3[%swap3A_142, %swap3A_143, %swap3A_144, %swap3A_145], %swap3A_148 {strides = array<i32>} : memref<4x4x400x64xf32, #tpu.memory_space<vmem>>, vector<1x1x400x64xf32>,
    %slice3A_149 = vector.extract_strided_slice %max3A_132 {offsets = [0, 128], sizes = [400, 64], strides = [1, 1]} : vector<400x256xf32> to vector<400x64xf32>
    %swap3A_150 = arith.constant 2 : index
    %swap3A_151 = arith.constant 3 : index
    %swap3A_152 = arith.constant 0 : index
    %swap3A_153 = arith.constant 0 : index
    %swap3A_154 = vector.load %arg3[%swap3A_150, %swap3A_151, %swap3A_152, %swap3A_153] : memref<4x4x400x64xf32, #tpu.memory_space<vmem>>, vector<1x1x400x64xf32>
    %swap3A_155 = vector.shape_cast %swap3A_154 : vector<1x1x400x64xf32> to vector<400x64xf32>
    %swap3A_156 = vector.shape_cast %slice3A_149 : vector<400x64xf32> to vector<1x1x400x64xf32>
    tpu.vector_store %arg3[%swap3A_150, %swap3A_151, %swap3A_152, %swap3A_153], %swap3A_156 {strides = array<i32>} : memref<4x4x400x64xf32, #tpu.memory_space<vmem>>, vector<1x1x400x64xf32>,
    %slice3A_157 = vector.extract_strided_slice %max3A_132 {offsets = [0, 192], sizes = [400, 64], strides = [1, 1]} : vector<400x256xf32> to vector<400x64xf32>
    %swap3A_158 = arith.constant 3 : index
    %swap3A_159 = arith.constant 3 : index
    %swap3A_160 = arith.constant 0 : index
    %swap3A_161 = arith.constant 0 : index
    %swap3A_162 = vector.load %arg3[%swap3A_158, %swap3A_159, %swap3A_160, %swap3A_161] : memref<4x4x400x64xf32, #tpu.memory_space<vmem>>, vector<1x1x400x64xf32>
    %swap3A_163 = vector.shape_cast %swap3A_162 : vector<1x1x400x64xf32> to vector<400x64xf32>
    %swap3A_164 = vector.shape_cast %slice3A_157 : vector<400x64xf32> to vector<1x1x400x64xf32>
    tpu.vector_store %arg3[%swap3A_158, %swap3A_159, %swap3A_160, %swap3A_161], %swap3A_164 {strides = array<i32>} : memref<4x4x400x64xf32, #tpu.memory_space<vmem>>, vector<1x1x400x64xf32>,
    %get3A_165 = arith.constant 4 : index
    %get3A_166 = arith.constant 0 : index
    %get3A_167 = vector.load %arg2[%get3A_165, %get3A_166] : memref<8x256xf32, #tpu.memory_space<vmem>>, vector<1x256xf32>
    %get3A_168 = vector.shape_cast %get3A_167 : vector<1x256xf32> to vector<256xf32>
    %broadcast_in_dim3A_169 = vector.shape_cast %get3A_168 : vector<256xf32> to vector<1x256xf32>
    %add3A_170 = vector.broadcast %broadcast_in_dim3A_169 : vector<1x256xf32> to vector<400x256xf32>
    %add3A_171 = arith.addf %get3A_1, %add3A_170 : vector<400x256xf32>
    %max3A_172 = arith.constant 0.000000e+00 : f32
    %max3A_173 = vector.broadcast %max3A_172 : f32 to vector<400x256xf32>
    %max3A_174 = arith.maximumf %add3A_171, %max3A_173 : vector<400x256xf32>
    %swap3A_175 = arith.constant 0 : index
    %swap3A_176 = arith.constant 0 : index
    %swap3A_177 = vector.load %arg4[%swap3A_175, %swap3A_176] : memref<400x256xf32, #tpu.memory_space<vmem>>, vector<400x256xf32>
    tpu.vector_store %arg4[%swap3A_175, %swap3A_176], %max3A_174 {strides = array<i32>} : memref<400x256xf32, #tpu.memory_space<vmem>>, vector<400x256xf32>,
    return
  }
  func.func @transform_0(%arg0: i32) -> (i32, i32) {
    %c0_i32 = arith.constant 0 : i32
    %c0_i32_0 = arith.constant 0 : i32
    return %arg0, %c0_i32 : i32, i32
  }
  func.func @transform_1(%arg0: i32) -> (i32, i32) {
    %c0_i32 = arith.constant 0 : i32
    %c0_i32_0 = arith.constant 0 : i32
    %c0_i32_1 = arith.constant 0 : i32
    return %c0_i32, %c0_i32_0 : i32, i32
  }
  func.func @transform_2(%arg0: i32) -> (i32, i32, i32, i32) {
    %c0_i32 = arith.constant 0 : i32
    %c0_i32_0 = arith.constant 0 : i32
    %c0_i32_1 = arith.constant 0 : i32
    %c0_i32_2 = arith.constant 0 : i32
    return %c0_i32, %c0_i32_0, %arg0, %c0_i32_1 : i32, i32, i32, i32
  }
  func.func @transform_3(%arg0: i32) -> (i32, i32) {
    %c0_i32 = arith.constant 0 : i32
    %c0_i32_0 = arith.constant 0 : i32
    return %arg0, %c0_i32 : i32, i32
  }
}

module attributes {stable_mosaic.version = 14 : i64} {
  func.func @_mlp_body(%arg0: i32, %arg1: memref<4x400x64xf32, #tpu.memory_space<vmem>>, %arg2: memref<400x256xf32, #tpu.memory_space<vmem>>, %arg3: memref<512x256xf32, #tpu.memory_space<vmem>>, %arg4: memref<1x512xf32, #tpu.memory_space<vmem>>, %arg5: memref<256x512xf32, #tpu.memory_space<vmem>>, %arg6: memref<1x256xf32, #tpu.memory_space<vmem>>, %arg7: memref<400x256xf32, #tpu.memory_space<vmem>>, %arg8: memref<8x256xf32, #tpu.memory_space<vmem>>) attributes {dimension_semantics = [#tpu.dimension_semantics<arbitrary>], iteration_bounds = array<i64: 25>, scalar_prefetch = 0 : i64, scratch_operands = 0 : i64, tpu.core_type = #tpu.core_type<tc>, window_params = [{transform_indices = @transform_0, window_bounds = array<i64: 4, 400, 64>}, {transform_indices = @transform_1, window_bounds = array<i64: 400, 256>}, {pipeline_mode = #tpu.pipeline_mode<synchronous>, transform_indices = @transform_2, window_bounds = array<i64: 512, 256>}, {pipeline_mode = #tpu.pipeline_mode<synchronous>, transform_indices = @transform_3, window_bounds = array<i64: 1, 512>}, {pipeline_mode = #tpu.pipeline_mode<synchronous>, transform_indices = @transform_4, window_bounds = array<i64: 256, 512>}, {pipeline_mode = #tpu.pipeline_mode<synchronous>, transform_indices = @transform_5, window_bounds = array<i64: 1, 256>}, {transform_indices = @transform_6, window_bounds = array<i64: 400, 256>}, {pipeline_mode = #tpu.pipeline_mode<synchronous>, transform_indices = @transform_7, window_bounds = array<i64: 8, 256>}]} {
    %get3A = arith.constant 0 : index
    %get3A_0 = arith.constant 0 : index
    %get3A_1 = arith.constant 0 : index
    %get3A_2 = vector.load %arg1[%get3A, %get3A_0, %get3A_1] : memref<4x400x64xf32, #tpu.memory_space<vmem>>, vector<1x400x64xf32>
    %get3A_3 = vector.shape_cast %get3A_2 : vector<1x400x64xf32> to vector<400x64xf32>
    %get3A_4 = arith.constant 1 : index
    %get3A_5 = arith.constant 0 : index
    %get3A_6 = arith.constant 0 : index
    %get3A_7 = vector.load %arg1[%get3A_4, %get3A_5, %get3A_6] : memref<4x400x64xf32, #tpu.memory_space<vmem>>, vector<1x400x64xf32>
    %get3A_8 = vector.shape_cast %get3A_7 : vector<1x400x64xf32> to vector<400x64xf32>
    %get3A_9 = arith.constant 2 : index
    %get3A_10 = arith.constant 0 : index
    %get3A_11 = arith.constant 0 : index
    %get3A_12 = vector.load %arg1[%get3A_9, %get3A_10, %get3A_11] : memref<4x400x64xf32, #tpu.memory_space<vmem>>, vector<1x400x64xf32>
    %get3A_13 = vector.shape_cast %get3A_12 : vector<1x400x64xf32> to vector<400x64xf32>
    %get3A_14 = arith.constant 3 : index
    %get3A_15 = arith.constant 0 : index
    %get3A_16 = arith.constant 0 : index
    %get3A_17 = vector.load %arg1[%get3A_14, %get3A_15, %get3A_16] : memref<4x400x64xf32, #tpu.memory_space<vmem>>, vector<1x400x64xf32>
    %get3A_18 = vector.shape_cast %get3A_17 : vector<1x400x64xf32> to vector<400x64xf32>
    %concatenate3A = tpu.concatenate %get3A_3, %get3A_8, %get3A_13, %get3A_18 in 1 : vector<400x64xf32>, vector<400x64xf32>, vector<400x64xf32>, vector<400x64xf32> -> vector<400x256xf32>
    %get3A_19 = arith.constant 0 : index
    %get3A_20 = arith.constant 0 : index
    %get3A_21 = vector.load %arg2[%get3A_19, %get3A_20] : memref<400x256xf32, #tpu.memory_space<vmem>>, vector<400x256xf32>
    %add3A = arith.addf %concatenate3A, %get3A_21 : vector<400x256xf32>
    %get3A_22 = arith.constant 0 : index
    %get3A_23 = arith.constant 0 : index
    %get3A_24 = vector.load %arg3[%get3A_22, %get3A_23] : memref<512x256xf32, #tpu.memory_space<vmem>>, vector<512x256xf32>
    %dot_general3A = arith.constant dense<0.000000e+00> : vector<400x512xf32>
    %dot_general3A_25 = tpu.matmul %add3A, %get3A_24, %dot_general3A {dimension_numbers = #tpu.dot_dimension_numbers<[1], [1], [0], [0], [0, 0, 1, 0], [], []>, transpose_lhs_hint = false} : vector<400x256xf32>, vector<512x256xf32>, vector<400x512xf32> -> vector<400x512xf32>
    %get3A_26 = arith.constant 0 : index
    %get3A_27 = arith.constant 0 : index
    %get3A_28 = vector.load %arg4[%get3A_26, %get3A_27] : memref<1x512xf32, #tpu.memory_space<vmem>>, vector<1x512xf32>
    %add3A_29 = vector.broadcast %get3A_28 : vector<1x512xf32> to vector<400x512xf32>
    %add3A_30 = arith.addf %dot_general3A_25, %add3A_29 : vector<400x512xf32>
    %max3A = arith.constant 0.000000e+00 : f32
    %max3A_31 = vector.broadcast %max3A : f32 to vector<400x512xf32>
    %max3A_32 = arith.maximumf %add3A_30, %max3A_31 : vector<400x512xf32>
    %get3A_33 = arith.constant 0 : index
    %get3A_34 = arith.constant 0 : index
    %get3A_35 = vector.load %arg5[%get3A_33, %get3A_34] : memref<256x512xf32, #tpu.memory_space<vmem>>, vector<256x512xf32>
    %dot_general3A_36 = arith.constant dense<0.000000e+00> : vector<400x256xf32>
    %dot_general3A_37 = tpu.matmul %max3A_32, %get3A_35, %dot_general3A_36 {dimension_numbers = #tpu.dot_dimension_numbers<[1], [1], [0], [0], [0, 0, 1, 0], [], []>, transpose_lhs_hint = false} : vector<400x512xf32>, vector<256x512xf32>, vector<400x256xf32> -> vector<400x256xf32>
    %get3A_38 = arith.constant 0 : index
    %get3A_39 = arith.constant 0 : index
    %get3A_40 = vector.load %arg6[%get3A_38, %get3A_39] : memref<1x256xf32, #tpu.memory_space<vmem>>, vector<1x256xf32>
    %add3A_41 = vector.broadcast %get3A_40 : vector<1x256xf32> to vector<400x256xf32>
    %add3A_42 = arith.addf %dot_general3A_37, %add3A_41 : vector<400x256xf32>
    %swap3A = arith.constant 0 : index
    %swap3A_43 = arith.constant 0 : index
    %swap3A_44 = vector.load %arg7[%swap3A, %swap3A_43] : memref<400x256xf32, #tpu.memory_space<vmem>>, vector<400x256xf32>
    tpu.vector_store %arg7[%swap3A, %swap3A_43], %add3A_42 {strides = array<i32>} : memref<400x256xf32, #tpu.memory_space<vmem>>, vector<400x256xf32>,
    %reduce_sum3A = arith.constant dense<0.000000e+00> : vector<256xf32>
    %reduce_sum3A_45 = vector.multi_reduction <add>, %add3A_42, %reduce_sum3A [0] : vector<400x256xf32> to vector<256xf32>
    %broadcast_in_dim3A = vector.shape_cast %reduce_sum3A_45 : vector<256xf32> to vector<1x256xf32>
    %mul3A = arith.mulf %add3A_42, %add3A_42 : vector<400x256xf32>
    %reduce_sum3A_46 = arith.constant dense<0.000000e+00> : vector<256xf32>
    %reduce_sum3A_47 = vector.multi_reduction <add>, %mul3A, %reduce_sum3A_46 [0] : vector<400x256xf32> to vector<256xf32>
    %broadcast_in_dim3A_48 = vector.shape_cast %reduce_sum3A_47 : vector<256xf32> to vector<1x256xf32>
    %broadcast_in_dim3A_49 = arith.constant 0.000000e+00 : f32
    %broadcast_in_dim3A_50 = vector.broadcast %broadcast_in_dim3A_49 : f32 to vector<6x256xf32>
    %concatenate3A_51 = tpu.concatenate %broadcast_in_dim3A, %broadcast_in_dim3A_48, %broadcast_in_dim3A_50 in 0 : vector<1x256xf32>, vector<1x256xf32>, vector<6x256xf32> -> vector<8x256xf32>
    %eq3A = arith.constant 0 : i32
    %eq3A_52 = arith.cmpi eq, %arg0, %eq3A : i32
    %convert_element_type3A = arith.extui %eq3A_52 : i1 to i32
    %cond3A = arith.constant 0 : i32
    %cond3A_53 = arith.cmpi ne, %convert_element_type3A, %cond3A : i32
    scf.if %cond3A_53 {
      %swap3A_58 = arith.constant 0 : index
      %swap3A_59 = arith.constant 0 : index
      %swap3A_60 = vector.load %arg8[%swap3A_58, %swap3A_59] : memref<8x256xf32, #tpu.memory_space<vmem>>, vector<8x256xf32>
      tpu.vector_store %arg8[%swap3A_58, %swap3A_59], %concatenate3A_51 {strides = array<i32>} : memref<8x256xf32, #tpu.memory_space<vmem>>, vector<8x256xf32>,
    } else {
    }
    %gt3A = arith.constant 0 : i32
    %gt3A_54 = arith.cmpi sgt, %arg0, %gt3A : i32
    %convert_element_type3A_55 = arith.extui %gt3A_54 : i1 to i32
    %cond3A_56 = arith.constant 0 : i32
    %cond3A_57 = arith.cmpi ne, %convert_element_type3A_55, %cond3A_56 : i32
    scf.if %cond3A_57 {
      %get3A_58 = arith.constant 0 : index
      %get3A_59 = arith.constant 0 : index
      %get3A_60 = vector.load %arg8[%get3A_58, %get3A_59] : memref<8x256xf32, #tpu.memory_space<vmem>>, vector<8x256xf32>
      %add3A_61 = arith.addf %get3A_60, %concatenate3A_51 : vector<8x256xf32>
      %swap3A_62 = arith.constant 0 : index
      %swap3A_63 = arith.constant 0 : index
      %swap3A_64 = vector.load %arg8[%swap3A_62, %swap3A_63] : memref<8x256xf32, #tpu.memory_space<vmem>>, vector<8x256xf32>
      tpu.vector_store %arg8[%swap3A_62, %swap3A_63], %add3A_61 {strides = array<i32>} : memref<8x256xf32, #tpu.memory_space<vmem>>, vector<8x256xf32>,
    } else {
    }
    return
  }
  func.func @transform_0(%arg0: i32) -> (i32, i32, i32) {
    %c0_i32 = arith.constant 0 : i32
    %c0_i32_0 = arith.constant 0 : i32
    %c0_i32_1 = arith.constant 0 : i32
    return %c0_i32, %arg0, %c0_i32_0 : i32, i32, i32
  }
  func.func @transform_1(%arg0: i32) -> (i32, i32) {
    %c0_i32 = arith.constant 0 : i32
    %c0_i32_0 = arith.constant 0 : i32
    return %arg0, %c0_i32 : i32, i32
  }
  func.func @transform_2(%arg0: i32) -> (i32, i32) {
    %c0_i32 = arith.constant 0 : i32
    %c0_i32_0 = arith.constant 0 : i32
    %c0_i32_1 = arith.constant 0 : i32
    return %c0_i32, %c0_i32_0 : i32, i32
  }
  func.func @transform_3(%arg0: i32) -> (i32, i32) {
    %c0_i32 = arith.constant 0 : i32
    %c0_i32_0 = arith.constant 0 : i32
    %c0_i32_1 = arith.constant 0 : i32
    return %c0_i32, %c0_i32_0 : i32, i32
  }
  func.func @transform_4(%arg0: i32) -> (i32, i32) {
    %c0_i32 = arith.constant 0 : i32
    %c0_i32_0 = arith.constant 0 : i32
    %c0_i32_1 = arith.constant 0 : i32
    return %c0_i32, %c0_i32_0 : i32, i32
  }
  func.func @transform_5(%arg0: i32) -> (i32, i32) {
    %c0_i32 = arith.constant 0 : i32
    %c0_i32_0 = arith.constant 0 : i32
    %c0_i32_1 = arith.constant 0 : i32
    return %c0_i32, %c0_i32_0 : i32, i32
  }
  func.func @transform_6(%arg0: i32) -> (i32, i32) {
    %c0_i32 = arith.constant 0 : i32
    %c0_i32_0 = arith.constant 0 : i32
    return %arg0, %c0_i32 : i32, i32
  }
  func.func @transform_7(%arg0: i32) -> (i32, i32) {
    %c0_i32 = arith.constant 0 : i32
    %c0_i32_0 = arith.constant 0 : i32
    %c0_i32_1 = arith.constant 0 : i32
    return %c0_i32, %c0_i32_0 : i32, i32
  }
}

module attributes {stable_mosaic.version = 14 : i64} {
  func.func @_norm_body(%arg0: i32, %arg1: memref<400x256xf32, #tpu.memory_space<vmem>>, %arg2: memref<8x256xf32, #tpu.memory_space<vmem>>, %arg3: memref<1x256xf32, #tpu.memory_space<vmem>>, %arg4: memref<1x256xf32, #tpu.memory_space<vmem>>, %arg5: memref<400x256xf32, #tpu.memory_space<vmem>>) attributes {dimension_semantics = [#tpu.dimension_semantics<arbitrary>], iteration_bounds = array<i64: 25>, scalar_prefetch = 0 : i64, scratch_operands = 0 : i64, tpu.core_type = #tpu.core_type<tc>, window_params = [{transform_indices = @transform_0, window_bounds = array<i64: 400, 256>}, {pipeline_mode = #tpu.pipeline_mode<synchronous>, transform_indices = @transform_1, window_bounds = array<i64: 8, 256>}, {pipeline_mode = #tpu.pipeline_mode<synchronous>, transform_indices = @transform_2, window_bounds = array<i64: 1, 256>}, {pipeline_mode = #tpu.pipeline_mode<synchronous>, transform_indices = @transform_3, window_bounds = array<i64: 1, 256>}, {transform_indices = @transform_4, window_bounds = array<i64: 400, 256>}]} {
    %get3A = arith.constant 0 : index
    %get3A_0 = arith.constant 0 : index
    %get3A_1 = vector.load %arg2[%get3A, %get3A_0] : memref<8x256xf32, #tpu.memory_space<vmem>>, vector<1x256xf32>
    %mul3A = arith.constant 9.99999974E-5 : f32
    %mul3A_2 = vector.broadcast %mul3A : f32 to vector<1x256xf32>
    %mul3A_3 = arith.mulf %get3A_1, %mul3A_2 : vector<1x256xf32>
    %get3A_4 = arith.constant 1 : index
    %get3A_5 = arith.constant 0 : index
    %get3A_6 = vector.load %arg2[%get3A_4, %get3A_5] : memref<8x256xf32, #tpu.memory_space<vmem>>, vector<1x256xf32>
    %mul3A_7 = arith.constant 9.99999974E-5 : f32
    %mul3A_8 = vector.broadcast %mul3A_7 : f32 to vector<1x256xf32>
    %mul3A_9 = arith.mulf %get3A_6, %mul3A_8 : vector<1x256xf32>
    %mul3A_10 = arith.mulf %mul3A_3, %mul3A_3 : vector<1x256xf32>
    %sub3A = arith.subf %mul3A_9, %mul3A_10 : vector<1x256xf32>
    %add3A = arith.constant 9.99999974E-6 : f32
    %add3A_11 = vector.broadcast %add3A : f32 to vector<1x256xf32>
    %add3A_12 = arith.addf %sub3A, %add3A_11 : vector<1x256xf32>
    %rsqrt3A = math.rsqrt %add3A_12 : vector<1x256xf32>
    %get3A_13 = arith.constant 0 : index
    %get3A_14 = arith.constant 0 : index
    %get3A_15 = vector.load %arg1[%get3A_13, %get3A_14] : memref<400x256xf32, #tpu.memory_space<vmem>>, vector<400x256xf32>
    %sub3A_16 = vector.broadcast %mul3A_3 : vector<1x256xf32> to vector<400x256xf32>
    %sub3A_17 = arith.subf %get3A_15, %sub3A_16 : vector<400x256xf32>
    %mul3A_18 = vector.broadcast %rsqrt3A : vector<1x256xf32> to vector<400x256xf32>
    %mul3A_19 = arith.mulf %sub3A_17, %mul3A_18 : vector<400x256xf32>
    %get3A_20 = arith.constant 0 : index
    %get3A_21 = arith.constant 0 : index
    %get3A_22 = vector.load %arg3[%get3A_20, %get3A_21] : memref<1x256xf32, #tpu.memory_space<vmem>>, vector<1x256xf32>
    %mul3A_23 = vector.broadcast %get3A_22 : vector<1x256xf32> to vector<400x256xf32>
    %mul3A_24 = arith.mulf %mul3A_19, %mul3A_23 : vector<400x256xf32>
    %get3A_25 = arith.constant 0 : index
    %get3A_26 = arith.constant 0 : index
    %get3A_27 = vector.load %arg4[%get3A_25, %get3A_26] : memref<1x256xf32, #tpu.memory_space<vmem>>, vector<1x256xf32>
    %add3A_28 = vector.broadcast %get3A_27 : vector<1x256xf32> to vector<400x256xf32>
    %add3A_29 = arith.addf %mul3A_24, %add3A_28 : vector<400x256xf32>
    %max3A = arith.constant 0.000000e+00 : f32
    %max3A_30 = vector.broadcast %max3A : f32 to vector<400x256xf32>
    %max3A_31 = arith.maximumf %add3A_29, %max3A_30 : vector<400x256xf32>
    %swap3A = arith.constant 0 : index
    %swap3A_32 = arith.constant 0 : index
    %swap3A_33 = vector.load %arg5[%swap3A, %swap3A_32] : memref<400x256xf32, #tpu.memory_space<vmem>>, vector<400x256xf32>
    tpu.vector_store %arg5[%swap3A, %swap3A_32], %max3A_31 {strides = array<i32>} : memref<400x256xf32, #tpu.memory_space<vmem>>, vector<400x256xf32>,
    return
  }
  func.func @transform_0(%arg0: i32) -> (i32, i32) {
    %c0_i32 = arith.constant 0 : i32
    %c0_i32_0 = arith.constant 0 : i32
    return %arg0, %c0_i32 : i32, i32
  }
  func.func @transform_1(%arg0: i32) -> (i32, i32) {
    %c0_i32 = arith.constant 0 : i32
    %c0_i32_0 = arith.constant 0 : i32
    %c0_i32_1 = arith.constant 0 : i32
    return %c0_i32, %c0_i32_0 : i32, i32
  }
  func.func @transform_2(%arg0: i32) -> (i32, i32) {
    %c0_i32 = arith.constant 0 : i32
    %c0_i32_0 = arith.constant 0 : i32
    %c0_i32_1 = arith.constant 0 : i32
    return %c0_i32, %c0_i32_0 : i32, i32
  }
  func.func @transform_3(%arg0: i32) -> (i32, i32) {
    %c0_i32 = arith.constant 0 : i32
    %c0_i32_0 = arith.constant 0 : i32
    %c0_i32_1 = arith.constant 0 : i32
    return %c0_i32, %c0_i32_0 : i32, i32
  }
  func.func @transform_4(%arg0: i32) -> (i32, i32) {
    %c0_i32 = arith.constant 0 : i32
    %c0_i32_0 = arith.constant 0 : i32
    return %arg0, %c0_i32 : i32, i32
  }
}

</mosaic_0001>

<sc_bundles>
// kernel: kernel.10.cloned.1.call-start
scs
__scs_entry_jumppad:
0x0: {  	(pc) =	sbr.rel $0x88, $3  }
0x1: {  	(tag) =	ssettag $0x0;
	lr =	simm.s32 $0x1  }
0x2: {  	[smem:$0x3F94] =	sst lr;
	_ =	strace $0xD0000000  }
0x3: {  	_ = 	snop  }
0x4: {  	_ = 	snop  }
0x5: {  	_ = 	snop  }
0x6: {  	_ = 	snop  }
0x7: {  	_ = 	snop  }
__scs_overlays_trampoline_lowered:
0x8: {  	[smem:$0x3FA3] =	sst s0  }
0x9: {  	[smem:$0x3FA4] =	sst s1  }
0xa: {  	[smem:$0x3FA5] =	sst s2  }
0xb: {  	[smem:$0x3FA6] =	sst s3  }
0xc: {  	[smem:$0x3FA7] =	sst s4  }
0xd: {  	[smem:$0x3FA8] =	sst s5  }
0xe: {  	[smem:$0x3FA9] =	sst s6  }
0xf: {  	[smem:$0x3FAA] =	sst s7  }
0x10: {  	[smem:$0x3FAB] =	sst s8  }
0x11: {  	[smem:$0x3FAC] =	sst s9;
	s0 =	simm.s32 @!p0 $0x0  }
0x12: {  	s1 =	sld [smem:$0x3F92];
	s0 =	simm.s32 @p0 $0x1  }
0x13: {  	[smem:$0x3FAD] =	sst s0;
	s0 =	simm.s32 @!p1 $0x0  }
0x14: {  	s2 =	sld [smem:$0x3F91];
	s0 =	simm.s32 @p1 $0x1  }
0x15: {  	[smem:$0x3FAE] =	sst s0;
	s0 =	simm.s32 @!p2 $0x0  }
0x16: {  	s3 =	sld [smem:$0x3FDB];
	s0 =	simm.s32 @p2 $0x1  }
0x17: {  	s4 =	simm.s32 $0x1BF5;
	[smem:$0x3FB0] =	sst s0  }
0x18: {  	s0 =	sld [smem:$0x3F93];
	_ =	swait.ge [sflag:s4], $0x0  }
0x19: {  	s7 =	sld [smem:$0x3F94]  }
0x1a: {  	s8 =	sadd.s32 $0xFFFFE003, lr  }
0x1b: {  	s9 =	sadd.s32 $0xFFFFFEF7, lr;
	s5 =	simm.s32 $0xFFFFFFFF;
	p2 =	slt.u32 s8, $0xFFFFF086  }
0x1c: {  	p1 =	slt.u32 s9, $0xF7A;
	s5 =	simm.s32 @!p2 $0x0  }
0x1d: {  	s5 =	simm.s32 @p1 $0x1;
	p0 =	seq.s32 s7, s2  }
0x1e: {  	s7 =	smul.u32 @!p0 $0xF7A, s2;
	p2 =	seq.s32 @!p0 s5, $0x0  }
0x1f: {  	s9 =	smul.u32 $0xF7A, s1;
	s8 =	simm.s32 @!p0 $0x1BF5;
	p2 =	por !p2, p0  }
0x20: {  	[sflag:s8] =	ssyncset.s32 @!p0 $0xFFFFF086;
	s6 =	sadd.s32 @!p0 s3, s7;
	s7 =	simm.s32 @!p0 $0x108  }
0x21: {  	s3 =	sadd.s32 s3, s9;
	s6 =	sadd.s32 @!p0 $0x88, s6;
	s7 =	simm.s32 @p2 $0x1082  }
0x22: {  	[simem:s7], [sflag:s8] =	dma.local @!p0 [hbm:s6], $0xF7A  }
0x23: {  	s9 =	sor.u32 $0xD0000000, s2;
	s6 =	simm.s32 $0x108;
	_ =	swait.ge @!p0 [sflag:s8], $0x0  }
0x24: {  	s3 =	sadd.s32 $0x88, s3;
	s6 =	simm.s32 @!p1 $0x1082;
	[sflag:s4] =	ssyncset.s32 $0xFFFFF086  }
0x25: {  	[simem:s6], [sflag:s4] =	dma.local [hbm:s3], $0xF7A  }
0x26: {  	[smem:$0x3F94] =	sst s1;
	(tag) =	ssettag s2;
	_ =	strace s9  }
0x27: {  	s1 =	sld [smem:$0x3FA4]  }
0x28: {  	s2 =	sld [smem:$0x3FA5]  }
0x29: {  	s4 =	sld [smem:$0x3FA7]  }
0x2a: {  	p0 =	seq.s32 s5, $0x0;
	s5 =	sld [smem:$0x3FA8]  }
0x2b: {  	s6 =	sld [smem:$0x3FA9]  }
0x2c: {  	s7 =	sld [smem:$0x3FAA]  }
0x2d: {  	s3 =	simm.s32 $0x108;
	s8 =	sld [smem:$0x3FAB]  }
0x2e: {  	s3 =	simm.s32 @!p0 $0x1082;
	s9 =	sld [smem:$0x3FAC]  }
0x2f: {  	lr =	sadd.s32 s0, s3;
	s0 =	sld [smem:$0x3FA3]  }
0x30: {  	s3 =	sld [smem:$0x3FA6]  }
0x31: {  	[smem:$0x3FAF] =	sst s10  }
0x32: {  	s10 =	sld [smem:$0x3FAD];
	_ =	sdelay $0x3  }
0x33: {  	p0 =	seq.s32 s10, $0x1;
	s10 =	sld [smem:$0x3FAF];
	_ =	sdelay $0x3  }
0x34: {  	[smem:$0x3FAF] =	sst s10  }
0x35: {  	s10 =	sld [smem:$0x3FAE];
	_ =	sdelay $0x3  }
0x36: {  	p1 =	seq.s32 s10, $0x1;
	s10 =	sld [smem:$0x3FAF];
	_ =	sdelay $0x3  }
0x37: {  	[smem:$0x3FAF] =	sst s10  }
0x38: {  	s10 =	sld [smem:$0x3FB0]  }
0x39: {  	_ = 	snop;
	(pc) =	sbr.ind lr, $3  }
0x3a: {  	_ = 	snop  }
0x3b: {  	_ = 	snop  }
0x3c: {  	p2 =	seq.s32 s10, $0x1;
	s10 =	sld [smem:$0x3FAF]  }
0x3d: {  	_ =	shalt  }
0x3e: {  	_ =	shalt  }
0x3f: {  	_ =	shalt  }
0x40: {  	_ =	shalt  }
0x41: {  	_ =	shalt  }
0x42: {  	_ =	shalt  }
0x43: {  	_ =	shalt  }
0x44: {  	_ =	shalt  }
0x45: {  	_ =	shalt  }
0x46: {  	_ =	shalt  }
0x47: {  	_ =	shalt  }
0x48: {  	_ =	shalt  }
0x49: {  	_ =	shalt  }
0x4a: {  	_ =	shalt  }
0x4b: {  	_ =	shalt  }
0x4c: {  	_ =	shalt  }
0x4d: {  	_ =	shalt  }
0x4e: {  	_ =	shalt  }
0x4f: {  	_ =	shalt  }
0x50: {  	_ =	shalt  }
0x51: {  	_ =	shalt  }
0x52: {  	_ =	shalt  }
0x53: {  	_ =	shalt  }
0x54: {  	_ =	shalt  }
0x55: {  	_ =	shalt  }
0x56: {  	_ =	shalt  }
0x57: {  	_ =	shalt  }
0x58: {  	_ =	shalt  }
0x59: {  	_ =	shalt  }
0x5a: {  	_ =	shalt  }
0x5b: {  	_ =	shalt  }
0x5c: {  	_ =	shalt  }
0x5d: {  	_ =	shalt  }
0x5e: {  	_ =	shalt  }
0x5f: {  	_ =	shalt  }
0x60: {  	_ =	shalt  }
0x61: {  	_ =	shalt  }
0x62: {  	_ =	shalt  }
0x63: {  	_ =	shalt  }
0x64: {  	_ =	shalt  }
0x65: {  	_ =	shalt  }
0x66: {  	_ =	shalt  }
0x67: {  	_ =	shalt  }
0x68: {  	_ =	shalt  }
0x69: {  	_ =	shalt  }
0x6a: {  	_ =	shalt  }
0x6b: {  	_ =	shalt  }
0x6c: {  	_ =	shalt  }
0x6d: {  	_ =	shalt  }
0x6e: {  	_ =	shalt  }
0x6f: {  	_ =	shalt  }
0x70: {  	_ =	shalt  }
0x71: {  	_ =	shalt  }
0x72: {  	_ =	shalt  }
0x73: {  	_ =	shalt  }
0x74: {  	_ =	shalt  }
0x75: {  	_ =	shalt  }
0x76: {  	_ =	shalt  }
0x77: {  	_ =	shalt  }
0x78: {  	_ =	shalt  }
0x79: {  	_ =	shalt  }
0x7a: {  	_ =	shalt  }
0x7b: {  	_ =	shalt  }
0x7c: {  	_ =	shalt  }
0x7d: {  	_ =	shalt  }
0x7e: {  	_ =	shalt  }
0x7f: {  	_ =	shalt  }
0x80: {  	_ =	shalt  }
0x81: {  	_ =	shalt  }
0x82: {  	_ =	shalt  }
0x83: {  	_ =	shalt  }
0x84: {  	_ =	shalt  }
0x85: {  	_ =	shalt  }
0x86: {  	_ =	shalt  }
0x87: {  	_ =	shalt  }
.Lfunc_end0:
.L_simem_size_0:
called_computation_lowered:
.L_overlay_start_0:
0x88: {  	s2 =	sld [smem:$0x3FD9]  }
0x89: {  	s3 =	sld [smem:$0x3FFE];
	_ =	sdelay $0x1  }
0x8a: {  	s1 =	srdreg.scid  }
0x8b: {  	s0 =	sand.u32 $0x1, s1  }
0x8c: {  	s15 =	sshll.u32 s0, $0xA;
	s2 =	sadd.s32 s3, s2  }
0x8d: {  	s2 =	sadd.s32 s2, s15  }
0x8e: {  	[smem:$0x3FBB] =	sst s2  }
0x8f: {  	_ = 	snop  }
0x90: {  	s2 =	sld [smem:$0x3FD0];
	_ =	sdelay $0x2  }
0x91: {  	s16 =	simm.s32 $0xB;
	s4 =	simm.s32 $0x10  }
0x92: {  	[smem:s4], [sflag:s16] =	dma.local [hbm:s2], $0x1  }
0x93: {  	_ =	swait.eq [sflag:s16], $0x1  }
0x94: {  	[sflag:s16] =	ssyncset.done $0x0  }
0x95: {  	[sflag:s16] =	ssyncadd.s32 $0xFFFFFFFF  }
0x96: {  	s17 =	sld [smem:$0x10];
	(tm) =	ssettm $0x1  }
0x97: {  	s18 =	sld [smem:$0x3FFB];
	_ =	sdelay $0x3  }
0x98: {  	_ =	strace s18  }
0x99: {  	s2 =	sld [smem:$0x3FFC];
	_ =	sdelay $0x3  }
0x9a: {  	_ =	strace s2  }
0x9b: {  	s2 =	sld [smem:$0x3FFD];
	_ =	sdelay $0x3  }
0x9c: {  	_ =	strace s2  }
0x9d: {  	_ =	strace $0x8FFFFFFF  }
0x9e: {  	s19 =	sld [smem:$0x3FDB];
	_ =	sdelay $0x1  }
0x9f: {  	s20 =	simm.s32 $_scs_section_size  }
0xa0: {  	s5 =	simm.s32 $_size__tile_overlayer_lowered;
	s6 =	simm.s32 $_tile_overlayer_lowered  }
0xa1: {  	s7 =	simm.s32 $0x1BFF;
	s21 =	sshll.u32 s6, $0x1;
	s4 =	sadd.s32 s20, s19  }
0xa2: {  	s22 =	simm.s32 $0x0;
	s5 =	sshll.u32 s5, $0x1;
	s6 =	sadd.s32 s21, s4  }
0xa3: {  	[timem:s22], [sflag:s7] =	dma.local [hbm:s6], s5  }
0xa4: {  	_ =	swait.ge [sflag:s7], s5  }
0xa5: {  	s5 =	ssub.s32 $0x0, s5;
	[sflag:s7] =	ssyncset.done $0x0  }
0xa6: {  	[sflag:s7] =	ssyncadd.s32 s5;
	_ =	sdelay $0x1  }
0xa7: {  	s23 =	simm.s32 $0x1B8B  }
0xa8: {  	_ =	swait.ge [sflag:s23], $0x1  }
0xa9: {  	[sflag:s23] =	ssyncset.done $0x0  }
0xaa: {  	[sflag:s23] =	ssyncadd.s32 $0xFFFFFFFF  }
0xab: {  	s5 =	sld [smem:$0x0]  }
0xac: {  	s6 =	sand.u32 $0xFFFFFFFE, s1  }
0xad: {  	p0 =	sne.s32 s1, s6  }
0xae: {  	s6 =	sshll.u32 @p0 s6, $0xE  }
0xaf: {  	s6 =	sadd.s32 @p0 $0x11B8D, s6;
	s7 =	sshll.u32 @p0 s5, $0x11  }
0xb0: {  	s6 =	sor.u32 @p0 s7, s6  }
0xb1: {  	[sflag:s6] =	ssyncadd.remote.s32 @p0 $0x1;
	_ =	sdelay $0x1  }
0xb2: {  	s6 =	simm.s32 @p0 $0x1B8D  }
0xb3: {  	_ =	swait.eq @p0 [sflag:s6], $0x1  }
0xb4: {  	[sflag:s6] =	ssyncadd.s32 @p0 $0xFFFFFFFF  }
0xb5: {  	s7 =	sshll.u32 @!p0 s1, $0xE  }
0xb6: {  	s7 =	sor.u32 @!p0 $0x4000, s7;
	s6 =	simm.s32 @!p0 $0x1B8D  }
0xb7: {  	s5 =	sshll.u32 @!p0 s5, $0x11;
	s7 =	sadd.s32 @!p0 $0x11B8D, s7;
	_ =	swait.eq @!p0 [sflag:s6], $0x1  }
0xb8: {  	s5 =	sor.u32 @!p0 s5, s7;
	[sflag:s6] =	ssyncadd.s32 @!p0 $0xFFFFFFFF  }
0xb9: {  	s25 =	simm.s32 $0x1B8E;
	s24 =	sld [smem:$0x3FFE];
	[sflag:s5] =	ssyncadd.remote.s32 @!p0 $0x1  }
0xba: {  	s26 =	simm.s32 $execute0_lowered;
	[smem:$0x3FD2] =	sst s25  }
0xbb: {  	s6 =	sshll.u32 s26, $0x1;
	_ =	strace $0x80000049;
	[dreg:$0x1] =	wrdreg $0xFFFFFFFF  }
0xbc: {  	s28 =	simm.s32 $_size_execute0_lowered;
	s4 =	sadd.s32 s4, s6;
	[dreg:$0x0] =	wrdreg $0x0  }
0xbd: {  	s6 =	sshll.u32 s28, $0x1;
	[dreg:$0x2] =	wrdreg s4  }
0xbe: {  	[dreg:$0x3] =	wrdreg s6  }
0xbf: {  	[dreg:$0x4] =	wrdreg $0xC0  }
0xc0: {  	_ =	task [dreg:s22], $0x5FFFF  }
0xc1: {  	[dreg:$0x1] =	wrdreg $0xFFFFFFFF  }
0xc2: {  	[dreg:$0x0] =	wrdreg $0x60  }
0xc3: {  	[dreg:$0x2] =	wrdreg s24  }
0xc4: {  	[dreg:$0x3] =	wrdreg s17  }
0xc5: {  	[dreg:$0x4] =	wrdreg $0xF8000  }
0xc6: {  	[dreg:$0x5] =	wrdreg $0x9  }
0xc7: {  	_ =	task.clear_ibuf [dreg:s22], $0x6FFFF;
	_ =	strace $0x90000049  }
0xc8: {  	s29 =	simm.s32 $0x9;
	_ =	strace $0x8000004B  }
0xc9: {  	_ =	swait.ge [sflag:s29], $0x1  }
0xca: {  	[sflag:s29] =	ssyncadd.s32 $0xFFFFFFFF  }
0xcb: {  	_ =	strace $0x9000004B  }
0xcc: {  	_ =	sfence  }
0xcd: {  	s30 =	sld [smem:$0x0];
	_ =	sdelay $0x2  }
0xce: {  	s31 =	sshll.u32 s1, $0xD;
	s1 =	sshrl.u32 s1, $0x2  }
0xcf: {  	s4 =	sand.u32 $0x4000, s31;
	s1 =	sadd.s32 s1, s30  }
0xd0: {  	s0 =	sor.u32 s4, s0;
	s1 =	sshll.u32 s1, $0x11  }
0xd1: {  	s0 =	sor.u32 s1, s0  }
0xd2: {  	s0 =	sadd.s32 $0x8F2B, s0  }
0xd3: {  	[sflag:s0] =	ssyncadd.remote.s32 $0x1  }
0xd4: {  	_ =	sfence.sel $0xFFFF  }
0xd5: {  	[dreg:$0x0] =	wrdreg $0xFFFFFFFF;
	(pc) =	sbr.abs _section_cstart, $3  }
0xd6: {  	[dreg:$0x1] =	wrdreg $0xFFFFFFFF  }
0xd7: {  	_ =	task.clear_ibuf [dreg:s22], $0x2FFFF;
	_ =	strace $0x9FFFFFFF  }
0xd8: {  	(tm) =	ssettm $0x7FFFFFFF  }
0xd9: {  	_ =	shalt  }
tec
execute0_lowered:
.L_overlay_start_1:
0x0: {  	(tag) =	ssettag $0x1  }
0x1: {  	s0 =	rddreg [dreg:$0x0]  }
0x2: {  	s1 =	rddreg [dreg:$0x1]  }
0x3: {  	s2 =	rddreg [dreg:$0x2];
	s13 =	stileid.u32  }
0x4: {  	s4 =	srdreg.scid;
	s3 =	simm.s32 $0x0;
	s17 =	simm.s32 $0x80  }
0x5: {  	s18 =	simm.s32 $0x7800;
	s19 =	simm.s32 $0x9800;
	s20 =	simm.s32 $0x100  }
0x6: {  	s21 =	simm.s32 $0xB800;
	s22 =	simm.s32 $0x180;
	s23 =	simm.s32 $0xD800  }
0x7: {  	s24 =	simm.s32 $0x1;
	s25 =	simm.s32 $0x2;
	s28 =	simm.s32 $0x4  }
0x8: {  	s29 =	simm.s32 $0x7600;
	s30 =	simm.s32 $0x7680;
	s6 =	smul.u32 $0x500, s13  }
0x9: {  	s31 =	simm.s32 $0x7700;
	s9 =	sand.u32 $0x1, s4;
	s7 =	smul.u32 $0x278, s13  }
0xa: {  	[smem:$0x7FF] =	sst s3;
	s4 =	sadd.s32 $0x61E00, s0;
	s12 =	smul.u32 $0x27800, s13  }
0xb: {  	s5 =	sadd.s32 $0x11A00, s0;
	s8 =	smul.u32 $0x2780, s9;
	_ =	strace $0x8000004A  }
0xc: {  	s26 =	ssub.s32 $0x2, s9;
	s14 =	smul.u32 $0x9C40, s9;
	s10 =	sadd.s32 s6, s0  }
0xd: {  	s11 =	sshrl.u32 s26, $0x1;
	s1 =	sadd.s32 s1, s6;
	s12 =	sshrl.u32 s12, $0x2  }
0xe: {  	s7 =	sadd.s32 s7, s8;
	s11 =	ssub.s32 s26, s11;
	[dreg:$0x4] =	wrdreg s1  }
0xf: {  	s8 =	sadd.s32 $0x19A600, s10;
	s1 =	sadd.s32 s12, s2;
	s12 =	simm.s32 $0x5  }
0x10: {  	s26 =	sshll.u32 s13, $0x6;
	s7 =	sshll.u32 s7, $0x3;
	s11 =	smax.u32 s11, $0x1  }
0x11: {  	s15 =	sor.u32 $0x1C05, s26;
	s16 =	sshrl.u32 s1, $0x3;
	s0 =	sadd.s32 s7, s0  }
0x12: {  	s26 =	simm.s32 $0x3;
	s7 =	sadd.s32 $0x19F600, s10;
	s9 =	sadd.s32 $0x1A4600, s0  }
0x13: {  	v0 =	vmov s14;
	s1 =	simm.s32 $0x0;
	s10 =	sadd.s32 $0x1CBE00, s0;
	s0 =	simm.s32 $0x7780  }
.LBB2_1:
0x14: {  	s6 =	rddreg [dreg:$0x4]  }
0x15: {  	[tilespmem:s3], [sflag:$0x5] =	stream.linear.gather [hbm4b:s6+s3], $0x2800, $0x38;
	[tilespmem:$0x19600] =	vst v63  }
0x16: {  	_ =	swait.ge [sflag:s12], $0x2800  }
0x17: {  	[sflag:s12] =	ssyncset.done $0x0  }
0x18: {  	s13 =	simm.s32 $0x2800;
	[sflag:s12] =	ssyncadd.s32 $0xFFFFD800  }
0x19: {  	[tilespmem:s13], [sflag:$0x5] =	stream.linear.gather [hbm4b:s7+s3], $0x2800, $0x38;
	[tilespmem:$0x19600] =	vst v63  }
0x1a: {  	_ =	swait.ge [sflag:s12], $0x2800  }
0x1b: {  	[sflag:s12] =	ssyncset.done $0x0  }
0x1c: {  	s14 =	simm.s32 $0x5000;
	[sflag:s12] =	ssyncadd.s32 $0xFFFFD800  }
0x1d: {  	[tilespmem:s14], [sflag:$0x5] =	stream.linear.gather [hbm4b:s8+s3], $0x2800, $0x38;
	[tilespmem:$0x19600] =	vst v63  }
0x1e: {  	_ =	swait.ge [sflag:s12], $0x2800  }
0x1f: {  	[sflag:s12] =	ssyncset.done $0x0  }
0x20: {  	s13 =	simm.s32 $0x0;
	[sflag:s12] =	ssyncadd.s32 $0xFFFFD800  }
0x21: {  	v1 =	vld [tilespmem:s13+$0x2800]  }
0x22: {  	v2 =	vld [tilespmem:s13+$0x0];
	_ =	sdelay $0x3  }
0x23: {  	v1 =	vmul.u32 $0x2710, v1  }
0x24: {  	v2 =	vadd.s32 v0, v2  }
0x25: {  	s6 =	simm.s32 $0x10;
	s14 =	simm.s32 $0x80;
	v1 =	vadd.s32 v1, v2  }
.LBB2_2:
0x26: {  	p0 =	sne.s32 s14, $0x9FC0;
	v2 =	vld [tilespmem:s6+$0x2800];
	[tilespmem:s13+$0x0] =	vst v1;
	s13 =	smov.u32 s6  }
0x27: {  	v1 =	vld [tilespmem:s13+$0x0];
	_ =	sdelay $0x1  }
.Ltmp0:
0x28: {  	(pc) =	sbr.rel @p0 .LBB2_2-.Ltmp0, $4  }
0x29: {  	_ = 	snop  }
0x2a: {  	v2 =	vmul.u32 $0x2710, v2  }
0x2b: {  	v1 =	vadd.s32 v0, v1  }
0x2c: {  	s6 =	sshra.s32 s14, $0x2;
	s14 =	sadd.s32 $0x40, s14;
	v1 =	vadd.s32 v2, v1  }
0x2d: {  	v2 =	vld [tilespmem:s6+$0x2800];
	[tilespmem:s13+$0x0] =	vst v1  }
0x2e: {  	v1 =	vld [tilespmem:s6+$0x0];
	_ =	sdelay $0x3  }
0x2f: {  	v2 =	vmul.u32 $0x2710, v2  }
0x30: {  	v1 =	vadd.s32 v0, v1  }
0x31: {  	v1 =	vadd.s32 v2, v1  }
0x32: {  	[tilespmem:s6+$0x0] =	vst v1  }
0x33: {  	[spmem:s16], [sflag:s15] =	dma.local [hbm:s5], $0x13C0  }
0x34: {  	_ =	swait.ge [sflag:s12], $0x13C0  }
0x35: {  	[sflag:s12] =	ssyncset.done $0x0  }
0x36: {  	[sflag:s12] =	ssyncadd.s32 $0xFFFFEC40  }
0x37: {  	s13 =	simm.s32 $0x0;
	[bflag:$0x0] =	sbarrier.arrive $0xFFFF  }
0x38: {  	[tilespmem:s18], [sflag:$0x1] =	stream.indirect.gather [hbm4b:s4+s17], $0x40, s13, s17, $0xb8;
	[tilespmem:$0x19600] =	vst v63  }
0x39: {  	_ = 	snop  }
0x3a: {  	[tilespmem:s19], [sflag:$0x2] =	stream.indirect.gather [hbm4b:s4+s17], $0x40, s17, s17, $0xb8;
	[tilespmem:$0x19600] =	vst v63  }
0x3b: {  	_ = 	snop  }
0x3c: {  	[tilespmem:s21], [sflag:$0x3] =	stream.indirect.gather [hbm4b:s4+s17], $0x40, s20, s17, $0xb8;
	[tilespmem:$0x19600] =	vst v63  }
0x3d: {  	_ = 	snop  }
0x3e: {  	[tilespmem:s23], [sflag:$0x4] =	stream.indirect.gather [hbm4b:s4+s17], $0x40, s22, s17, $0xb8;
	[tilespmem:$0x19600] =	vst v63  }
0x3f: {  	_ =	swait.ge [sflag:s24], $0x2000  }
0x40: {  	[sflag:s24] =	ssyncset.done $0x0  }
0x41: {  	s14 =	simm.s32 $0x5000;
	[sflag:s24] =	ssyncadd.s32 $0xFFFFE000  }
0x42: {  	[spmem:s2] =	stream.indirect.scatter.add.f32 [tilespmem:s18], [sflag:$0x5], $0x40, s14, s17, $0xb8;
	[tilespmem:$0x19600] =	vst v63  }
0x43: {  	_ =	swait.ge [sflag:s12], $0x2000  }
0x44: {  	[sflag:s12] =	ssyncset.done $0x0  }
0x45: {  	s13 =	simm.s32 $0x200;
	[sflag:s12] =	ssyncadd.s32 $0xFFFFE000  }
0x46: {  	[tilespmem:s18], [sflag:$0x1] =	stream.indirect.gather [hbm4b:s4+s17], $0x40, s13, s17, $0xb8;
	[tilespmem:$0x19600] =	vst v63  }
0x47: {  	_ =	swait.ge [sflag:s25], $0x2000  }
0x48: {  	[sflag:s25] =	ssyncset.done $0x0  }
0x49: {  	s14 =	simm.s32 $0x5080;
	[sflag:s25] =	ssyncadd.s32 $0xFFFFE000  }
0x4a: {  	[spmem:s2] =	stream.indirect.scatter.add.f32 [tilespmem:s19], [sflag:$0x5], $0x40, s14, s17, $0xb8;
	[tilespmem:$0x19600] =	vst v63  }
0x4b: {  	_ =	swait.ge [sflag:s12], $0x2000  }
0x4c: {  	[sflag:s12] =	ssyncset.done $0x0  }
0x4d: {  	s13 =	simm.s32 $0x280;
	[sflag:s12] =	ssyncadd.s32 $0xFFFFE000  }
0x4e: {  	[tilespmem:s19], [sflag:$0x2] =	stream.indirect.gather [hbm4b:s4+s17], $0x40, s13, s17, $0xb8;
	[tilespmem:$0x19600] =	vst v63  }
0x4f: {  	_ =	swait.ge [sflag:s26], $0x2000  }
0x50: {  	[sflag:s26] =	ssyncset.done $0x0  }
0x51: {  	s14 =	simm.s32 $0x5100;
	[sflag:s26] =	ssyncadd.s32 $0xFFFFE000  }
0x52: {  	[spmem:s2] =	stream.indirect.scatter.add.f32 [tilespmem:s21], [sflag:$0x5], $0x40, s14, s17, $0xb8;
	[tilespmem:$0x19600] =	vst v63  }
0x53: {  	_ =	swait.ge [sflag:s12], $0x2000  }
0x54: {  	[sflag:s12] =	ssyncset.done $0x0  }
0x55: {  	s13 =	simm.s32 $0x300;
	[sflag:s12] =	ssyncadd.s32 $0xFFFFE000  }
0x56: {  	[tilespmem:s21], [sflag:$0x3] =	stream.indirect.gather [hbm4b:s4+s17], $0x40, s13, s17, $0xb8;
	[tilespmem:$0x19600] =	vst v63  }
0x57: {  	_ =	swait.ge [sflag:s28], $0x2000  }
0x58: {  	[sflag:s28] =	ssyncset.done $0x0  }
0x59: {  	s14 =	simm.s32 $0x5180;
	[sflag:s28] =	ssyncadd.s32 $0xFFFFE000  }
0x5a: {  	[spmem:s2] =	stream.indirect.scatter.add.f32 [tilespmem:s23], [sflag:$0x5], $0x40, s14, s17, $0xb8;
	[tilespmem:$0x19600] =	vst v63  }
0x5b: {  	_ =	swait.ge [sflag:s12], $0x2000  }
0x5c: {  	[sflag:s12] =	ssyncset.done $0x0  }
0x5d: {  	s6 =	simm.s32 $0x380;
	s13 =	simm.s32 $0x800;
	[sflag:s12] =	ssyncadd.s32 $0xFFFFE000  }
.LBB2_4:
0x5e: {  	[tilespmem:s23], [sflag:$0x4] =	stream.indirect.gather [hbm4b:s4+s17], $0x40, s6, s17, $0xb8;
	[tilespmem:$0x19600] =	vst v63  }
0x5f: {  	s6 =	smov.u32 s13  }
0x60: {  	p0 =	sne.s32 s13, $0x9000;
	s13 =	sadd.s32 $0x800, s13;
	_ =	swait.ge [sflag:s24], $0x2000  }
0x61: {  	s14 =	sshra.s32 s6, $0x2;
	[sflag:s24] =	ssyncset.done $0x0  }
0x62: {  	s6 =	sadd.s32 $0x5000, s14;
	[sflag:s24] =	ssyncadd.s32 $0xFFFFE000  }
0x63: {  	[spmem:s2] =	stream.indirect.scatter.add.f32 [tilespmem:s18], [sflag:$0x5], $0x40, s6, s17, $0xb8;
	[tilespmem:$0x19600] =	vst v63  }
0x64: {  	_ =	swait.ge [sflag:s12], $0x2000  }
0x65: {  	[sflag:s12] =	ssyncset.done $0x0  }
0x66: {  	s6 =	sadd.s32 $0x200, s14;
	[sflag:s12] =	ssyncadd.s32 $0xFFFFE000  }
0x67: {  	[tilespmem:s18], [sflag:$0x1] =	stream.indirect.gather [hbm4b:s4+s17], $0x40, s6, s17, $0xb8;
	[tilespmem:$0x19600] =	vst v63  }
0x68: {  	_ =	swait.ge [sflag:s25], $0x2000  }
0x69: {  	[sflag:s25] =	ssyncset.done $0x0  }
0x6a: {  	s6 =	sadd.s32 $0x5080, s14;
	[sflag:s25] =	ssyncadd.s32 $0xFFFFE000  }
0x6b: {  	[spmem:s2] =	stream.indirect.scatter.add.f32 [tilespmem:s19], [sflag:$0x5], $0x40, s6, s17, $0xb8;
	[tilespmem:$0x19600] =	vst v63  }
0x6c: {  	_ =	swait.ge [sflag:s12], $0x2000  }
0x6d: {  	[sflag:s12] =	ssyncset.done $0x0  }
0x6e: {  	s6 =	sadd.s32 $0x280, s14;
	[sflag:s12] =	ssyncadd.s32 $0xFFFFE000  }
0x6f: {  	[tilespmem:s19], [sflag:$0x2] =	stream.indirect.gather [hbm4b:s4+s17], $0x40, s6, s17, $0xb8;
	[tilespmem:$0x19600] =	vst v63  }
0x70: {  	_ =	swait.ge [sflag:s26], $0x2000  }
0x71: {  	[sflag:s26] =	ssyncset.done $0x0  }
0x72: {  	s6 =	sadd.s32 $0x5100, s14;
	[sflag:s26] =	ssyncadd.s32 $0xFFFFE000  }
0x73: {  	[spmem:s2] =	stream.indirect.scatter.add.f32 [tilespmem:s21], [sflag:$0x5], $0x40, s6, s17, $0xb8;
	[tilespmem:$0x19600] =	vst v63  }
0x74: {  	_ =	swait.ge [sflag:s12], $0x2000  }
0x75: {  	[sflag:s12] =	ssyncset.done $0x0  }
0x76: {  	s6 =	sadd.s32 $0x300, s14;
	[sflag:s12] =	ssyncadd.s32 $0xFFFFE000  }
0x77: {  	[tilespmem:s21], [sflag:$0x3] =	stream.indirect.gather [hbm4b:s4+s17], $0x40, s6, s17, $0xb8;
	[tilespmem:$0x19600] =	vst v63  }
0x78: {  	_ =	swait.ge [sflag:s28], $0x2000  }
0x79: {  	[sflag:s28] =	ssyncset.done $0x0  }
.Ltmp1:
0x7a: {  	s6 =	sadd.s32 $0x5180, s14;
	[sflag:s28] =	ssyncadd.s32 $0xFFFFE000;
	(pc) =	sbr.rel @p0 .LBB2_4-.Ltmp1, $4  }
0x7b: {  	[spmem:s2] =	stream.indirect.scatter.add.f32 [tilespmem:s23], [sflag:$0x5], $0x40, s6, s17, $0xb8;
	[tilespmem:$0x19600] =	vst v63  }
0x7c: {  	_ =	swait.ge [sflag:s12], $0x2000  }
0x7d: {  	[sflag:s12] =	ssyncset.done $0x0  }
0x7e: {  	s6 =	sadd.s32 $0x380, s14;
	[sflag:s12] =	ssyncadd.s32 $0xFFFFE000  }
0x7f: {  	[tilespmem:s23], [sflag:$0x4] =	stream.indirect.gather [hbm4b:s4+s17], $0x40, s6, s17, $0xb8;
	[tilespmem:$0x19600] =	vst v63  }
0x80: {  	_ =	swait.ge [sflag:s24], $0x2000  }
0x81: {  	[sflag:s24] =	ssyncset.done $0x0  }
0x82: {  	[sflag:s24] =	ssyncadd.s32 $0xFFFFE000  }
0x83: {  	[spmem:s2] =	stream.indirect.scatter.add.f32 [tilespmem:s18], [sflag:$0x5], $0x40, s29, s17, $0xb8;
	[tilespmem:$0x19600] =	vst v63  }
0x84: {  	_ =	swait.ge [sflag:s12], $0x2000  }
0x85: {  	[sflag:s12] =	ssyncset.done $0x0  }
0x86: {  	[sflag:s12] =	ssyncadd.s32 $0xFFFFE000  }
0x87: {  	_ =	swait.ge [sflag:s25], $0x2000  }
0x88: {  	[sflag:s25] =	ssyncset.done $0x0  }
0x89: {  	[sflag:s25] =	ssyncadd.s32 $0xFFFFE000  }
0x8a: {  	[spmem:s2] =	stream.indirect.scatter.add.f32 [tilespmem:s19], [sflag:$0x5], $0x40, s30, s17, $0xb8;
	[tilespmem:$0x19600] =	vst v63  }
0x8b: {  	_ =	swait.ge [sflag:s12], $0x2000  }
0x8c: {  	[sflag:s12] =	ssyncset.done $0x0  }
0x8d: {  	[sflag:s12] =	ssyncadd.s32 $0xFFFFE000  }
0x8e: {  	_ =	swait.ge [sflag:s26], $0x2000  }
0x8f: {  	[sflag:s26] =	ssyncset.done $0x0  }
0x90: {  	[sflag:s26] =	ssyncadd.s32 $0xFFFFE000  }
0x91: {  	[spmem:s2] =	stream.indirect.scatter.add.f32 [tilespmem:s21], [sflag:$0x5], $0x40, s31, s17, $0xb8;
	[tilespmem:$0x19600] =	vst v63  }
0x92: {  	_ =	swait.ge [sflag:s12], $0x2000  }
0x93: {  	[sflag:s12] =	ssyncset.done $0x0  }
0x94: {  	[sflag:s12] =	ssyncadd.s32 $0xFFFFE000  }
0x95: {  	_ =	swait.ge [sflag:s28], $0x2000  }
0x96: {  	[sflag:s28] =	ssyncset.done $0x0  }
0x97: {  	[sflag:s28] =	ssyncadd.s32 $0xFFFFE000  }
0x98: {  	[spmem:s2] =	stream.indirect.scatter.add.f32 [tilespmem:s23], [sflag:$0x5], $0x40, s0, s17, $0xb8;
	[tilespmem:$0x19600] =	vst v63  }
0x99: {  	_ =	swait.ge [sflag:s12], $0x2000  }
0x9a: {  	[sflag:s12] =	ssyncset.done $0x0  }
0x9b: {  	[sflag:s12] =	ssyncadd.s32 $0xFFFFE000  }
0x9c: {  	[bflag:$0x0] =	sbarrier.arrive $0xFFFF  }
0x9d: {  	[hbm:s9], [sflag:s15] =	dma.local [spmem:s16], $0x13C0  }
0x9e: {  	_ =	swait.ge [sflag:s12], $0x13C0  }
0x9f: {  	[sflag:s12] =	ssyncset.done $0x0  }
0xa0: {  	s6 =	simm.s32 $0x0;
	s13 =	simm.s32 $0x40;
	[sflag:s12] =	ssyncadd.s32 $0xFFFFEC40  }
.LBB2_6:
0xa1: {  	p0 =	sne.s32 s13, $0x9FC0;
	v1 =	vld [tilespmem:s6+$0x0];
	_ =	sdelay $0x1  }
.Ltmp2:
0xa2: {  	(pc) =	sbr.rel @p0 .LBB2_6-.Ltmp2, $3  }
0xa3: {  	_ =	sdelay $0x1  }
0xa4: {  	v1 =	vadd.s32 $0x13880, v1  }
0xa5: {  	[tilespmem:s6+$0x0] =	vst v1;
	s6 =	sshra.s32 s13, $0x2;
	s13 =	sadd.s32 $0x40, s13  }
0xa6: {  	v1 =	vld [tilespmem:s6+$0x0];
	_ =	sdelay $0x4  }
0xa7: {  	v1 =	vadd.s32 $0x13880, v1  }
0xa8: {  	[tilespmem:s6+$0x0] =	vst v1  }
0xa9: {  	[spmem:s16], [sflag:s15] =	dma.local [hbm:s5], $0x13C0  }
0xaa: {  	_ =	swait.ge [sflag:s12], $0x13C0  }
0xab: {  	[sflag:s12] =	ssyncset.done $0x0  }
0xac: {  	[sflag:s12] =	ssyncadd.s32 $0xFFFFEC40  }
0xad: {  	s13 =	simm.s32 $0x0;
	[bflag:$0x0] =	sbarrier.arrive $0xFFFF  }
0xae: {  	[tilespmem:s18], [sflag:$0x1] =	stream.indirect.gather [hbm4b:s4+s17], $0x40, s13, s17, $0xb8;
	[tilespmem:$0x19600] =	vst v63  }
0xaf: {  	_ = 	snop  }
0xb0: {  	[tilespmem:s19], [sflag:$0x2] =	stream.indirect.gather [hbm4b:s4+s17], $0x40, s17, s17, $0xb8;
	[tilespmem:$0x19600] =	vst v63  }
0xb1: {  	_ = 	snop  }
0xb2: {  	[tilespmem:s21], [sflag:$0x3] =	stream.indirect.gather [hbm4b:s4+s17], $0x40, s20, s17, $0xb8;
	[tilespmem:$0x19600] =	vst v63  }
0xb3: {  	_ = 	snop  }
0xb4: {  	[tilespmem:s23], [sflag:$0x4] =	stream.indirect.gather [hbm4b:s4+s17], $0x40, s22, s17, $0xb8;
	[tilespmem:$0x19600] =	vst v63  }
0xb5: {  	_ =	swait.ge [sflag:s24], $0x2000  }
0xb6: {  	[sflag:s24] =	ssyncset.done $0x0  }
0xb7: {  	s14 =	simm.s32 $0x5000;
	[sflag:s24] =	ssyncadd.s32 $0xFFFFE000  }
0xb8: {  	[spmem:s2] =	stream.indirect.scatter.add.f32 [tilespmem:s18], [sflag:$0x5], $0x40, s14, s17, $0xb8;
	[tilespmem:$0x19600] =	vst v63  }
0xb9: {  	_ =	swait.ge [sflag:s12], $0x2000  }
0xba: {  	[sflag:s12] =	ssyncset.done $0x0  }
0xbb: {  	s13 =	simm.s32 $0x200;
	[sflag:s12] =	ssyncadd.s32 $0xFFFFE000  }
0xbc: {  	[tilespmem:s18], [sflag:$0x1] =	stream.indirect.gather [hbm4b:s4+s17], $0x40, s13, s17, $0xb8;
	[tilespmem:$0x19600] =	vst v63  }
0xbd: {  	_ =	swait.ge [sflag:s25], $0x2000  }
0xbe: {  	[sflag:s25] =	ssyncset.done $0x0  }
0xbf: {  	s14 =	simm.s32 $0x5080;
	[sflag:s25] =	ssyncadd.s32 $0xFFFFE000  }
0xc0: {  	[spmem:s2] =	stream.indirect.scatter.add.f32 [tilespmem:s19], [sflag:$0x5], $0x40, s14, s17, $0xb8;
	[tilespmem:$0x19600] =	vst v63  }
0xc1: {  	_ =	swait.ge [sflag:s12], $0x2000  }
0xc2: {  	[sflag:s12] =	ssyncset.done $0x0  }
0xc3: {  	s13 =	simm.s32 $0x280;
	[sflag:s12] =	ssyncadd.s32 $0xFFFFE000  }
0xc4: {  	[tilespmem:s19], [sflag:$0x2] =	stream.indirect.gather [hbm4b:s4+s17], $0x40, s13, s17, $0xb8;
	[tilespmem:$0x19600] =	vst v63  }
0xc5: {  	_ =	swait.ge [sflag:s26], $0x2000  }
0xc6: {  	[sflag:s26] =	ssyncset.done $0x0  }
0xc7: {  	s14 =	simm.s32 $0x5100;
	[sflag:s26] =	ssyncadd.s32 $0xFFFFE000  }
0xc8: {  	[spmem:s2] =	stream.indirect.scatter.add.f32 [tilespmem:s21], [sflag:$0x5], $0x40, s14, s17, $0xb8;
	[tilespmem:$0x19600] =	vst v63  }
0xc9: {  	_ =	swait.ge [sflag:s12], $0x2000  }
0xca: {  	[sflag:s12] =	ssyncset.done $0x0  }
0xcb: {  	s13 =	simm.s32 $0x300;
	[sflag:s12] =	ssyncadd.s32 $0xFFFFE000  }
0xcc: {  	[tilespmem:s21], [sflag:$0x3] =	stream.indirect.gather [hbm4b:s4+s17], $0x40, s13, s17, $0xb8;
	[tilespmem:$0x19600] =	vst v63  }
0xcd: {  	_ =	swait.ge [sflag:s28], $0x2000  }
0xce: {  	[sflag:s28] =	ssyncset.done $0x0  }
0xcf: {  	s14 =	simm.s32 $0x5180;
	[sflag:s28] =	ssyncadd.s32 $0xFFFFE000  }
0xd0: {  	[spmem:s2] =	stream.indirect.scatter.add.f32 [tilespmem:s23], [sflag:$0x5], $0x40, s14, s17, $0xb8;
	[tilespmem:$0x19600] =	vst v63  }
0xd1: {  	_ =	swait.ge [sflag:s12], $0x2000  }
0xd2: {  	[sflag:s12] =	ssyncset.done $0x0  }
0xd3: {  	s6 =	simm.s32 $0x380;
	s13 =	simm.s32 $0x800;
	[sflag:s12] =	ssyncadd.s32 $0xFFFFE000  }
.LBB2_8:
0xd4: {  	[tilespmem:s23], [sflag:$0x4] =	stream.indirect.gather [hbm4b:s4+s17], $0x40, s6, s17, $0xb8;
	[tilespmem:$0x19600] =	vst v63  }
0xd5: {  	s6 =	smov.u32 s13  }
0xd6: {  	p0 =	sne.s32 s13, $0x9000;
	s13 =	sadd.s32 $0x800, s13;
	_ =	swait.ge [sflag:s24], $0x2000  }
0xd7: {  	s14 =	sshra.s32 s6, $0x2;
	[sflag:s24] =	ssyncset.done $0x0  }
0xd8: {  	s6 =	sadd.s32 $0x5000, s14;
	[sflag:s24] =	ssyncadd.s32 $0xFFFFE000  }
0xd9: {  	[spmem:s2] =	stream.indirect.scatter.add.f32 [tilespmem:s18], [sflag:$0x5], $0x40, s6, s17, $0xb8;
	[tilespmem:$0x19600] =	vst v63  }
0xda: {  	_ =	swait.ge [sflag:s12], $0x2000  }
0xdb: {  	[sflag:s12] =	ssyncset.done $0x0  }
0xdc: {  	s6 =	sadd.s32 $0x200, s14;
	[sflag:s12] =	ssyncadd.s32 $0xFFFFE000  }
0xdd: {  	[tilespmem:s18], [sflag:$0x1] =	stream.indirect.gather [hbm4b:s4+s17], $0x40, s6, s17, $0xb8;
	[tilespmem:$0x19600] =	vst v63  }
0xde: {  	_ =	swait.ge [sflag:s25], $0x2000  }
0xdf: {  	[sflag:s25] =	ssyncset.done $0x0  }
0xe0: {  	s6 =	sadd.s32 $0x5080, s14;
	[sflag:s25] =	ssyncadd.s32 $0xFFFFE000  }
0xe1: {  	[spmem:s2] =	stream.indirect.scatter.add.f32 [tilespmem:s19], [sflag:$0x5], $0x40, s6, s17, $0xb8;
	[tilespmem:$0x19600] =	vst v63  }
0xe2: {  	_ =	swait.ge [sflag:s12], $0x2000  }
0xe3: {  	[sflag:s12] =	ssyncset.done $0x0  }
0xe4: {  	s6 =	sadd.s32 $0x280, s14;
	[sflag:s12] =	ssyncadd.s32 $0xFFFFE000  }
0xe5: {  	[tilespmem:s19], [sflag:$0x2] =	stream.indirect.gather [hbm4b:s4+s17], $0x40, s6, s17, $0xb8;
	[tilespmem:$0x19600] =	vst v63  }
0xe6: {  	_ =	swait.ge [sflag:s26], $0x2000  }
0xe7: {  	[sflag:s26] =	ssyncset.done $0x0  }
0xe8: {  	s6 =	sadd.s32 $0x5100, s14;
	[sflag:s26] =	ssyncadd.s32 $0xFFFFE000  }
0xe9: {  	[spmem:s2] =	stream.indirect.scatter.add.f32 [tilespmem:s21], [sflag:$0x5], $0x40, s6, s17, $0xb8;
	[tilespmem:$0x19600] =	vst v63  }
0xea: {  	_ =	swait.ge [sflag:s12], $0x2000  }
0xeb: {  	[sflag:s12] =	ssyncset.done $0x0  }
0xec: {  	s6 =	sadd.s32 $0x300, s14;
	[sflag:s12] =	ssyncadd.s32 $0xFFFFE000  }
0xed: {  	[tilespmem:s21], [sflag:$0x3] =	stream.indirect.gather [hbm4b:s4+s17], $0x40, s6, s17, $0xb8;
	[tilespmem:$0x19600] =	vst v63  }
0xee: {  	_ =	swait.ge [sflag:s28], $0x2000  }
0xef: {  	[sflag:s28] =	ssyncset.done $0x0  }
.Ltmp3:
0xf0: {  	s6 =	sadd.s32 $0x5180, s14;
	[sflag:s28] =	ssyncadd.s32 $0xFFFFE000;
	(pc) =	sbr.rel @p0 .LBB2_8-.Ltmp3, $4  }
0xf1: {  	[spmem:s2] =	stream.indirect.scatter.add.f32 [tilespmem:s23], [sflag:$0x5], $0x40, s6, s17, $0xb8;
	[tilespmem:$0x19600] =	vst v63  }
0xf2: {  	_ =	swait.ge [sflag:s12], $0x2000  }
0xf3: {  	[sflag:s12] =	ssyncset.done $0x0  }
0xf4: {  	s6 =	sadd.s32 $0x380, s14;
	[sflag:s12] =	ssyncadd.s32 $0xFFFFE000  }
0xf5: {  	[tilespmem:s23], [sflag:$0x4] =	stream.indirect.gather [hbm4b:s4+s17], $0x40, s6, s17, $0xb8;
	[tilespmem:$0x19600] =	vst v63  }
0xf6: {  	_ =	swait.ge [sflag:s24], $0x2000  }
0xf7: {  	[sflag:s24] =	ssyncset.done $0x0  }
0xf8: {  	[sflag:s24] =	ssyncadd.s32 $0xFFFFE000  }
0xf9: {  	[spmem:s2] =	stream.indirect.scatter.add.f32 [tilespmem:s18], [sflag:$0x5], $0x40, s29, s17, $0xb8;
	[tilespmem:$0x19600] =	vst v63  }
0xfa: {  	_ =	swait.ge [sflag:s12], $0x2000  }
0xfb: {  	[sflag:s12] =	ssyncset.done $0x0  }
0xfc: {  	[sflag:s12] =	ssyncadd.s32 $0xFFFFE000  }
0xfd: {  	_ =	swait.ge [sflag:s25], $0x2000  }
0xfe: {  	[sflag:s25] =	ssyncset.done $0x0  }
0xff: {  	[sflag:s25] =	ssyncadd.s32 $0xFFFFE000  }
0x100: {  	[spmem:s2] =	stream.indirect.scatter.add.f32 [tilespmem:s19], [sflag:$0x5], $0x40, s30, s17, $0xb8;
	[tilespmem:$0x19600] =	vst v63  }
0x101: {  	_ =	swait.ge [sflag:s12], $0x2000  }
0x102: {  	[sflag:s12] =	ssyncset.done $0x0  }
0x103: {  	[sflag:s12] =	ssyncadd.s32 $0xFFFFE000  }
0x104: {  	_ =	swait.ge [sflag:s26], $0x2000  }
0x105: {  	[sflag:s26] =	ssyncset.done $0x0  }
0x106: {  	[sflag:s26] =	ssyncadd.s32 $0xFFFFE000  }
0x107: {  	[spmem:s2] =	stream.indirect.scatter.add.f32 [tilespmem:s21], [sflag:$0x5], $0x40, s31, s17, $0xb8;
	[tilespmem:$0x19600] =	vst v63  }
0x108: {  	_ =	swait.ge [sflag:s12], $0x2000  }
0x109: {  	[sflag:s12] =	ssyncset.done $0x0  }
0x10a: {  	[sflag:s12] =	ssyncadd.s32 $0xFFFFE000  }
0x10b: {  	_ =	swait.ge [sflag:s28], $0x2000  }
0x10c: {  	[sflag:s28] =	ssyncset.done $0x0  }
0x10d: {  	[sflag:s28] =	ssyncadd.s32 $0xFFFFE000  }
0x10e: {  	[spmem:s2] =	stream.indirect.scatter.add.f32 [tilespmem:s23], [sflag:$0x5], $0x40, s0, s17, $0xb8;
	[tilespmem:$0x19600] =	vst v63  }
0x10f: {  	_ =	swait.ge [sflag:s12], $0x2000  }
0x110: {  	s1 =	sadd.s32 $0x1, s1;
	[sflag:s12] =	ssyncset.done $0x0  }
0x111: {  	p0 =	sne.s32 s1, s11;
	[sflag:s12] =	ssyncadd.s32 $0xFFFFE000  }
.Ltmp4:
0x112: {  	[bflag:$0x0] =	sbarrier.arrive $0xFFFF;
	(pc) =	sbr.rel @p0 .LBB2_1-.Ltmp4, $4  }
0x113: {  	[hbm:s10], [sflag:s15] =	dma.local [spmem:s16], $0x13C0  }
0x114: {  	_ =	swait.ge [sflag:s12], $0x13C0  }
0x115: {  	[sflag:s12] =	ssyncset.done $0x0  }
0x116: {  	[sflag:s12] =	ssyncadd.s32 $0xFFFFEC40  }
0x117: {  	_ =	sfence.sel $0x180000  }
0x118: {  	[bflag:$0x0] =	sbarrier.arrive $0xFFFF  }
0x119: {  	_ =	strace $0x9000004A  }
0x11a: {  	s0 =	stileid.u32;
	[bflag:$0x2] =	sbarrier.arrive $0xFFFF  }
0x11b: {  	p0 =	sne.s32 s0, $0x0;
	s0 =	rddreg [dreg:$0x3]  }
0x11c: {  	s0 =	sadd.s32 @!p0 $0x100000, s0  }
0x11d: {  	[sflag:s0] =	ssyncadd.tile.s32 @!p0 $0x1;
	_ =	shalt  }
.Lfunc_end2:
_tile_overlayer_lowered:
.L_overlay_start_2:
0x11e: {  	(tag) =	ssettag $0x2  }
0x11f: {  	s0 =	rddreg [dreg:$0x0];
	s2 =	stileid.u32  }
0x120: {  	s1 =	rddreg [dreg:$0x1];
	p0 =	sne.s32 s2, $0x0  }
0x121: {  	s3 =	rddreg [dreg:$0x2];
	[bflag:$0x3] =	sbarrier.arrive $0xFFFF;
	s2 =	simm.s32 @!p0 $0x1C05  }
0x122: {  	[timem:s3], [sflag:s2] =	dma.local @!p0 [hbm:s0], s1  }
0x123: {  	s0 =	simm.s32 @!p0 $0x5  }
0x124: {  	_ =	swait.ge @!p0 [sflag:s0], s1  }
0x125: {  	s1 =	ssub.s32 @!p0 $0x0, s1;
	[sflag:s0] =	ssyncset.done @!p0 $0x0  }
0x126: {  	[sflag:s0] =	ssyncadd.s32 @!p0 s1  }
0x127: {  	[bflag:$0x3] =	sbarrier.arrive $0xFFFF  }
0x128: {  	_ =	shalt  }

// kernel: kernel.13.cloned.1.call-start
scs
__scs_entry_jumppad:
0x0: {  	(pc) =	sbr.rel $0x88, $3  }
0x1: {  	(tag) =	ssettag $0x0;
	lr =	simm.s32 $0x1  }
0x2: {  	[smem:$0x3F94] =	sst lr;
	_ =	strace $0xD0000000  }
0x3: {  	_ = 	snop  }
0x4: {  	_ = 	snop  }
0x5: {  	_ = 	snop  }
0x6: {  	_ = 	snop  }
0x7: {  	_ = 	snop  }
__scs_overlays_trampoline_lowered:
0x8: {  	[smem:$0x3FA3] =	sst s0  }
0x9: {  	[smem:$0x3FA4] =	sst s1  }
0xa: {  	[smem:$0x3FA5] =	sst s2  }
0xb: {  	[smem:$0x3FA6] =	sst s3  }
0xc: {  	[smem:$0x3FA7] =	sst s4  }
0xd: {  	[smem:$0x3FA8] =	sst s5  }
0xe: {  	[smem:$0x3FA9] =	sst s6  }
0xf: {  	[smem:$0x3FAA] =	sst s7  }
0x10: {  	[smem:$0x3FAB] =	sst s8  }
0x11: {  	[smem:$0x3FAC] =	sst s9;
	s0 =	simm.s32 @!p0 $0x0  }
0x12: {  	s1 =	sld [smem:$0x3F92];
	s0 =	simm.s32 @p0 $0x1  }
0x13: {  	[smem:$0x3FAD] =	sst s0;
	s0 =	simm.s32 @!p1 $0x0  }
0x14: {  	s2 =	sld [smem:$0x3F91];
	s0 =	simm.s32 @p1 $0x1  }
0x15: {  	[smem:$0x3FAE] =	sst s0;
	s0 =	simm.s32 @!p2 $0x0  }
0x16: {  	s3 =	sld [smem:$0x3FDB];
	s0 =	simm.s32 @p2 $0x1  }
0x17: {  	s4 =	simm.s32 $0x1BF5;
	[smem:$0x3FB0] =	sst s0  }
0x18: {  	s0 =	sld [smem:$0x3F93];
	_ =	swait.ge [sflag:s4], $0x0  }
0x19: {  	s7 =	sld [smem:$0x3F94]  }
0x1a: {  	s8 =	sadd.s32 $0xFFFFE003, lr  }
0x1b: {  	s9 =	sadd.s32 $0xFFFFFEF7, lr;
	s5 =	simm.s32 $0xFFFFFFFF;
	p2 =	slt.u32 s8, $0xFFFFF086  }
0x1c: {  	p1 =	slt.u32 s9, $0xF7A;
	s5 =	simm.s32 @!p2 $0x0  }
0x1d: {  	s5 =	simm.s32 @p1 $0x1;
	p0 =	seq.s32 s7, s2  }
0x1e: {  	s7 =	smul.u32 @!p0 $0xF7A, s2;
	p2 =	seq.s32 @!p0 s5, $0x0  }
0x1f: {  	s9 =	smul.u32 $0xF7A, s1;
	s8 =	simm.s32 @!p0 $0x1BF5;
	p2 =	por !p2, p0  }
0x20: {  	[sflag:s8] =	ssyncset.s32 @!p0 $0xFFFFF086;
	s6 =	sadd.s32 @!p0 s3, s7;
	s7 =	simm.s32 @!p0 $0x108  }
0x21: {  	s3 =	sadd.s32 s3, s9;
	s6 =	sadd.s32 @!p0 $0x88, s6;
	s7 =	simm.s32 @p2 $0x1082  }
0x22: {  	[simem:s7], [sflag:s8] =	dma.local @!p0 [hbm:s6], $0xF7A  }
0x23: {  	s9 =	sor.u32 $0xD0000000, s2;
	s6 =	simm.s32 $0x108;
	_ =	swait.ge @!p0 [sflag:s8], $0x0  }
0x24: {  	s3 =	sadd.s32 $0x88, s3;
	s6 =	simm.s32 @!p1 $0x1082;
	[sflag:s4] =	ssyncset.s32 $0xFFFFF086  }
0x25: {  	[simem:s6], [sflag:s4] =	dma.local [hbm:s3], $0xF7A  }
0x26: {  	[smem:$0x3F94] =	sst s1;
	(tag) =	ssettag s2;
	_ =	strace s9  }
0x27: {  	s1 =	sld [smem:$0x3FA4]  }
0x28: {  	s2 =	sld [smem:$0x3FA5]  }
0x29: {  	s4 =	sld [smem:$0x3FA7]  }
0x2a: {  	p0 =	seq.s32 s5, $0x0;
	s5 =	sld [smem:$0x3FA8]  }
0x2b: {  	s6 =	sld [smem:$0x3FA9]  }
0x2c: {  	s7 =	sld [smem:$0x3FAA]  }
0x2d: {  	s3 =	simm.s32 $0x108;
	s8 =	sld [smem:$0x3FAB]  }
0x2e: {  	s3 =	simm.s32 @!p0 $0x1082;
	s9 =	sld [smem:$0x3FAC]  }
0x2f: {  	lr =	sadd.s32 s0, s3;
	s0 =	sld [smem:$0x3FA3]  }
0x30: {  	s3 =	sld [smem:$0x3FA6]  }
0x31: {  	[smem:$0x3FAF] =	sst s10  }
0x32: {  	s10 =	sld [smem:$0x3FAD];
	_ =	sdelay $0x3  }
0x33: {  	p0 =	seq.s32 s10, $0x1;
	s10 =	sld [smem:$0x3FAF];
	_ =	sdelay $0x3  }
0x34: {  	[smem:$0x3FAF] =	sst s10  }
0x35: {  	s10 =	sld [smem:$0x3FAE];
	_ =	sdelay $0x3  }
0x36: {  	p1 =	seq.s32 s10, $0x1;
	s10 =	sld [smem:$0x3FAF];
	_ =	sdelay $0x3  }
0x37: {  	[smem:$0x3FAF] =	sst s10  }
0x38: {  	s10 =	sld [smem:$0x3FB0]  }
0x39: {  	_ = 	snop;
	(pc) =	sbr.ind lr, $3  }
0x3a: {  	_ = 	snop  }
0x3b: {  	_ = 	snop  }
0x3c: {  	p2 =	seq.s32 s10, $0x1;
	s10 =	sld [smem:$0x3FAF]  }
0x3d: {  	_ =	shalt  }
0x3e: {  	_ =	shalt  }
0x3f: {  	_ =	shalt  }
0x40: {  	_ =	shalt  }
0x41: {  	_ =	shalt  }
0x42: {  	_ =	shalt  }
0x43: {  	_ =	shalt  }
0x44: {  	_ =	shalt  }
0x45: {  	_ =	shalt  }
0x46: {  	_ =	shalt  }
0x47: {  	_ =	shalt  }
0x48: {  	_ =	shalt  }
0x49: {  	_ =	shalt  }
0x4a: {  	_ =	shalt  }
0x4b: {  	_ =	shalt  }
0x4c: {  	_ =	shalt  }
0x4d: {  	_ =	shalt  }
0x4e: {  	_ =	shalt  }
0x4f: {  	_ =	shalt  }
0x50: {  	_ =	shalt  }
0x51: {  	_ =	shalt  }
0x52: {  	_ =	shalt  }
0x53: {  	_ =	shalt  }
0x54: {  	_ =	shalt  }
0x55: {  	_ =	shalt  }
0x56: {  	_ =	shalt  }
0x57: {  	_ =	shalt  }
0x58: {  	_ =	shalt  }
0x59: {  	_ =	shalt  }
0x5a: {  	_ =	shalt  }
0x5b: {  	_ =	shalt  }
0x5c: {  	_ =	shalt  }
0x5d: {  	_ =	shalt  }
0x5e: {  	_ =	shalt  }
0x5f: {  	_ =	shalt  }
0x60: {  	_ =	shalt  }
0x61: {  	_ =	shalt  }
0x62: {  	_ =	shalt  }
0x63: {  	_ =	shalt  }
0x64: {  	_ =	shalt  }
0x65: {  	_ =	shalt  }
0x66: {  	_ =	shalt  }
0x67: {  	_ =	shalt  }
0x68: {  	_ =	shalt  }
0x69: {  	_ =	shalt  }
0x6a: {  	_ =	shalt  }
0x6b: {  	_ =	shalt  }
0x6c: {  	_ =	shalt  }
0x6d: {  	_ =	shalt  }
0x6e: {  	_ =	shalt  }
0x6f: {  	_ =	shalt  }
0x70: {  	_ =	shalt  }
0x71: {  	_ =	shalt  }
0x72: {  	_ =	shalt  }
0x73: {  	_ =	shalt  }
0x74: {  	_ =	shalt  }
0x75: {  	_ =	shalt  }
0x76: {  	_ =	shalt  }
0x77: {  	_ =	shalt  }
0x78: {  	_ =	shalt  }
0x79: {  	_ =	shalt  }
0x7a: {  	_ =	shalt  }
0x7b: {  	_ =	shalt  }
0x7c: {  	_ =	shalt  }
0x7d: {  	_ =	shalt  }
0x7e: {  	_ =	shalt  }
0x7f: {  	_ =	shalt  }
0x80: {  	_ =	shalt  }
0x81: {  	_ =	shalt  }
0x82: {  	_ =	shalt  }
0x83: {  	_ =	shalt  }
0x84: {  	_ =	shalt  }
0x85: {  	_ =	shalt  }
0x86: {  	_ =	shalt  }
0x87: {  	_ =	shalt  }
.Lfunc_end0:
.L_simem_size_0:
called_computation.1_lowered:
.L_overlay_start_0:
0x88: {  	s2 =	sld [smem:$0x3FD9]  }
0x89: {  	s3 =	sld [smem:$0x3FFE];
	_ =	sdelay $0x1  }
0x8a: {  	s1 =	srdreg.scid  }
0x8b: {  	s0 =	sand.u32 $0x1, s1  }
0x8c: {  	s16 =	sshll.u32 s0, $0xA;
	s2 =	sadd.s32 s3, s2  }
0x8d: {  	s2 =	sadd.s32 s2, s16  }
0x8e: {  	[smem:$0x3FBB] =	sst s2  }
0x8f: {  	_ = 	snop  }
0x90: {  	(tm) =	ssettm $0x1  }
0x91: {  	s17 =	sld [smem:$0x3FFB];
	_ =	sdelay $0x3  }
0x92: {  	_ =	strace s17  }
0x93: {  	s2 =	sld [smem:$0x3FFC];
	_ =	sdelay $0x3  }
0x94: {  	_ =	strace s2  }
0x95: {  	s2 =	sld [smem:$0x3FFD];
	_ =	sdelay $0x3  }
0x96: {  	_ =	strace s2  }
0x97: {  	_ =	strace $0x8FFFFFFF  }
0x98: {  	s18 =	sld [smem:$0x3FDB];
	_ =	sdelay $0x1  }
0x99: {  	s19 =	simm.s32 $_scs_section_size  }
0x9a: {  	s4 =	simm.s32 $_size__tile_overlayer_lowered;
	s5 =	simm.s32 $_tile_overlayer_lowered  }
0x9b: {  	s22 =	simm.s32 $0x1BFF;
	s21 =	sshll.u32 s5, $0x1;
	s2 =	sadd.s32 s19, s18  }
0x9c: {  	s6 =	simm.s32 $0x0;
	s20 =	sshll.u32 s4, $0x1;
	s4 =	sadd.s32 s21, s2  }
0x9d: {  	[timem:s6], [sflag:s22] =	dma.local [hbm:s4], s20  }
0x9e: {  	_ =	swait.ge [sflag:s22], s20  }
0x9f: {  	s3 =	ssub.s32 $0x0, s20;
	[sflag:s22] =	ssyncset.done $0x0  }
0xa0: {  	[sflag:s22] =	ssyncadd.s32 s3;
	_ =	sdelay $0x1  }
0xa1: {  	s23 =	simm.s32 $0x1B8B  }
0xa2: {  	_ =	swait.ge [sflag:s23], $0x1  }
0xa3: {  	[sflag:s23] =	ssyncset.done $0x0  }
0xa4: {  	s25 =	simm.s32 $0x1B8E;
	s24 =	sld [smem:$0x3FFE];
	[sflag:s23] =	ssyncadd.s32 $0xFFFFFFFF  }
0xa5: {  	s26 =	simm.s32 $execute0_lowered;
	[smem:$0x3FD2] =	sst s25  }
0xa6: {  	s4 =	sshll.u32 s26, $0x1;
	_ =	strace $0x80000046;
	[dreg:$0x1] =	wrdreg $0xFFFFFFFF  }
0xa7: {  	s28 =	simm.s32 $_size_execute0_lowered;
	s2 =	sadd.s32 s2, s4;
	[dreg:$0x0] =	wrdreg $0x0  }
0xa8: {  	s4 =	sshll.u32 s28, $0x1;
	[dreg:$0x2] =	wrdreg s2  }
0xa9: {  	[dreg:$0x3] =	wrdreg s4  }
0xaa: {  	[dreg:$0x4] =	wrdreg $0xC0  }
0xab: {  	_ =	task [dreg:s6], $0x5FFFF  }
0xac: {  	[dreg:$0x1] =	wrdreg $0xFFFFFFFF  }
0xad: {  	[dreg:$0x0] =	wrdreg $0x60  }
0xae: {  	[dreg:$0x2] =	wrdreg s24  }
0xaf: {  	[dreg:$0x3] =	wrdreg $0xF8000  }
0xb0: {  	[dreg:$0x4] =	wrdreg $0xA  }
0xb1: {  	_ =	task.clear_ibuf [dreg:s6], $0x5FFFF;
	_ =	strace $0x90000046  }
0xb2: {  	s29 =	simm.s32 $0xA;
	_ =	strace $0x80000048  }
0xb3: {  	_ =	swait.ge [sflag:s29], $0x1  }
0xb4: {  	[sflag:s29] =	ssyncadd.s32 $0xFFFFFFFF  }
0xb5: {  	_ =	strace $0x90000048  }
0xb6: {  	_ =	sfence  }
0xb7: {  	s30 =	sld [smem:$0x0];
	_ =	sdelay $0x2  }
0xb8: {  	s31 =	sshll.u32 s1, $0xD;
	s1 =	sshrl.u32 s1, $0x2  }
0xb9: {  	s3 =	sand.u32 $0x4000, s31;
	s1 =	sadd.s32 s1, s30  }
0xba: {  	s0 =	sor.u32 s3, s0;
	s1 =	sshll.u32 s1, $0x11  }
0xbb: {  	s0 =	sor.u32 s1, s0  }
0xbc: {  	s0 =	sadd.s32 $0x8F2B, s0  }
0xbd: {  	[sflag:s0] =	ssyncadd.remote.s32 $0x1  }
0xbe: {  	_ =	sfence.sel $0xFFFF  }
0xbf: {  	[dreg:$0x0] =	wrdreg $0xFFFFFFFF;
	(pc) =	sbr.abs _section_cstart, $3  }
0xc0: {  	[dreg:$0x1] =	wrdreg $0xFFFFFFFF  }
0xc1: {  	_ =	task.clear_ibuf [dreg:s6], $0x2FFFF;
	_ =	strace $0x9FFFFFFF  }
0xc2: {  	(tm) =	ssettm $0x7FFFFFFF  }
0xc3: {  	_ =	shalt  }
tec
execute0_lowered:
.L_overlay_start_1:
0x0: {  	(tag) =	ssettag $0x1  }
0x1: {  	s0 =	rddreg [dreg:$0x0]  }
0x2: {  	s2 =	rddreg [dreg:$0x1];
	s13 =	stileid.u32  }
0x3: {  	s4 =	srdreg.scid;
	s3 =	simm.s32 $0x0;
	s12 =	simm.s32 $0x5  }
0x4: {  	s17 =	simm.s32 $0x80;
	s18 =	simm.s32 $0x7800;
	s19 =	simm.s32 $0x9800  }
0x5: {  	s20 =	simm.s32 $0x100;
	s21 =	simm.s32 $0xB800;
	s22 =	simm.s32 $0x180  }
0x6: {  	s28 =	simm.s32 $0x4;
	s29 =	simm.s32 $0x7600;
	s30 =	simm.s32 $0x7680  }
0x7: {  	s31 =	simm.s32 $0x7700;
	s1 =	smul.u32 $0x500, s13;
	s6 =	sand.u32 $0x1, s4  }
0x8: {  	s7 =	smul.u32 $0x278, s13;
	[smem:$0x7FF] =	sst s3;
	s4 =	sadd.s32 $0x273A00, s0  }
0x9: {  	s5 =	sadd.s32 $0x11A00, s0;
	s10 =	smul.u32 $0x27800, s13;
	s26 =	sshll.u32 s13, $0x6  }
0xa: {  	s8 =	smul.u32 $0x2780, s6;
	_ =	strace $0x80000047;
	s23 =	ssub.s32 $0x2, s6  }
0xb: {  	s6 =	smul.u32 $0x9C40, s6;
	s15 =	sor.u32 $0x1C05, s26;
	s26 =	simm.s32 $0x3  }
0xc: {  	s1 =	sadd.s32 s1, s0;
	s9 =	sshrl.u32 s23, $0x1;
	s25 =	sshrl.u32 s10, $0x2  }
0xd: {  	s7 =	sadd.s32 s7, s8;
	s11 =	ssub.s32 s23, s9;
	s24 =	sadd.s32 $0x2A00, s1  }
0xe: {  	s8 =	sadd.s32 $0xCA00, s1;
	s23 =	simm.s32 $0xD800;
	s7 =	sshll.u32 s7, $0x3  }
0xf: {  	[dreg:$0x3] =	wrdreg s24;
	s11 =	smax.u32 s11, $0x1;
	s24 =	simm.s32 $0x1  }
0x10: {  	s0 =	sadd.s32 s7, s0;
	s7 =	sadd.s32 $0x7A00, s1;
	s1 =	sadd.s32 s25, s2  }
0x11: {  	s25 =	simm.s32 $0x2;
	s9 =	sadd.s32 $0x12E00, s0;
	s10 =	sadd.s32 $0x3A600, s0  }
0x12: {  	v0 =	vmov s6;
	s16 =	sshrl.u32 s1, $0x3;
	s0 =	simm.s32 $0x7780;
	s1 =	simm.s32 $0x0  }
.LBB2_1:
0x13: {  	s6 =	rddreg [dreg:$0x3]  }
0x14: {  	[tilespmem:s3], [sflag:$0x5] =	stream.linear.gather [hbm4b:s6+s3], $0x2800, $0x38;
	[tilespmem:$0x19600] =	vst v63  }
0x15: {  	_ =	swait.ge [sflag:s12], $0x2800  }
0x16: {  	[sflag:s12] =	ssyncset.done $0x0  }
0x17: {  	s13 =	simm.s32 $0x2800;
	[sflag:s12] =	ssyncadd.s32 $0xFFFFD800  }
0x18: {  	[tilespmem:s13], [sflag:$0x5] =	stream.linear.gather [hbm4b:s7+s3], $0x2800, $0x38;
	[tilespmem:$0x19600] =	vst v63  }
0x19: {  	_ =	swait.ge [sflag:s12], $0x2800  }
0x1a: {  	[sflag:s12] =	ssyncset.done $0x0  }
0x1b: {  	s14 =	simm.s32 $0x5000;
	[sflag:s12] =	ssyncadd.s32 $0xFFFFD800  }
0x1c: {  	[tilespmem:s14], [sflag:$0x5] =	stream.linear.gather [hbm4b:s8+s3], $0x2800, $0x38;
	[tilespmem:$0x19600] =	vst v63  }
0x1d: {  	_ =	swait.ge [sflag:s12], $0x2800  }
0x1e: {  	[sflag:s12] =	ssyncset.done $0x0  }
0x1f: {  	s13 =	simm.s32 $0x0;
	[sflag:s12] =	ssyncadd.s32 $0xFFFFD800  }
0x20: {  	v1 =	vld [tilespmem:s13+$0x2800]  }
0x21: {  	v2 =	vld [tilespmem:s13+$0x0];
	_ =	sdelay $0x3  }
0x22: {  	v1 =	vmul.u32 $0x2710, v1  }
0x23: {  	v2 =	vadd.s32 v0, v2  }
0x24: {  	s6 =	simm.s32 $0x10;
	s14 =	simm.s32 $0x80;
	v1 =	vadd.s32 v1, v2  }
.LBB2_2:
0x25: {  	p0 =	sne.s32 s14, $0x9FC0;
	v2 =	vld [tilespmem:s6+$0x2800];
	[tilespmem:s13+$0x0] =	vst v1;
	s13 =	smov.u32 s6  }
0x26: {  	v1 =	vld [tilespmem:s13+$0x0];
	_ =	sdelay $0x1  }
.Ltmp0:
0x27: {  	(pc) =	sbr.rel @p0 .LBB2_2-.Ltmp0, $4  }
0x28: {  	_ = 	snop  }
0x29: {  	v2 =	vmul.u32 $0x2710, v2  }
0x2a: {  	v1 =	vadd.s32 v0, v1  }
0x2b: {  	s6 =	sshra.s32 s14, $0x2;
	s14 =	sadd.s32 $0x40, s14;
	v1 =	vadd.s32 v2, v1  }
0x2c: {  	v2 =	vld [tilespmem:s6+$0x2800];
	[tilespmem:s13+$0x0] =	vst v1  }
0x2d: {  	v1 =	vld [tilespmem:s6+$0x0];
	_ =	sdelay $0x3  }
0x2e: {  	v2 =	vmul.u32 $0x2710, v2  }
0x2f: {  	v1 =	vadd.s32 v0, v1  }
0x30: {  	v1 =	vadd.s32 v2, v1  }
0x31: {  	[tilespmem:s6+$0x0] =	vst v1  }
0x32: {  	[spmem:s16], [sflag:s15] =	dma.local [hbm:s5], $0x13C0  }
0x33: {  	_ =	swait.ge [sflag:s12], $0x13C0  }
0x34: {  	[sflag:s12] =	ssyncset.done $0x0  }
0x35: {  	[sflag:s12] =	ssyncadd.s32 $0xFFFFEC40  }
0x36: {  	s13 =	simm.s32 $0x0;
	[bflag:$0x0] =	sbarrier.arrive $0xFFFF  }
0x37: {  	[tilespmem:s18], [sflag:$0x1] =	stream.indirect.gather [hbm4b:s4+s17], $0x40, s13, s17, $0xb8;
	[tilespmem:$0x19600] =	vst v63  }
0x38: {  	_ = 	snop  }
0x39: {  	[tilespmem:s19], [sflag:$0x2] =	stream.indirect.gather [hbm4b:s4+s17], $0x40, s17, s17, $0xb8;
	[tilespmem:$0x19600] =	vst v63  }
0x3a: {  	_ = 	snop  }
0x3b: {  	[tilespmem:s21], [sflag:$0x3] =	stream.indirect.gather [hbm4b:s4+s17], $0x40, s20, s17, $0xb8;
	[tilespmem:$0x19600] =	vst v63  }
0x3c: {  	_ = 	snop  }
0x3d: {  	[tilespmem:s23], [sflag:$0x4] =	stream.indirect.gather [hbm4b:s4+s17], $0x40, s22, s17, $0xb8;
	[tilespmem:$0x19600] =	vst v63  }
0x3e: {  	_ =	swait.ge [sflag:s24], $0x2000  }
0x3f: {  	[sflag:s24] =	ssyncset.done $0x0  }
0x40: {  	s14 =	simm.s32 $0x5000;
	[sflag:s24] =	ssyncadd.s32 $0xFFFFE000  }
0x41: {  	[spmem:s2] =	stream.indirect.scatter.add.f32 [tilespmem:s18], [sflag:$0x5], $0x40, s14, s17, $0xb8;
	[tilespmem:$0x19600] =	vst v63  }
0x42: {  	_ =	swait.ge [sflag:s12], $0x2000  }
0x43: {  	[sflag:s12] =	ssyncset.done $0x0  }
0x44: {  	s13 =	simm.s32 $0x200;
	[sflag:s12] =	ssyncadd.s32 $0xFFFFE000  }
0x45: {  	[tilespmem:s18], [sflag:$0x1] =	stream.indirect.gather [hbm4b:s4+s17], $0x40, s13, s17, $0xb8;
	[tilespmem:$0x19600] =	vst v63  }
0x46: {  	_ =	swait.ge [sflag:s25], $0x2000  }
0x47: {  	[sflag:s25] =	ssyncset.done $0x0  }
0x48: {  	s14 =	simm.s32 $0x5080;
	[sflag:s25] =	ssyncadd.s32 $0xFFFFE000  }
0x49: {  	[spmem:s2] =	stream.indirect.scatter.add.f32 [tilespmem:s19], [sflag:$0x5], $0x40, s14, s17, $0xb8;
	[tilespmem:$0x19600] =	vst v63  }
0x4a: {  	_ =	swait.ge [sflag:s12], $0x2000  }
0x4b: {  	[sflag:s12] =	ssyncset.done $0x0  }
0x4c: {  	s13 =	simm.s32 $0x280;
	[sflag:s12] =	ssyncadd.s32 $0xFFFFE000  }
0x4d: {  	[tilespmem:s19], [sflag:$0x2] =	stream.indirect.gather [hbm4b:s4+s17], $0x40, s13, s17, $0xb8;
	[tilespmem:$0x19600] =	vst v63  }
0x4e: {  	_ =	swait.ge [sflag:s26], $0x2000  }
0x4f: {  	[sflag:s26] =	ssyncset.done $0x0  }
0x50: {  	s14 =	simm.s32 $0x5100;
	[sflag:s26] =	ssyncadd.s32 $0xFFFFE000  }
0x51: {  	[spmem:s2] =	stream.indirect.scatter.add.f32 [tilespmem:s21], [sflag:$0x5], $0x40, s14, s17, $0xb8;
	[tilespmem:$0x19600] =	vst v63  }
0x52: {  	_ =	swait.ge [sflag:s12], $0x2000  }
0x53: {  	[sflag:s12] =	ssyncset.done $0x0  }
0x54: {  	s13 =	simm.s32 $0x300;
	[sflag:s12] =	ssyncadd.s32 $0xFFFFE000  }
0x55: {  	[tilespmem:s21], [sflag:$0x3] =	stream.indirect.gather [hbm4b:s4+s17], $0x40, s13, s17, $0xb8;
	[tilespmem:$0x19600] =	vst v63  }
0x56: {  	_ =	swait.ge [sflag:s28], $0x2000  }
0x57: {  	[sflag:s28] =	ssyncset.done $0x0  }
0x58: {  	s14 =	simm.s32 $0x5180;
	[sflag:s28] =	ssyncadd.s32 $0xFFFFE000  }
0x59: {  	[spmem:s2] =	stream.indirect.scatter.add.f32 [tilespmem:s23], [sflag:$0x5], $0x40, s14, s17, $0xb8;
	[tilespmem:$0x19600] =	vst v63  }
0x5a: {  	_ =	swait.ge [sflag:s12], $0x2000  }
0x5b: {  	[sflag:s12] =	ssyncset.done $0x0  }
0x5c: {  	s6 =	simm.s32 $0x380;
	s13 =	simm.s32 $0x800;
	[sflag:s12] =	ssyncadd.s32 $0xFFFFE000  }
.LBB2_4:
0x5d: {  	[tilespmem:s23], [sflag:$0x4] =	stream.indirect.gather [hbm4b:s4+s17], $0x40, s6, s17, $0xb8;
	[tilespmem:$0x19600] =	vst v63  }
0x5e: {  	s6 =	smov.u32 s13  }
0x5f: {  	p0 =	sne.s32 s13, $0x9000;
	s13 =	sadd.s32 $0x800, s13;
	_ =	swait.ge [sflag:s24], $0x2000  }
0x60: {  	s14 =	sshra.s32 s6, $0x2;
	[sflag:s24] =	ssyncset.done $0x0  }
0x61: {  	s6 =	sadd.s32 $0x5000, s14;
	[sflag:s24] =	ssyncadd.s32 $0xFFFFE000  }
0x62: {  	[spmem:s2] =	stream.indirect.scatter.add.f32 [tilespmem:s18], [sflag:$0x5], $0x40, s6, s17, $0xb8;
	[tilespmem:$0x19600] =	vst v63  }
0x63: {  	_ =	swait.ge [sflag:s12], $0x2000  }
0x64: {  	[sflag:s12] =	ssyncset.done $0x0  }
0x65: {  	s6 =	sadd.s32 $0x200, s14;
	[sflag:s12] =	ssyncadd.s32 $0xFFFFE000  }
0x66: {  	[tilespmem:s18], [sflag:$0x1] =	stream.indirect.gather [hbm4b:s4+s17], $0x40, s6, s17, $0xb8;
	[tilespmem:$0x19600] =	vst v63  }
0x67: {  	_ =	swait.ge [sflag:s25], $0x2000  }
0x68: {  	[sflag:s25] =	ssyncset.done $0x0  }
0x69: {  	s6 =	sadd.s32 $0x5080, s14;
	[sflag:s25] =	ssyncadd.s32 $0xFFFFE000  }
0x6a: {  	[spmem:s2] =	stream.indirect.scatter.add.f32 [tilespmem:s19], [sflag:$0x5], $0x40, s6, s17, $0xb8;
	[tilespmem:$0x19600] =	vst v63  }
0x6b: {  	_ =	swait.ge [sflag:s12], $0x2000  }
0x6c: {  	[sflag:s12] =	ssyncset.done $0x0  }
0x6d: {  	s6 =	sadd.s32 $0x280, s14;
	[sflag:s12] =	ssyncadd.s32 $0xFFFFE000  }
0x6e: {  	[tilespmem:s19], [sflag:$0x2] =	stream.indirect.gather [hbm4b:s4+s17], $0x40, s6, s17, $0xb8;
	[tilespmem:$0x19600] =	vst v63  }
0x6f: {  	_ =	swait.ge [sflag:s26], $0x2000  }
0x70: {  	[sflag:s26] =	ssyncset.done $0x0  }
0x71: {  	s6 =	sadd.s32 $0x5100, s14;
	[sflag:s26] =	ssyncadd.s32 $0xFFFFE000  }
0x72: {  	[spmem:s2] =	stream.indirect.scatter.add.f32 [tilespmem:s21], [sflag:$0x5], $0x40, s6, s17, $0xb8;
	[tilespmem:$0x19600] =	vst v63  }
0x73: {  	_ =	swait.ge [sflag:s12], $0x2000  }
0x74: {  	[sflag:s12] =	ssyncset.done $0x0  }
0x75: {  	s6 =	sadd.s32 $0x300, s14;
	[sflag:s12] =	ssyncadd.s32 $0xFFFFE000  }
0x76: {  	[tilespmem:s21], [sflag:$0x3] =	stream.indirect.gather [hbm4b:s4+s17], $0x40, s6, s17, $0xb8;
	[tilespmem:$0x19600] =	vst v63  }
0x77: {  	_ =	swait.ge [sflag:s28], $0x2000  }
0x78: {  	[sflag:s28] =	ssyncset.done $0x0  }
.Ltmp1:
0x79: {  	s6 =	sadd.s32 $0x5180, s14;
	[sflag:s28] =	ssyncadd.s32 $0xFFFFE000;
	(pc) =	sbr.rel @p0 .LBB2_4-.Ltmp1, $4  }
0x7a: {  	[spmem:s2] =	stream.indirect.scatter.add.f32 [tilespmem:s23], [sflag:$0x5], $0x40, s6, s17, $0xb8;
	[tilespmem:$0x19600] =	vst v63  }
0x7b: {  	_ =	swait.ge [sflag:s12], $0x2000  }
0x7c: {  	[sflag:s12] =	ssyncset.done $0x0  }
0x7d: {  	s6 =	sadd.s32 $0x380, s14;
	[sflag:s12] =	ssyncadd.s32 $0xFFFFE000  }
0x7e: {  	[tilespmem:s23], [sflag:$0x4] =	stream.indirect.gather [hbm4b:s4+s17], $0x40, s6, s17, $0xb8;
	[tilespmem:$0x19600] =	vst v63  }
0x7f: {  	_ =	swait.ge [sflag:s24], $0x2000  }
0x80: {  	[sflag:s24] =	ssyncset.done $0x0  }
0x81: {  	[sflag:s24] =	ssyncadd.s32 $0xFFFFE000  }
0x82: {  	[spmem:s2] =	stream.indirect.scatter.add.f32 [tilespmem:s18], [sflag:$0x5], $0x40, s29, s17, $0xb8;
	[tilespmem:$0x19600] =	vst v63  }
0x83: {  	_ =	swait.ge [sflag:s12], $0x2000  }
0x84: {  	[sflag:s12] =	ssyncset.done $0x0  }
0x85: {  	[sflag:s12] =	ssyncadd.s32 $0xFFFFE000  }
0x86: {  	_ =	swait.ge [sflag:s25], $0x2000  }
0x87: {  	[sflag:s25] =	ssyncset.done $0x0  }
0x88: {  	[sflag:s25] =	ssyncadd.s32 $0xFFFFE000  }
0x89: {  	[spmem:s2] =	stream.indirect.scatter.add.f32 [tilespmem:s19], [sflag:$0x5], $0x40, s30, s17, $0xb8;
	[tilespmem:$0x19600] =	vst v63  }
0x8a: {  	_ =	swait.ge [sflag:s12], $0x2000  }
0x8b: {  	[sflag:s12] =	ssyncset.done $0x0  }
0x8c: {  	[sflag:s12] =	ssyncadd.s32 $0xFFFFE000  }
0x8d: {  	_ =	swait.ge [sflag:s26], $0x2000  }
0x8e: {  	[sflag:s26] =	ssyncset.done $0x0  }
0x8f: {  	[sflag:s26] =	ssyncadd.s32 $0xFFFFE000  }
0x90: {  	[spmem:s2] =	stream.indirect.scatter.add.f32 [tilespmem:s21], [sflag:$0x5], $0x40, s31, s17, $0xb8;
	[tilespmem:$0x19600] =	vst v63  }
0x91: {  	_ =	swait.ge [sflag:s12], $0x2000  }
0x92: {  	[sflag:s12] =	ssyncset.done $0x0  }
0x93: {  	[sflag:s12] =	ssyncadd.s32 $0xFFFFE000  }
0x94: {  	_ =	swait.ge [sflag:s28], $0x2000  }
0x95: {  	[sflag:s28] =	ssyncset.done $0x0  }
0x96: {  	[sflag:s28] =	ssyncadd.s32 $0xFFFFE000  }
0x97: {  	[spmem:s2] =	stream.indirect.scatter.add.f32 [tilespmem:s23], [sflag:$0x5], $0x40, s0, s17, $0xb8;
	[tilespmem:$0x19600] =	vst v63  }
0x98: {  	_ =	swait.ge [sflag:s12], $0x2000  }
0x99: {  	[sflag:s12] =	ssyncset.done $0x0  }
0x9a: {  	[sflag:s12] =	ssyncadd.s32 $0xFFFFE000  }
0x9b: {  	[bflag:$0x0] =	sbarrier.arrive $0xFFFF  }
0x9c: {  	[hbm:s9], [sflag:s15] =	dma.local [spmem:s16], $0x13C0  }
0x9d: {  	_ =	swait.ge [sflag:s12], $0x13C0  }
0x9e: {  	[sflag:s12] =	ssyncset.done $0x0  }
0x9f: {  	s6 =	simm.s32 $0x0;
	s13 =	simm.s32 $0x40;
	[sflag:s12] =	ssyncadd.s32 $0xFFFFEC40  }
.LBB2_6:
0xa0: {  	p0 =	sne.s32 s13, $0x9FC0;
	v1 =	vld [tilespmem:s6+$0x0];
	_ =	sdelay $0x1  }
.Ltmp2:
0xa1: {  	(pc) =	sbr.rel @p0 .LBB2_6-.Ltmp2, $3  }
0xa2: {  	_ =	sdelay $0x1  }
0xa3: {  	v1 =	vadd.s32 $0x13880, v1  }
0xa4: {  	[tilespmem:s6+$0x0] =	vst v1;
	s6 =	sshra.s32 s13, $0x2;
	s13 =	sadd.s32 $0x40, s13  }
0xa5: {  	v1 =	vld [tilespmem:s6+$0x0];
	_ =	sdelay $0x4  }
0xa6: {  	v1 =	vadd.s32 $0x13880, v1  }
0xa7: {  	[tilespmem:s6+$0x0] =	vst v1  }
0xa8: {  	[spmem:s16], [sflag:s15] =	dma.local [hbm:s5], $0x13C0  }
0xa9: {  	_ =	swait.ge [sflag:s12], $0x13C0  }
0xaa: {  	[sflag:s12] =	ssyncset.done $0x0  }
0xab: {  	[sflag:s12] =	ssyncadd.s32 $0xFFFFEC40  }
0xac: {  	s13 =	simm.s32 $0x0;
	[bflag:$0x0] =	sbarrier.arrive $0xFFFF  }
0xad: {  	[tilespmem:s18], [sflag:$0x1] =	stream.indirect.gather [hbm4b:s4+s17], $0x40, s13, s17, $0xb8;
	[tilespmem:$0x19600] =	vst v63  }
0xae: {  	_ = 	snop  }
0xaf: {  	[tilespmem:s19], [sflag:$0x2] =	stream.indirect.gather [hbm4b:s4+s17], $0x40, s17, s17, $0xb8;
	[tilespmem:$0x19600] =	vst v63  }
0xb0: {  	_ = 	snop  }
0xb1: {  	[tilespmem:s21], [sflag:$0x3] =	stream.indirect.gather [hbm4b:s4+s17], $0x40, s20, s17, $0xb8;
	[tilespmem:$0x19600] =	vst v63  }
0xb2: {  	_ = 	snop  }
0xb3: {  	[tilespmem:s23], [sflag:$0x4] =	stream.indirect.gather [hbm4b:s4+s17], $0x40, s22, s17, $0xb8;
	[tilespmem:$0x19600] =	vst v63  }
0xb4: {  	_ =	swait.ge [sflag:s24], $0x2000  }
0xb5: {  	[sflag:s24] =	ssyncset.done $0x0  }
0xb6: {  	s14 =	simm.s32 $0x5000;
	[sflag:s24] =	ssyncadd.s32 $0xFFFFE000  }
0xb7: {  	[spmem:s2] =	stream.indirect.scatter.add.f32 [tilespmem:s18], [sflag:$0x5], $0x40, s14, s17, $0xb8;
	[tilespmem:$0x19600] =	vst v63  }
0xb8: {  	_ =	swait.ge [sflag:s12], $0x2000  }
0xb9: {  	[sflag:s12] =	ssyncset.done $0x0  }
0xba: {  	s13 =	simm.s32 $0x200;
	[sflag:s12] =	ssyncadd.s32 $0xFFFFE000  }
0xbb: {  	[tilespmem:s18], [sflag:$0x1] =	stream.indirect.gather [hbm4b:s4+s17], $0x40, s13, s17, $0xb8;
	[tilespmem:$0x19600] =	vst v63  }
0xbc: {  	_ =	swait.ge [sflag:s25], $0x2000  }
0xbd: {  	[sflag:s25] =	ssyncset.done $0x0  }
0xbe: {  	s14 =	simm.s32 $0x5080;
	[sflag:s25] =	ssyncadd.s32 $0xFFFFE000  }
0xbf: {  	[spmem:s2] =	stream.indirect.scatter.add.f32 [tilespmem:s19], [sflag:$0x5], $0x40, s14, s17, $0xb8;
	[tilespmem:$0x19600] =	vst v63  }
0xc0: {  	_ =	swait.ge [sflag:s12], $0x2000  }
0xc1: {  	[sflag:s12] =	ssyncset.done $0x0  }
0xc2: {  	s13 =	simm.s32 $0x280;
	[sflag:s12] =	ssyncadd.s32 $0xFFFFE000  }
0xc3: {  	[tilespmem:s19], [sflag:$0x2] =	stream.indirect.gather [hbm4b:s4+s17], $0x40, s13, s17, $0xb8;
	[tilespmem:$0x19600] =	vst v63  }
0xc4: {  	_ =	swait.ge [sflag:s26], $0x2000  }
0xc5: {  	[sflag:s26] =	ssyncset.done $0x0  }
0xc6: {  	s14 =	simm.s32 $0x5100;
	[sflag:s26] =	ssyncadd.s32 $0xFFFFE000  }
0xc7: {  	[spmem:s2] =	stream.indirect.scatter.add.f32 [tilespmem:s21], [sflag:$0x5], $0x40, s14, s17, $0xb8;
	[tilespmem:$0x19600] =	vst v63  }
0xc8: {  	_ =	swait.ge [sflag:s12], $0x2000  }
0xc9: {  	[sflag:s12] =	ssyncset.done $0x0  }
0xca: {  	s13 =	simm.s32 $0x300;
	[sflag:s12] =	ssyncadd.s32 $0xFFFFE000  }
0xcb: {  	[tilespmem:s21], [sflag:$0x3] =	stream.indirect.gather [hbm4b:s4+s17], $0x40, s13, s17, $0xb8;
	[tilespmem:$0x19600] =	vst v63  }
0xcc: {  	_ =	swait.ge [sflag:s28], $0x2000  }
0xcd: {  	[sflag:s28] =	ssyncset.done $0x0  }
0xce: {  	s14 =	simm.s32 $0x5180;
	[sflag:s28] =	ssyncadd.s32 $0xFFFFE000  }
0xcf: {  	[spmem:s2] =	stream.indirect.scatter.add.f32 [tilespmem:s23], [sflag:$0x5], $0x40, s14, s17, $0xb8;
	[tilespmem:$0x19600] =	vst v63  }
0xd0: {  	_ =	swait.ge [sflag:s12], $0x2000  }
0xd1: {  	[sflag:s12] =	ssyncset.done $0x0  }
0xd2: {  	s6 =	simm.s32 $0x380;
	s13 =	simm.s32 $0x800;
	[sflag:s12] =	ssyncadd.s32 $0xFFFFE000  }
.LBB2_8:
0xd3: {  	[tilespmem:s23], [sflag:$0x4] =	stream.indirect.gather [hbm4b:s4+s17], $0x40, s6, s17, $0xb8;
	[tilespmem:$0x19600] =	vst v63  }
0xd4: {  	s6 =	smov.u32 s13  }
0xd5: {  	p0 =	sne.s32 s13, $0x9000;
	s13 =	sadd.s32 $0x800, s13;
	_ =	swait.ge [sflag:s24], $0x2000  }
0xd6: {  	s14 =	sshra.s32 s6, $0x2;
	[sflag:s24] =	ssyncset.done $0x0  }
0xd7: {  	s6 =	sadd.s32 $0x5000, s14;
	[sflag:s24] =	ssyncadd.s32 $0xFFFFE000  }
0xd8: {  	[spmem:s2] =	stream.indirect.scatter.add.f32 [tilespmem:s18], [sflag:$0x5], $0x40, s6, s17, $0xb8;
	[tilespmem:$0x19600] =	vst v63  }
0xd9: {  	_ =	swait.ge [sflag:s12], $0x2000  }
0xda: {  	[sflag:s12] =	ssyncset.done $0x0  }
0xdb: {  	s6 =	sadd.s32 $0x200, s14;
	[sflag:s12] =	ssyncadd.s32 $0xFFFFE000  }
0xdc: {  	[tilespmem:s18], [sflag:$0x1] =	stream.indirect.gather [hbm4b:s4+s17], $0x40, s6, s17, $0xb8;
	[tilespmem:$0x19600] =	vst v63  }
0xdd: {  	_ =	swait.ge [sflag:s25], $0x2000  }
0xde: {  	[sflag:s25] =	ssyncset.done $0x0  }
0xdf: {  	s6 =	sadd.s32 $0x5080, s14;
	[sflag:s25] =	ssyncadd.s32 $0xFFFFE000  }
0xe0: {  	[spmem:s2] =	stream.indirect.scatter.add.f32 [tilespmem:s19], [sflag:$0x5], $0x40, s6, s17, $0xb8;
	[tilespmem:$0x19600] =	vst v63  }
0xe1: {  	_ =	swait.ge [sflag:s12], $0x2000  }
0xe2: {  	[sflag:s12] =	ssyncset.done $0x0  }
0xe3: {  	s6 =	sadd.s32 $0x280, s14;
	[sflag:s12] =	ssyncadd.s32 $0xFFFFE000  }
0xe4: {  	[tilespmem:s19], [sflag:$0x2] =	stream.indirect.gather [hbm4b:s4+s17], $0x40, s6, s17, $0xb8;
	[tilespmem:$0x19600] =	vst v63  }
0xe5: {  	_ =	swait.ge [sflag:s26], $0x2000  }
0xe6: {  	[sflag:s26] =	ssyncset.done $0x0  }
0xe7: {  	s6 =	sadd.s32 $0x5100, s14;
	[sflag:s26] =	ssyncadd.s32 $0xFFFFE000  }
0xe8: {  	[spmem:s2] =	stream.indirect.scatter.add.f32 [tilespmem:s21], [sflag:$0x5], $0x40, s6, s17, $0xb8;
	[tilespmem:$0x19600] =	vst v63  }
0xe9: {  	_ =	swait.ge [sflag:s12], $0x2000  }
0xea: {  	[sflag:s12] =	ssyncset.done $0x0  }
0xeb: {  	s6 =	sadd.s32 $0x300, s14;
	[sflag:s12] =	ssyncadd.s32 $0xFFFFE000  }
0xec: {  	[tilespmem:s21], [sflag:$0x3] =	stream.indirect.gather [hbm4b:s4+s17], $0x40, s6, s17, $0xb8;
	[tilespmem:$0x19600] =	vst v63  }
0xed: {  	_ =	swait.ge [sflag:s28], $0x2000  }
0xee: {  	[sflag:s28] =	ssyncset.done $0x0  }
.Ltmp3:
0xef: {  	s6 =	sadd.s32 $0x5180, s14;
	[sflag:s28] =	ssyncadd.s32 $0xFFFFE000;
	(pc) =	sbr.rel @p0 .LBB2_8-.Ltmp3, $4  }
0xf0: {  	[spmem:s2] =	stream.indirect.scatter.add.f32 [tilespmem:s23], [sflag:$0x5], $0x40, s6, s17, $0xb8;
	[tilespmem:$0x19600] =	vst v63  }
0xf1: {  	_ =	swait.ge [sflag:s12], $0x2000  }
0xf2: {  	[sflag:s12] =	ssyncset.done $0x0  }
0xf3: {  	s6 =	sadd.s32 $0x380, s14;
	[sflag:s12] =	ssyncadd.s32 $0xFFFFE000  }
0xf4: {  	[tilespmem:s23], [sflag:$0x4] =	stream.indirect.gather [hbm4b:s4+s17], $0x40, s6, s17, $0xb8;
	[tilespmem:$0x19600] =	vst v63  }
0xf5: {  	_ =	swait.ge [sflag:s24], $0x2000  }
0xf6: {  	[sflag:s24] =	ssyncset.done $0x0  }
0xf7: {  	[sflag:s24] =	ssyncadd.s32 $0xFFFFE000  }
0xf8: {  	[spmem:s2] =	stream.indirect.scatter.add.f32 [tilespmem:s18], [sflag:$0x5], $0x40, s29, s17, $0xb8;
	[tilespmem:$0x19600] =	vst v63  }
0xf9: {  	_ =	swait.ge [sflag:s12], $0x2000  }
0xfa: {  	[sflag:s12] =	ssyncset.done $0x0  }
0xfb: {  	[sflag:s12] =	ssyncadd.s32 $0xFFFFE000  }
0xfc: {  	_ =	swait.ge [sflag:s25], $0x2000  }
0xfd: {  	[sflag:s25] =	ssyncset.done $0x0  }
0xfe: {  	[sflag:s25] =	ssyncadd.s32 $0xFFFFE000  }
0xff: {  	[spmem:s2] =	stream.indirect.scatter.add.f32 [tilespmem:s19], [sflag:$0x5], $0x40, s30, s17, $0xb8;
	[tilespmem:$0x19600] =	vst v63  }
0x100: {  	_ =	swait.ge [sflag:s12], $0x2000  }
0x101: {  	[sflag:s12] =	ssyncset.done $0x0  }
0x102: {  	[sflag:s12] =	ssyncadd.s32 $0xFFFFE000  }
0x103: {  	_ =	swait.ge [sflag:s26], $0x2000  }
0x104: {  	[sflag:s26] =	ssyncset.done $0x0  }
0x105: {  	[sflag:s26] =	ssyncadd.s32 $0xFFFFE000  }
0x106: {  	[spmem:s2] =	stream.indirect.scatter.add.f32 [tilespmem:s21], [sflag:$0x5], $0x40, s31, s17, $0xb8;
	[tilespmem:$0x19600] =	vst v63  }
0x107: {  	_ =	swait.ge [sflag:s12], $0x2000  }
0x108: {  	[sflag:s12] =	ssyncset.done $0x0  }
0x109: {  	[sflag:s12] =	ssyncadd.s32 $0xFFFFE000  }
0x10a: {  	_ =	swait.ge [sflag:s28], $0x2000  }
0x10b: {  	[sflag:s28] =	ssyncset.done $0x0  }
0x10c: {  	[sflag:s28] =	ssyncadd.s32 $0xFFFFE000  }
0x10d: {  	[spmem:s2] =	stream.indirect.scatter.add.f32 [tilespmem:s23], [sflag:$0x5], $0x40, s0, s17, $0xb8;
	[tilespmem:$0x19600] =	vst v63  }
0x10e: {  	_ =	swait.ge [sflag:s12], $0x2000  }
0x10f: {  	s1 =	sadd.s32 $0x1, s1;
	[sflag:s12] =	ssyncset.done $0x0  }
0x110: {  	p0 =	sne.s32 s1, s11;
	[sflag:s12] =	ssyncadd.s32 $0xFFFFE000  }
.Ltmp4:
0x111: {  	[bflag:$0x0] =	sbarrier.arrive $0xFFFF;
	(pc) =	sbr.rel @p0 .LBB2_1-.Ltmp4, $4  }
0x112: {  	[hbm:s10], [sflag:s15] =	dma.local [spmem:s16], $0x13C0  }
0x113: {  	_ =	swait.ge [sflag:s12], $0x13C0  }
0x114: {  	[sflag:s12] =	ssyncset.done $0x0  }
0x115: {  	[sflag:s12] =	ssyncadd.s32 $0xFFFFEC40  }
0x116: {  	_ =	sfence.sel $0x180000  }
0x117: {  	[bflag:$0x0] =	sbarrier.arrive $0xFFFF  }
0x118: {  	_ =	strace $0x90000047  }
0x119: {  	s0 =	stileid.u32;
	[bflag:$0x2] =	sbarrier.arrive $0xFFFF  }
0x11a: {  	p0 =	sne.s32 s0, $0x0;
	s0 =	rddreg [dreg:$0x2]  }
0x11b: {  	s0 =	sadd.s32 @!p0 $0x100000, s0  }
0x11c: {  	[sflag:s0] =	ssyncadd.tile.s32 @!p0 $0x1;
	_ =	shalt  }
.Lfunc_end2:
_tile_overlayer_lowered:
.L_overlay_start_2:
0x11d: {  	(tag) =	ssettag $0x2  }
0x11e: {  	s0 =	rddreg [dreg:$0x0];
	s2 =	stileid.u32  }
0x11f: {  	s1 =	rddreg [dreg:$0x1];
	p0 =	sne.s32 s2, $0x0  }
0x120: {  	s3 =	rddreg [dreg:$0x2];
	[bflag:$0x3] =	sbarrier.arrive $0xFFFF;
	s2 =	simm.s32 @!p0 $0x1C05  }
0x121: {  	[timem:s3], [sflag:s2] =	dma.local @!p0 [hbm:s0], s1  }
0x122: {  	s0 =	simm.s32 @!p0 $0x5  }
0x123: {  	_ =	swait.ge @!p0 [sflag:s0], s1  }
0x124: {  	s1 =	ssub.s32 @!p0 $0x0, s1;
	[sflag:s0] =	ssyncset.done @!p0 $0x0  }
0x125: {  	[sflag:s0] =	ssyncadd.s32 @!p0 s1  }
0x126: {  	[bflag:$0x3] =	sbarrier.arrive $0xFFFF  }
0x127: {  	_ =	shalt  }

</sc_bundles>
